<compile_context>
chip_gen: v7x
topology: tpu7x:2x2x1
jax: 0.10.2.dev20260603
libtpu: 0.0.44.dev20260713+nightly
codegen_flags: <defaults>
</compile_context>

<pallas_src>
import functools

import jax
import jax.numpy as jnp
from jax import lax
from jax.experimental import pallas as pl
from jax.experimental.pallas import tpu as pltpu
from jax.experimental.pallas import tpu_sc as plsc

NC = 2
NS = 16
NW = NC * NS
CHUNK = 128


def _ceil_div(a, b):
    return (a + b - 1) // b


def _sc_mesh():
    return plsc.VectorSubcoreMesh(core_axis_name="c", subcore_axis_name="s")


def _sc_params():
    return pltpu.CompilerParams(use_tc_tiling_on_sc=False)


@functools.lru_cache(maxsize=None)
def _deg_fn(N, E):
    assert E % NW == 0 and N % NS == 0
    epw = E // NW
    full = epw // CHUNK
    tail = epw % CHUNK
    nb = full // 3
    rem = full % 3
    stripe = (N // NS) & ~7
    last = N - (NS - 1) * stripe
    zlen = (last + 15) & ~15

    def body(ei_hbm, out_hbm, idx_v, ones_v, zero_v, acc_sh, sem_s):
        cid = lax.axis_index("c")
        sid = lax.axis_index("s")
        wid = cid * NS + sid

        @pl.loop(0, CHUNK, step=16)
        def _fill(i):
            ones_v[pl.ds(i, 16)] = jnp.ones((16,), jnp.float32)

        @pl.loop(0, zlen, step=16)
        def _zfill(i):
            zero_v[pl.ds(i, 16)] = jnp.zeros((16,), jnp.float32)

        @pl.when(sid < NS - 1)
        def _():
            pltpu.sync_copy(zero_v.at[pl.ds(0, stripe)],
                            acc_sh.at[pl.ds(sid * stripe, stripe)])

        @pl.when(sid == NS - 1)
        def _():
            pltpu.sync_copy(zero_v.at[pl.ds(0, last)],
                            acc_sh.at[pl.ds(sid * stripe, last)])

        pltpu.sync_copy(ei_hbm.at[1, pl.ds(wid * epw, epw)], idx_v.at[0])
        plsc.subcore_barrier()

        def fire(j):
            pltpu.async_copy(
                ones_v, acc_sh.at[idx_v.at[0, pl.ds(j * CHUNK, CHUNK)]],
                sem_s, add=True)

        def drain(j):
            pltpu.make_async_copy(
                ones_v, acc_sh.at[idx_v.at[0, pl.ds(j * CHUNK, CHUNK)]],
                sem_s).wait()

        @pl.loop(0, nb)
        def _edges(t):
            j = t * 3
            fire(j)
            fire(j + 1)
            fire(j + 2)

            @pl.when(t >= 1)
            def _():
                drain(j - 3)
                drain(j - 2)
                drain(j - 1)

        if nb > 0:
            drain(nb * 3 - 3)
            drain(nb * 3 - 2)
            drain(nb * 3 - 1)
        for u in range(rem):
            j = nb * 3 + u
            pltpu.sync_copy(
                ones_v, acc_sh.at[idx_v.at[0, pl.ds(j * CHUNK, CHUNK)]],
                add=True)
        if tail:
            pltpu.sync_copy(
                ones_v.at[pl.ds(0, tail)],
                acc_sh.at[idx_v.at[0, pl.ds(full * CHUNK, tail)]],
                add=True)

        plsc.subcore_barrier()

        @pl.when(sid < NS - 1)
        def _():
            pltpu.sync_copy(acc_sh.at[pl.ds(sid * stripe, stripe)],
                            out_hbm.at[cid, pl.ds(sid * stripe, stripe)])

        @pl.when(sid == NS - 1)
        def _():
            pltpu.sync_copy(acc_sh.at[pl.ds(sid * stripe, last)],
                            out_hbm.at[cid, pl.ds(sid * stripe, last)])

    return pl.kernel(
        body,
        out_type=jax.ShapeDtypeStruct((NC, N), jnp.float32),
        mesh=_sc_mesh(),
        compiler_params=_sc_params(),
        scratch_types=[
            pltpu.VMEM((1, epw), jnp.int32),
            pltpu.VMEM((CHUNK,), jnp.float32),
            pltpu.VMEM((zlen,), jnp.float32),
            pltpu.VMEM_SHARED((N,), jnp.float32),
            pltpu.SemaphoreType.DMA,
        ],
    )


@functools.lru_cache(maxsize=None)
def _agg_fn(N, E, F):
    assert E % NW == 0 and N % NS == 0 and F % 8 == 0
    epw = E // NW
    full = epw // CHUNK
    tail = epw % CHUNK
    nb = full // 4
    rem = full % 4
    loopn = nb * 4
    rpw = N // NS
    nz = _ceil_div(rpw, CHUNK)
    assert rpw % nz == 0
    zb = rpw // nz

    def body(src_hbm, ei_hbm, out_hbm, idx_v, rows_v, acc_sh,
             sg0, sg1, sg2, sg3, ss0, ss1, ss2, ss3):
        cid = lax.axis_index("c")
        sid = lax.axis_index("s")
        wid = cid * NS + sid
        sem_g = (sg0, sg1, sg2, sg3)
        sem_s = (ss0, ss1, ss2, ss3)

        pltpu.async_copy(ei_hbm.at[:, pl.ds(wid * epw, epw)], idx_v, sg0)

        zoffs = list(range(0, F - 15, 16))
        if F % 16:
            zoffs.append(F - 16)

        @pl.loop(0, CHUNK)
        def _fill(i):
            for j in zoffs:
                rows_v[0, i, pl.ds(j, 16)] = jnp.zeros((16,), jnp.float32)

        @pl.loop(0, nz)
        def _zero(k):
            pltpu.sync_copy(rows_v.at[0, pl.ds(0, zb)],
                            acc_sh.at[pl.ds(sid * rpw + k * zb, zb)])

        pltpu.make_async_copy(ei_hbm.at[:, pl.ds(wid * epw, epw)], idx_v,
                              sg0).wait()
        plsc.subcore_barrier()

        def gidx(j):
            return idx_v.at[0, pl.ds(j * CHUNK, CHUNK)]

        def sidx(j):
            return idx_v.at[1, pl.ds(j * CHUNK, CHUNK)]

        def fire_g(j, b):
            pltpu.async_copy(src_hbm.at[gidx(j)], rows_v.at[b], sem_g[b])

        def wait_g(j, b):
            pltpu.make_async_copy(src_hbm.at[gidx(j)], rows_v.at[b],
                                  sem_g[b]).wait()

        def fire_s(j, b):
            pltpu.async_copy(rows_v.at[b], acc_sh.at[sidx(j)], sem_s[b],
                             add=True)

        def wait_s(j, b):
            pltpu.make_async_copy(rows_v.at[b], acc_sh.at[sidx(j)],
                                  sem_s[b]).wait()

        if loopn > 0:
            fire_g(0, 0)
        if loopn > 1:
            fire_g(1, 1)

        @pl.loop(0, nb)
        def _edges(t):
            for u in range(4):
                j = t * 4 + u
                nx2 = (u + 2) % 4

                if u < 2:
                    @pl.when(j >= 2)
                    def _():
                        wait_s(j - 2, nx2)
                else:
                    wait_s(j - 2, nx2)

                if (loopn - 4 + u) + 2 < loopn:
                    fire_g(j + 2, nx2)
                else:
                    @pl.when(j + 2 < loopn)
                    def _():
                        fire_g(j + 2, nx2)
                wait_g(j, u)
                fire_s(j, u)

        if loopn > 1:
            wait_s(loopn - 2, (loopn - 2) % 4)
        if loopn > 0:
            wait_s(loopn - 1, (loopn - 1) % 4)
        for u in range(rem):
            j = loopn + u
            pltpu.sync_copy(src_hbm.at[gidx(j)], rows_v.at[0])
            pltpu.sync_copy(rows_v.at[0], acc_sh.at[sidx(j)], add=True)
        if tail:
            pltpu.sync_copy(
                src_hbm.at[idx_v.at[0, pl.ds(full * CHUNK, tail)]],
                rows_v.at[0, pl.ds(0, tail)])
            pltpu.sync_copy(
                rows_v.at[0, pl.ds(0, tail)],
                acc_sh.at[idx_v.at[1, pl.ds(full * CHUNK, tail)]],
                add=True)

        plsc.subcore_barrier()
        pltpu.sync_copy(acc_sh.at[pl.ds(sid * rpw, rpw)],
                        out_hbm.at[cid, pl.ds(sid * rpw, rpw)])

    return pl.kernel(
        body,
        out_type=jax.ShapeDtypeStruct((NC, N, F), jnp.float32),
        mesh=_sc_mesh(),
        compiler_params=_sc_params(),
        scratch_types=[
            pltpu.VMEM((2, epw), jnp.int32),
            pltpu.VMEM((4, CHUNK, F), jnp.float32),
            pltpu.VMEM_SHARED((N, F), jnp.float32),
            pltpu.SemaphoreType.DMA,
            pltpu.SemaphoreType.DMA,
            pltpu.SemaphoreType.DMA,
            pltpu.SemaphoreType.DMA,
            pltpu.SemaphoreType.DMA,
            pltpu.SemaphoreType.DMA,
            pltpu.SemaphoreType.DMA,
            pltpu.SemaphoreType.DMA,
        ],
    )


def _dinv(degp_ref):
    d = degp_ref[:, 0:1] + degp_ref[:, 1:2] + 1.0
    return lax.rsqrt(d)


def _matmul_t(a, w_ref):
    return lax.dot_general(
        a, w_ref[...], dimension_numbers=(((1,), (1,)), ((), ())),
        preferred_element_type=jnp.float32, precision=lax.Precision.DEFAULT)


def _tc_mm1(x, W1, bn):
    N, D = x.shape
    H = W1.shape[0]

    def body(x_ref, w1_ref, o_ref):
        o_ref[...] = _matmul_t(x_ref[...], w1_ref)

    grid = (N // bn,)
    return pl.pallas_call(
        body,
        grid=grid,
        in_specs=[
            pl.BlockSpec((bn, D), lambda i: (i, 0)),
            pl.BlockSpec((H, D), lambda i: (0, 0)),
        ],
        out_specs=pl.BlockSpec((bn, H), lambda i: (i, 0)),
        out_shape=jax.ShapeDtypeStruct((N, H), jnp.float32),
    )(x, W1)


def _tc_scale(xw1, degt, bn):
    N, H = xw1.shape

    def body(xw_ref, degp_ref, o_ref):
        o_ref[...] = xw_ref[...] * _dinv(degp_ref)

    grid = (N // bn,)
    return pl.pallas_call(
        body,
        grid=grid,
        in_specs=[
            pl.BlockSpec((bn, H), lambda i: (i, 0)),
            pl.BlockSpec((bn, 2), lambda i: (i, 0)),
        ],
        out_specs=pl.BlockSpec((bn, H), lambda i: (i, 0)),
        out_shape=jax.ShapeDtypeStruct((N, H), jnp.float32),
    )(xw1, degt)


def _tc_mid(agg1, xs1, degt, W2, b1, bn, Fp):
    _, N, H = agg1.shape
    C = W2.shape[0]

    def body(a_ref, xs1_ref, degp_ref, w2_ref, b1_ref, o_ref):
        dinv = _dinv(degp_ref)
        s = a_ref[0] + a_ref[1] + xs1_ref[...]
        h = jnp.maximum(dinv * s + b1_ref[...], 0.0)
        xs2 = _matmul_t(h, w2_ref) * dinv
        if Fp > C:
            xs2 = jnp.concatenate(
                [xs2, jnp.zeros((xs2.shape[0], Fp - C), jnp.float32)], axis=1)
        o_ref[...] = xs2

    grid = (N // bn,)
    return pl.pallas_call(
        body,
        grid=grid,
        in_specs=[
            pl.BlockSpec((NC, bn, H), lambda i: (0, i, 0)),
            pl.BlockSpec((bn, H), lambda i: (i, 0)),
            pl.BlockSpec((bn, 2), lambda i: (i, 0)),
            pl.BlockSpec((C, H), lambda i: (0, 0)),
            pl.BlockSpec((1, H), lambda i: (0, 0)),
        ],
        out_specs=pl.BlockSpec((bn, Fp), lambda i: (i, 0)),
        out_shape=jax.ShapeDtypeStruct((N, Fp), jnp.float32),
        compiler_params=pltpu.CompilerParams(
            allow_input_fusion=[True, True, True, True, True]),
    )(agg1, xs1, degt, W2, b1)


def _tc_final(agg2, xs2, degt, b2, bn):
    _, N, Fp = agg2.shape
    C = b2.shape[1]

    def body(a_ref, xs2_ref, degp_ref, b2_ref, o_ref):
        dinv = _dinv(degp_ref)
        s = a_ref[0] + a_ref[1] + xs2_ref[...]
        o_ref[...] = dinv * s[:, 0:C] + b2_ref[...]

    grid = (N // bn,)
    return pl.pallas_call(
        body,
        grid=grid,
        in_specs=[
            pl.BlockSpec((NC, bn, Fp), lambda i: (0, i, 0)),
            pl.BlockSpec((bn, Fp), lambda i: (i, 0)),
            pl.BlockSpec((bn, 2), lambda i: (i, 0)),
            pl.BlockSpec((1, C), lambda i: (0, 0)),
        ],
        out_specs=pl.BlockSpec((bn, C), lambda i: (i, 0)),
        out_shape=jax.ShapeDtypeStruct((N, C), jnp.float32),
        compiler_params=pltpu.CompilerParams(
            allow_input_fusion=[True, True, True, True]),
    )(agg2, xs2, degt, b2)


def kernel(x, edge_index, W1, b1, W2, b2):
    N, D = x.shape
    H = W1.shape[0]
    C = W2.shape[0]
    E = edge_index.shape[1]
    Fp = _ceil_div(C, 8) * 8
    bn = 2000

    xw1 = _tc_mm1(x, W1, bn)
    degp = _deg_fn(N, E)(edge_index)
    degt = degp.T
    xs1 = _tc_scale(xw1, degt, bn)
    agg1 = _agg_fn(N, E, H)(xs1, edge_index)
    xs2 = _tc_mid(agg1, xs1, degt, W2, b1.reshape(1, H), bn, Fp)
    agg2 = _agg_fn(N, E, Fp)(xs2, edge_index)
    out = _tc_final(agg2, xs2, degt, b2.reshape(1, C), bn)
    return out

# --- scband reference (transcript-rebuilt; emitter-appended) ---
"""Pipeline reference for scband-net-58729382805610 (READ-ONLY COPY).

The authoritative reference and input builder live on the scoring server;
editing this copy changes nothing except your own understanding.
"""

import jax, jax.numpy as jnp
import numpy as np

N = 10000
E = 320000
D = 128
H = 64
C = 40


def setup_inputs(seed: int = 0) -> dict:
    key = jax.random.key(seed)
    k1, k2, k3, k4, k5, k6 = jax.random.split(key, 6)
    x = jax.random.normal(k1, (N, D), dtype=jnp.float32)
    edge_index = jax.random.randint(k2, (2, E), 0, N, dtype=jnp.int32)
    # glorot-initialized weights (GCNConv.lin uses weight_initializer='glorot', bias in conv is zeros-init)
    s1 = np.sqrt(6.0 / (D + H)).astype(np.float32)
    W1 = jax.random.uniform(k3, (H, D), dtype=jnp.float32, minval=-s1, maxval=s1)
    b1 = jnp.zeros((H,), dtype=jnp.float32)
    s2 = np.sqrt(6.0 / (H + C)).astype(np.float32)
    W2 = jax.random.uniform(k4, (C, H), dtype=jnp.float32, minval=-s2, maxval=s2)
    b2 = jnp.zeros((C,), dtype=jnp.float32)
    return {"x": x, "edge_index": edge_index, "W1": W1, "b1": b1, "W2": W2, "b2": b2}


def _gcn_conv(x, edge_index, W, b, num_nodes):
    # gcn_norm with add_self_loops=True, improved=False, flow='source_to_target'
    row = edge_index[0]
    col = edge_index[1]
    loop = jnp.arange(num_nodes, dtype=row.dtype)
    r = jnp.concatenate([row, loop])
    c = jnp.concatenate([col, loop])
    ew = jnp.ones((r.shape[0],), dtype=x.dtype)
    deg = jnp.zeros((num_nodes,), dtype=x.dtype).at[c].add(ew)
    deg_inv_sqrt = jnp.where(deg > 0, jax.lax.rsqrt(deg), jnp.zeros_like(deg))
    norm = deg_inv_sqrt[r] * ew * deg_inv_sqrt[c]
    # x = self.lin(x)
    xw = x @ W.T
    # propagate: message = norm * x_j (gather from source row), aggr='add' at target col
    msg = norm[:, None] * jnp.take(xw, r, axis=0)
    out = jnp.zeros((num_nodes, W.shape[0]), dtype=x.dtype).at[c].add(msg)
    return out + b


def reference(x, edge_index, W1, b1, W2, b2):
    h = jax.nn.relu(_gcn_conv(x, edge_index, W1, b1, N))
    # F.dropout at inference -> identity
    out = _gcn_conv(h, edge_index, W2, b2, N)
    return out

if __name__ == "__main__":
    import jax
    _d = setup_inputs()
    print(jax.jit(kernel)(*tuple(_d.values())))

</pallas_src>

<mosaic_0001>
#map = affine_map<(d0, d1) -> (0, 0)>
#map1 = affine_map<(d0, d1) -> (0, 0, 0)>
module attributes {stable_mosaic.version = 14 : i64} {
  func.func @body(%arg0: i32, %arg1: i32, %arg2: memref<10000x64xf32, #tpu.memory_space<hbm>>, %arg3: memref<2x320000xi32, #tpu.memory_space<hbm>>, %arg4: memref<2x10000x64xf32, #tpu.memory_space<hbm>>, %arg5: memref<2x10000xi32, #tpu.memory_space<vmem>>, %arg6: memref<4x128x64xf32, #tpu.memory_space<vmem>>, %arg7: memref<10000x64xf32, #tpu.memory_space<vmem_shared>>, %arg8: memref<!tpu.dma_semaphore, #tpu.memory_space<semaphore_mem>>, %arg9: memref<!tpu.dma_semaphore, #tpu.memory_space<semaphore_mem>>, %arg10: memref<!tpu.dma_semaphore, #tpu.memory_space<semaphore_mem>>, %arg11: memref<!tpu.dma_semaphore, #tpu.memory_space<semaphore_mem>>, %arg12: memref<!tpu.dma_semaphore, #tpu.memory_space<semaphore_mem>>, %arg13: memref<!tpu.dma_semaphore, #tpu.memory_space<semaphore_mem>>, %arg14: memref<!tpu.dma_semaphore, #tpu.memory_space<semaphore_mem>>, %arg15: memref<!tpu.dma_semaphore, #tpu.memory_space<semaphore_mem>>) attributes {dimension_semantics = [#tpu.dimension_semantics<core_parallel>, #tpu.dimension_semantics<subcore_parallel>], iteration_bounds = array<i64: 2, 16>, scalar_prefetch = 0 : i64, scratch_operands = 11 : i64, tpu.core_type = #tpu.core_type<sc_vector_subcore>, window_params = [{transform_indices = #map}, {transform_indices = #map}, {transform_indices = #map1}]} {
    %mul3A = arith.constant 16 : i32
    %mul3A_0 = arith.muli %arg0, %mul3A : i32
    %add3A = arith.addi %mul3A_0, %arg1 : i32
    %mul3A_1 = arith.constant 10000 : i32
    %mul3A_2 = arith.muli %add3A, %mul3A_1 : i32
    %dma_start3A = arith.constant 0 : i32
    %dma_start3A_3 = tpu.memref_slice %arg3[%dma_start3A, %mul3A_2] : memref<2x320000xi32, #tpu.memory_space<hbm>> -> memref<2x10000xi32, #tpu.memory_space<hbm>>
    %dma_start3A_4 = arith.constant 0 : i32
    %dma_start3A_5 = tpu.memref_slice %arg3[%dma_start3A_4, %mul3A_2] : memref<2x320000xi32, #tpu.memory_space<hbm>> -> memref<2x10000xi32, #tpu.memory_space<hbm>>
    tpu.enqueue_dma source(%dma_start3A_5 : memref<2x10000xi32, #tpu.memory_space<hbm>>) target(%arg5 : memref<2x10000xi32, #tpu.memory_space<vmem>>) target_semaphore(%arg8 : memref<!tpu.dma_semaphore, #tpu.memory_space<semaphore_mem>>)
    %scan3A = arith.constant 0 : i32
    %scan3A_6 = arith.constant 128 : i32
    %scan3A_7 = arith.addi %scan3A, %scan3A_6 : i32
    %scan3A_8 = arith.constant 1 : i32
    scf.for %scan3A_89 = %scan3A to %scan3A_7 step %scan3A_8  : i32 {
      %mul3A_90 = arith.constant 1 : i32
      %mul3A_91 = arith.muli %scan3A_89, %mul3A_90 : i32
      %add3A_92 = arith.constant 0 : i32
      %add3A_93 = arith.addi %add3A_92, %mul3A_91 : i32
      %broadcast_in_dim3A = arith.constant 0.000000e+00 : f32
      %broadcast_in_dim3A_94 = vector.broadcast %broadcast_in_dim3A : f32 to vector<16xf32>
      %swap3A = arith.constant 0 : i32
      %swap3A_95 = arith.index_cast %swap3A : i32 to index
      %swap3A_96 = arith.index_cast %add3A_93 : i32 to index
      %swap3A_97 = arith.constant 0 : index
      %swap3A_98 = tpu.vector_load %arg6[%swap3A_95, %swap3A_96, %swap3A_97] {strides = array<i32>} : memref<4x128x64xf32, #tpu.memory_space<vmem>>, vector<1x1x16xf32>,
      %swap3A_99 = vector.shape_cast %swap3A_98 : vector<1x1x16xf32> to vector<16xf32>
      %swap3A_100 = vector.shape_cast %broadcast_in_dim3A_94 : vector<16xf32> to vector<1x1x16xf32>
      tpu.vector_store %arg6[%swap3A_95, %swap3A_96, %swap3A_97], %swap3A_100 {strides = array<i32>} : memref<4x128x64xf32, #tpu.memory_space<vmem>>, vector<1x1x16xf32>,
      %broadcast_in_dim3A_101 = arith.constant 0.000000e+00 : f32
      %broadcast_in_dim3A_102 = vector.broadcast %broadcast_in_dim3A_101 : f32 to vector<16xf32>
      %swap3A_103 = arith.constant 0 : i32
      %swap3A_104 = arith.index_cast %swap3A_103 : i32 to index
      %swap3A_105 = arith.index_cast %add3A_93 : i32 to index
      %swap3A_106 = arith.constant 16 : index
      %swap3A_107 = tpu.vector_load %arg6[%swap3A_104, %swap3A_105, %swap3A_106] {strides = array<i32>} : memref<4x128x64xf32, #tpu.memory_space<vmem>>, vector<1x1x16xf32>,
      %swap3A_108 = vector.shape_cast %swap3A_107 : vector<1x1x16xf32> to vector<16xf32>
      %swap3A_109 = vector.shape_cast %broadcast_in_dim3A_102 : vector<16xf32> to vector<1x1x16xf32>
      tpu.vector_store %arg6[%swap3A_104, %swap3A_105, %swap3A_106], %swap3A_109 {strides = array<i32>} : memref<4x128x64xf32, #tpu.memory_space<vmem>>, vector<1x1x16xf32>,
      %broadcast_in_dim3A_110 = arith.constant 0.000000e+00 : f32
      %broadcast_in_dim3A_111 = vector.broadcast %broadcast_in_dim3A_110 : f32 to vector<16xf32>
      %swap3A_112 = arith.constant 0 : i32
      %swap3A_113 = arith.index_cast %swap3A_112 : i32 to index
      %swap3A_114 = arith.index_cast %add3A_93 : i32 to index
      %swap3A_115 = arith.constant 32 : index
      %swap3A_116 = tpu.vector_load %arg6[%swap3A_113, %swap3A_114, %swap3A_115] {strides = array<i32>} : memref<4x128x64xf32, #tpu.memory_space<vmem>>, vector<1x1x16xf32>,
      %swap3A_117 = vector.shape_cast %swap3A_116 : vector<1x1x16xf32> to vector<16xf32>
      %swap3A_118 = vector.shape_cast %broadcast_in_dim3A_111 : vector<16xf32> to vector<1x1x16xf32>
      tpu.vector_store %arg6[%swap3A_113, %swap3A_114, %swap3A_115], %swap3A_118 {strides = array<i32>} : memref<4x128x64xf32, #tpu.memory_space<vmem>>, vector<1x1x16xf32>,
      %broadcast_in_dim3A_119 = arith.constant 0.000000e+00 : f32
      %broadcast_in_dim3A_120 = vector.broadcast %broadcast_in_dim3A_119 : f32 to vector<16xf32>
      %swap3A_121 = arith.constant 0 : i32
      %swap3A_122 = arith.index_cast %swap3A_121 : i32 to index
      %swap3A_123 = arith.index_cast %add3A_93 : i32 to index
      %swap3A_124 = arith.constant 48 : index
      %swap3A_125 = tpu.vector_load %arg6[%swap3A_122, %swap3A_123, %swap3A_124] {strides = array<i32>} : memref<4x128x64xf32, #tpu.memory_space<vmem>>, vector<1x1x16xf32>,
      %swap3A_126 = vector.shape_cast %swap3A_125 : vector<1x1x16xf32> to vector<16xf32>
      %swap3A_127 = vector.shape_cast %broadcast_in_dim3A_120 : vector<16xf32> to vector<1x1x16xf32>
      tpu.vector_store %arg6[%swap3A_122, %swap3A_123, %swap3A_124], %swap3A_127 {strides = array<i32>} : memref<4x128x64xf32, #tpu.memory_space<vmem>>, vector<1x1x16xf32>,
    }
    %scan3A_9 = arith.constant 128 : i32
    %scan3A_10 = arith.constant 0 : i32
    %scan3A_11 = arith.constant 5 : i32
    %scan3A_12 = arith.addi %scan3A_10, %scan3A_11 : i32
    %scan3A_13 = arith.constant 1 : i32
    scf.for %scan3A_89 = %scan3A_10 to %scan3A_12 step %scan3A_13  : i32 {
      %mul3A_90 = arith.constant 1 : i32
      %mul3A_91 = arith.muli %scan3A_89, %mul3A_90 : i32
      %add3A_92 = arith.constant 0 : i32
      %add3A_93 = arith.addi %add3A_92, %mul3A_91 : i32
      %mul3A_94 = arith.constant 625 : i32
      %mul3A_95 = arith.muli %arg1, %mul3A_94 : i32
      %mul3A_96 = arith.constant 125 : i32
      %mul3A_97 = arith.muli %add3A_93, %mul3A_96 : i32
      %add3A_98 = arith.addi %mul3A_95, %mul3A_97 : i32
      %run_scoped3A_99 = arith.constant 0 : i32
      "tpu.region"() ({
        %run_scoped3A_100 = tpu.sem_alloc : memref<!tpu.dma_semaphore, #tpu.memory_space<semaphore_mem>>
        %dma_start3A_101 = arith.constant 0 : i32
        %dma_start3A_102 = arith.constant 0 : i32
        %dma_start3A_103 = tpu.memref_slice %arg6[%run_scoped3A_99, %dma_start3A_101, %dma_start3A_102] : memref<4x128x64xf32, #tpu.memory_space<vmem>> -> memref<1x125x64xf32, #tpu.memory_space<vmem>>
        %dma_start3A_104 = tpu.memref_squeeze %dma_start3A_103 : memref<1x125x64xf32, #tpu.memory_space<vmem>> -> memref<125x64xf32, #tpu.memory_space<vmem>>
        %dma_start3A_105 = arith.constant 0 : i32
        %dma_start3A_106 = tpu.memref_slice %arg7[%add3A_98, %dma_start3A_105] : memref<10000x64xf32, #tpu.memory_space<vmem_shared>> -> memref<125x64xf32, #tpu.memory_space<vmem_shared>>
        %dma_start3A_107 = arith.constant 0 : i32
        %dma_start3A_108 = tpu.memref_slice %arg7[%add3A_98, %dma_start3A_107] : memref<10000x64xf32, #tpu.memory_space<vmem_shared>> -> memref<125x64xf32, #tpu.memory_space<vmem_shared>>
        %dma_start3A_109 = arith.constant 0 : i32
        %dma_start3A_110 = arith.constant 0 : i32
        %dma_start3A_111 = tpu.memref_slice %arg6[%run_scoped3A_99, %dma_start3A_109, %dma_start3A_110] : memref<4x128x64xf32, #tpu.memory_space<vmem>> -> memref<1x125x64xf32, #tpu.memory_space<vmem>>
        %dma_start3A_112 = tpu.memref_squeeze %dma_start3A_111 : memref<1x125x64xf32, #tpu.memory_space<vmem>> -> memref<125x64xf32, #tpu.memory_space<vmem>>
        tpu.enqueue_dma source(%dma_start3A_112 : memref<125x64xf32, #tpu.memory_space<vmem>>) target(%dma_start3A_108 : memref<125x64xf32, #tpu.memory_space<vmem_shared>>) target_semaphore(%run_scoped3A_100 : memref<!tpu.dma_semaphore, #tpu.memory_space<semaphore_mem>>)
        %dma_wait3A_113 = arith.constant 0 : i32
        %dma_wait3A_114 = arith.constant 0 : i32
        %dma_wait3A_115 = tpu.memref_slice %arg6[%run_scoped3A_99, %dma_wait3A_113, %dma_wait3A_114] : memref<4x128x64xf32, #tpu.memory_space<vmem>> -> memref<1x125x64xf32, #tpu.memory_space<vmem>>
        %dma_wait3A_116 = tpu.memref_squeeze %dma_wait3A_115 : memref<1x125x64xf32, #tpu.memory_space<vmem>> -> memref<125x64xf32, #tpu.memory_space<vmem>>
        %dma_wait3A_117 = arith.constant 0 : i32
        %dma_wait3A_118 = tpu.memref_slice %arg7[%add3A_98, %dma_wait3A_117] : memref<10000x64xf32, #tpu.memory_space<vmem_shared>> -> memref<125x64xf32, #tpu.memory_space<vmem_shared>>
        %dma_wait3A_119 = arith.constant 0 : i32
        %dma_wait3A_120 = tpu.memref_slice %arg7[%add3A_98, %dma_wait3A_119] : memref<10000x64xf32, #tpu.memory_space<vmem_shared>> -> memref<125x64xf32, #tpu.memory_space<vmem_shared>>
        %dma_wait3A_121 = arith.constant 0 : i32
        %dma_wait3A_122 = arith.constant 0 : i32
        %dma_wait3A_123 = tpu.memref_slice %arg6[%run_scoped3A_99, %dma_wait3A_121, %dma_wait3A_122] : memref<4x128x64xf32, #tpu.memory_space<vmem>> -> memref<1x125x64xf32, #tpu.memory_space<vmem>>
        %dma_wait3A_124 = tpu.memref_squeeze %dma_wait3A_123 : memref<1x125x64xf32, #tpu.memory_space<vmem>> -> memref<125x64xf32, #tpu.memory_space<vmem>>
        tpu.wait_dma2 semaphore(%run_scoped3A_100 : memref<!tpu.dma_semaphore, #tpu.memory_space<semaphore_mem>>) src(%dma_wait3A_124 : memref<125x64xf32, #tpu.memory_space<vmem>>) dst(%dma_wait3A_120 : memref<125x64xf32, #tpu.memory_space<vmem_shared>>)
        tpu.yield
      }) : () -> ()
    }
    %scan3A_14 = arith.constant 5 : i32
    %mul3A_15 = arith.constant 10000 : i32
    %mul3A_16 = arith.muli %add3A, %mul3A_15 : i32
    %dma_wait3A = arith.constant 0 : i32
    %dma_wait3A_17 = tpu.memref_slice %arg3[%dma_wait3A, %mul3A_16] : memref<2x320000xi32, #tpu.memory_space<hbm>> -> memref<2x10000xi32, #tpu.memory_space<hbm>>
    %dma_wait3A_18 = arith.constant 0 : i32
    %dma_wait3A_19 = tpu.memref_slice %arg3[%dma_wait3A_18, %mul3A_16] : memref<2x320000xi32, #tpu.memory_space<hbm>> -> memref<2x10000xi32, #tpu.memory_space<hbm>>
    tpu.wait_dma2 semaphore(%arg8 : memref<!tpu.dma_semaphore, #tpu.memory_space<semaphore_mem>>) src(%dma_wait3A_19 : memref<2x10000xi32, #tpu.memory_space<hbm>>) dst(%arg5 : memref<2x10000xi32, #tpu.memory_space<vmem>>)
    %barrier3A = arith.constant 0 : index
    tpu.barrier barrier_id(%barrier3A)
    %dma_start3A_20 = arith.constant 0 : i32
    %dma_start3A_21 = arith.constant 0 : i32
    %dma_start3A_22 = arith.constant 0 : i32
    %dma_start3A_23 = arith.constant 0 : i32
    %dma_start3A_24 = tpu.memref_slice %arg6[%dma_start3A_21, %dma_start3A_22, %dma_start3A_23] : memref<4x128x64xf32, #tpu.memory_space<vmem>> -> memref<1x128x64xf32, #tpu.memory_space<vmem>>
    %dma_start3A_25 = tpu.memref_squeeze %dma_start3A_24 : memref<1x128x64xf32, #tpu.memory_space<vmem>> -> memref<128x64xf32, #tpu.memory_space<vmem>>
    %dma_start3A_26 = arith.constant 0 : i32
    %dma_start3A_27 = tpu.memref_slice %arg5[%dma_start3A_20, %dma_start3A_26] : memref<2x10000xi32, #tpu.memory_space<vmem>> -> memref<1x128xi32, #tpu.memory_space<vmem>>
    %dma_start3A_28 = tpu.memref_squeeze %dma_start3A_27 : memref<1x128xi32, #tpu.memory_space<vmem>> -> memref<128xi32, #tpu.memory_space<vmem>>
    %dma_start3A_29 = arith.constant 0 : i32
    %dma_start3A_30 = arith.constant 0 : i32
    %dma_start3A_31 = tpu.memref_slice %arg2[%dma_start3A_29, %dma_start3A_30] : memref<10000x64xf32, #tpu.memory_space<hbm>> -> memref<10000x64xf32, #tpu.memory_space<hbm>>
    tpu.enqueue_indirect_dma source(%dma_start3A_31 : memref<10000x64xf32, #tpu.memory_space<hbm>>) target(%dma_start3A_25 : memref<128x64xf32, #tpu.memory_space<vmem>>) offsets(%dma_start3A_28 : memref<128xi32, #tpu.memory_space<vmem>>) semaphore(%arg8 : memref<!tpu.dma_semaphore, #tpu.memory_space<semaphore_mem>>)
    %dma_start3A_32 = arith.constant 0 : i32
    %dma_start3A_33 = arith.constant 1 : i32
    %dma_start3A_34 = arith.constant 0 : i32
    %dma_start3A_35 = arith.constant 0 : i32
    %dma_start3A_36 = tpu.memref_slice %arg6[%dma_start3A_33, %dma_start3A_34, %dma_start3A_35] : memref<4x128x64xf32, #tpu.memory_space<vmem>> -> memref<1x128x64xf32, #tpu.memory_space<vmem>>
    %dma_start3A_37 = tpu.memref_squeeze %dma_start3A_36 : memref<1x128x64xf32, #tpu.memory_space<vmem>> -> memref<128x64xf32, #tpu.memory_space<vmem>>
    %dma_start3A_38 = arith.constant 128 : i32
    %dma_start3A_39 = tpu.memref_slice %arg5[%dma_start3A_32, %dma_start3A_38] : memref<2x10000xi32, #tpu.memory_space<vmem>> -> memref<1x128xi32, #tpu.memory_space<vmem>>
    %dma_start3A_40 = tpu.memref_squeeze %dma_start3A_39 : memref<1x128xi32, #tpu.memory_space<vmem>> -> memref<128xi32, #tpu.memory_space<vmem>>
    %dma_start3A_41 = arith.constant 0 : i32
    %dma_start3A_42 = arith.constant 0 : i32
    %dma_start3A_43 = tpu.memref_slice %arg2[%dma_start3A_41, %dma_start3A_42] : memref<10000x64xf32, #tpu.memory_space<hbm>> -> memref<10000x64xf32, #tpu.memory_space<hbm>>
    tpu.enqueue_indirect_dma source(%dma_start3A_43 : memref<10000x64xf32, #tpu.memory_space<hbm>>) target(%dma_start3A_37 : memref<128x64xf32, #tpu.memory_space<vmem>>) offsets(%dma_start3A_40 : memref<128xi32, #tpu.memory_space<vmem>>) semaphore(%arg9 : memref<!tpu.dma_semaphore, #tpu.memory_space<semaphore_mem>>)
    %scan3A_44 = arith.constant 0 : i32
    %scan3A_45 = arith.constant 19 : i32
    %scan3A_46 = arith.addi %scan3A_44, %scan3A_45 : i32
    %scan3A_47 = arith.constant 1 : i32
    scf.for %scan3A_89 = %scan3A_44 to %scan3A_46 step %scan3A_47  : i32 {
      %mul3A_90 = arith.constant 1 : i32
      %mul3A_91 = arith.muli %scan3A_89, %mul3A_90 : i32
      %add3A_92 = arith.constant 0 : i32
      %add3A_93 = arith.addi %add3A_92, %mul3A_91 : i32
      %mul3A_94 = arith.constant 4 : i32
      %mul3A_95 = arith.muli %add3A_93, %mul3A_94 : i32
      %add3A_96 = arith.constant 0 : i32
      %add3A_97 = arith.addi %mul3A_95, %add3A_96 : i32
      %ge3A = arith.constant 2 : i32
      %ge3A_98 = arith.cmpi sge, %add3A_97, %ge3A : i32
      %convert_element_type3A = arith.extui %ge3A_98 : i1 to i32
      %cond3A = arith.constant 0 : i32
      %cond3A_99 = arith.cmpi ne, %convert_element_type3A, %cond3A : i32
      scf.if %cond3A_99 {
        %sub3A_293 = arith.constant 2 : i32
        %sub3A_294 = arith.subi %add3A_97, %sub3A_293 : i32
        %mul3A_295 = arith.constant 128 : i32
        %mul3A_296 = arith.muli %sub3A_294, %mul3A_295 : i32
        %dma_wait3A_297 = arith.constant 2 : i32
        %dma_wait3A_298 = arith.constant 1 : i32
        %dma_wait3A_299 = arith.constant 0 : i32
        %dma_wait3A_300 = arith.constant 0 : i32
        %dma_wait3A_301 = tpu.memref_slice %arg6[%dma_wait3A_297, %dma_wait3A_299, %dma_wait3A_300] : memref<4x128x64xf32, #tpu.memory_space<vmem>> -> memref<1x128x64xf32, #tpu.memory_space<vmem>>
        %dma_wait3A_302 = tpu.memref_squeeze %dma_wait3A_301 : memref<1x128x64xf32, #tpu.memory_space<vmem>> -> memref<128x64xf32, #tpu.memory_space<vmem>>
        %dma_wait3A_303 = tpu.memref_slice %arg5[%dma_wait3A_298, %mul3A_296] : memref<2x10000xi32, #tpu.memory_space<vmem>> -> memref<1x128xi32, #tpu.memory_space<vmem>>
        %dma_wait3A_304 = tpu.memref_squeeze %dma_wait3A_303 : memref<1x128xi32, #tpu.memory_space<vmem>> -> memref<128xi32, #tpu.memory_space<vmem>>
        %dma_wait3A_305 = arith.constant 0 : i32
        %dma_wait3A_306 = arith.constant 0 : i32
        %dma_wait3A_307 = tpu.memref_slice %arg7[%dma_wait3A_305, %dma_wait3A_306] : memref<10000x64xf32, #tpu.memory_space<vmem_shared>> -> memref<10000x64xf32, #tpu.memory_space<vmem_shared>>
        tpu.wait_indirect_dma semaphore(%arg14 : memref<!tpu.dma_semaphore, #tpu.memory_space<semaphore_mem>>) src(%dma_wait3A_302 : memref<128x64xf32, #tpu.memory_space<vmem>>) dst(%dma_wait3A_307 : memref<10000x64xf32, #tpu.memory_space<vmem_shared>>)
      } else {
      }
      %add3A_100 = arith.constant 2 : i32
      %add3A_101 = arith.addi %add3A_97, %add3A_100 : i32
      %mul3A_102 = arith.constant 128 : i32
      %mul3A_103 = arith.muli %add3A_101, %mul3A_102 : i32
      %dma_start3A_104 = arith.constant 0 : i32
      %dma_start3A_105 = arith.constant 2 : i32
      %dma_start3A_106 = arith.constant 0 : i32
      %dma_start3A_107 = arith.constant 0 : i32
      %dma_start3A_108 = tpu.memref_slice %arg6[%dma_start3A_105, %dma_start3A_106, %dma_start3A_107] : memref<4x128x64xf32, #tpu.memory_space<vmem>> -> memref<1x128x64xf32, #tpu.memory_space<vmem>>
      %dma_start3A_109 = tpu.memref_squeeze %dma_start3A_108 : memref<1x128x64xf32, #tpu.memory_space<vmem>> -> memref<128x64xf32, #tpu.memory_space<vmem>>
      %dma_start3A_110 = tpu.memref_slice %arg5[%dma_start3A_104, %mul3A_103] : memref<2x10000xi32, #tpu.memory_space<vmem>> -> memref<1x128xi32, #tpu.memory_space<vmem>>
      %dma_start3A_111 = tpu.memref_squeeze %dma_start3A_110 : memref<1x128xi32, #tpu.memory_space<vmem>> -> memref<128xi32, #tpu.memory_space<vmem>>
      %dma_start3A_112 = arith.constant 0 : i32
      %dma_start3A_113 = arith.constant 0 : i32
      %dma_start3A_114 = tpu.memref_slice %arg2[%dma_start3A_112, %dma_start3A_113] : memref<10000x64xf32, #tpu.memory_space<hbm>> -> memref<10000x64xf32, #tpu.memory_space<hbm>>
      tpu.enqueue_indirect_dma source(%dma_start3A_114 : memref<10000x64xf32, #tpu.memory_space<hbm>>) target(%dma_start3A_109 : memref<128x64xf32, #tpu.memory_space<vmem>>) offsets(%dma_start3A_111 : memref<128xi32, #tpu.memory_space<vmem>>) semaphore(%arg10 : memref<!tpu.dma_semaphore, #tpu.memory_space<semaphore_mem>>)
      %mul3A_115 = arith.constant 128 : i32
      %mul3A_116 = arith.muli %add3A_97, %mul3A_115 : i32
      %dma_wait3A_117 = arith.constant 0 : i32
      %dma_wait3A_118 = arith.constant 0 : i32
      %dma_wait3A_119 = arith.constant 0 : i32
      %dma_wait3A_120 = arith.constant 0 : i32
      %dma_wait3A_121 = tpu.memref_slice %arg6[%dma_wait3A_118, %dma_wait3A_119, %dma_wait3A_120] : memref<4x128x64xf32, #tpu.memory_space<vmem>> -> memref<1x128x64xf32, #tpu.memory_space<vmem>>
      %dma_wait3A_122 = tpu.memref_squeeze %dma_wait3A_121 : memref<1x128x64xf32, #tpu.memory_space<vmem>> -> memref<128x64xf32, #tpu.memory_space<vmem>>
      %dma_wait3A_123 = tpu.memref_slice %arg5[%dma_wait3A_117, %mul3A_116] : memref<2x10000xi32, #tpu.memory_space<vmem>> -> memref<1x128xi32, #tpu.memory_space<vmem>>
      %dma_wait3A_124 = tpu.memref_squeeze %dma_wait3A_123 : memref<1x128xi32, #tpu.memory_space<vmem>> -> memref<128xi32, #tpu.memory_space<vmem>>
      %dma_wait3A_125 = arith.constant 0 : i32
      %dma_wait3A_126 = arith.constant 0 : i32
      %dma_wait3A_127 = tpu.memref_slice %arg2[%dma_wait3A_125, %dma_wait3A_126] : memref<10000x64xf32, #tpu.memory_space<hbm>> -> memref<10000x64xf32, #tpu.memory_space<hbm>>
      tpu.wait_indirect_dma semaphore(%arg8 : memref<!tpu.dma_semaphore, #tpu.memory_space<semaphore_mem>>) src(%dma_wait3A_127 : memref<10000x64xf32, #tpu.memory_space<hbm>>) dst(%dma_wait3A_122 : memref<128x64xf32, #tpu.memory_space<vmem>>)
      %mul3A_128 = arith.constant 128 : i32
      %mul3A_129 = arith.muli %add3A_97, %mul3A_128 : i32
      %dma_start3A_130 = arith.constant 0 : i32
      %dma_start3A_131 = arith.constant 1 : i32
      %dma_start3A_132 = arith.constant 0 : i32
      %dma_start3A_133 = arith.constant 0 : i32
      %dma_start3A_134 = tpu.memref_slice %arg6[%dma_start3A_130, %dma_start3A_132, %dma_start3A_133] : memref<4x128x64xf32, #tpu.memory_space<vmem>> -> memref<1x128x64xf32, #tpu.memory_space<vmem>>
      %dma_start3A_135 = tpu.memref_squeeze %dma_start3A_134 : memref<1x128x64xf32, #tpu.memory_space<vmem>> -> memref<128x64xf32, #tpu.memory_space<vmem>>
      %dma_start3A_136 = tpu.memref_slice %arg5[%dma_start3A_131, %mul3A_129] : memref<2x10000xi32, #tpu.memory_space<vmem>> -> memref<1x128xi32, #tpu.memory_space<vmem>>
      %dma_start3A_137 = tpu.memref_squeeze %dma_start3A_136 : memref<1x128xi32, #tpu.memory_space<vmem>> -> memref<128xi32, #tpu.memory_space<vmem>>
      %dma_start3A_138 = arith.constant 0 : i32
      %dma_start3A_139 = arith.constant 0 : i32
      %dma_start3A_140 = tpu.memref_slice %arg7[%dma_start3A_138, %dma_start3A_139] : memref<10000x64xf32, #tpu.memory_space<vmem_shared>> -> memref<10000x64xf32, #tpu.memory_space<vmem_shared>>
      tpu.enqueue_indirect_dma source(%dma_start3A_135 : memref<128x64xf32, #tpu.memory_space<vmem>>) target(%dma_start3A_140 : memref<10000x64xf32, #tpu.memory_space<vmem_shared>>) offsets(%dma_start3A_137 : memref<128xi32, #tpu.memory_space<vmem>>) semaphore(%arg12 : memref<!tpu.dma_semaphore, #tpu.memory_space<semaphore_mem>>) {add = true}
      %mul3A_141 = arith.constant 4 : i32
      %mul3A_142 = arith.muli %add3A_93, %mul3A_141 : i32
      %add3A_143 = arith.constant 1 : i32
      %add3A_144 = arith.addi %mul3A_142, %add3A_143 : i32
      %ge3A_145 = arith.constant 2 : i32
      %ge3A_146 = arith.cmpi sge, %add3A_144, %ge3A_145 : i32
      %convert_element_type3A_147 = arith.extui %ge3A_146 : i1 to i32
      %cond3A_148 = arith.constant 0 : i32
      %cond3A_149 = arith.cmpi ne, %convert_element_type3A_147, %cond3A_148 : i32
      scf.if %cond3A_149 {
        %sub3A_293 = arith.constant 2 : i32
        %sub3A_294 = arith.subi %add3A_144, %sub3A_293 : i32
        %mul3A_295 = arith.constant 128 : i32
        %mul3A_296 = arith.muli %sub3A_294, %mul3A_295 : i32
        %dma_wait3A_297 = arith.constant 3 : i32
        %dma_wait3A_298 = arith.constant 1 : i32
        %dma_wait3A_299 = arith.constant 0 : i32
        %dma_wait3A_300 = arith.constant 0 : i32
        %dma_wait3A_301 = tpu.memref_slice %arg6[%dma_wait3A_297, %dma_wait3A_299, %dma_wait3A_300] : memref<4x128x64xf32, #tpu.memory_space<vmem>> -> memref<1x128x64xf32, #tpu.memory_space<vmem>>
        %dma_wait3A_302 = tpu.memref_squeeze %dma_wait3A_301 : memref<1x128x64xf32, #tpu.memory_space<vmem>> -> memref<128x64xf32, #tpu.memory_space<vmem>>
        %dma_wait3A_303 = tpu.memref_slice %arg5[%dma_wait3A_298, %mul3A_296] : memref<2x10000xi32, #tpu.memory_space<vmem>> -> memref<1x128xi32, #tpu.memory_space<vmem>>
        %dma_wait3A_304 = tpu.memref_squeeze %dma_wait3A_303 : memref<1x128xi32, #tpu.memory_space<vmem>> -> memref<128xi32, #tpu.memory_space<vmem>>
        %dma_wait3A_305 = arith.constant 0 : i32
        %dma_wait3A_306 = arith.constant 0 : i32
        %dma_wait3A_307 = tpu.memref_slice %arg7[%dma_wait3A_305, %dma_wait3A_306] : memref<10000x64xf32, #tpu.memory_space<vmem_shared>> -> memref<10000x64xf32, #tpu.memory_space<vmem_shared>>
        tpu.wait_indirect_dma semaphore(%arg15 : memref<!tpu.dma_semaphore, #tpu.memory_space<semaphore_mem>>) src(%dma_wait3A_302 : memref<128x64xf32, #tpu.memory_space<vmem>>) dst(%dma_wait3A_307 : memref<10000x64xf32, #tpu.memory_space<vmem_shared>>)
      } else {
      }
      %add3A_150 = arith.constant 2 : i32
      %add3A_151 = arith.addi %add3A_144, %add3A_150 : i32
      %mul3A_152 = arith.constant 128 : i32
      %mul3A_153 = arith.muli %add3A_151, %mul3A_152 : i32
      %dma_start3A_154 = arith.constant 0 : i32
      %dma_start3A_155 = arith.constant 3 : i32
      %dma_start3A_156 = arith.constant 0 : i32
      %dma_start3A_157 = arith.constant 0 : i32
      %dma_start3A_158 = tpu.memref_slice %arg6[%dma_start3A_155, %dma_start3A_156, %dma_start3A_157] : memref<4x128x64xf32, #tpu.memory_space<vmem>> -> memref<1x128x64xf32, #tpu.memory_space<vmem>>
      %dma_start3A_159 = tpu.memref_squeeze %dma_start3A_158 : memref<1x128x64xf32, #tpu.memory_space<vmem>> -> memref<128x64xf32, #tpu.memory_space<vmem>>
      %dma_start3A_160 = tpu.memref_slice %arg5[%dma_start3A_154, %mul3A_153] : memref<2x10000xi32, #tpu.memory_space<vmem>> -> memref<1x128xi32, #tpu.memory_space<vmem>>
      %dma_start3A_161 = tpu.memref_squeeze %dma_start3A_160 : memref<1x128xi32, #tpu.memory_space<vmem>> -> memref<128xi32, #tpu.memory_space<vmem>>
      %dma_start3A_162 = arith.constant 0 : i32
      %dma_start3A_163 = arith.constant 0 : i32
      %dma_start3A_164 = tpu.memref_slice %arg2[%dma_start3A_162, %dma_start3A_163] : memref<10000x64xf32, #tpu.memory_space<hbm>> -> memref<10000x64xf32, #tpu.memory_space<hbm>>
      tpu.enqueue_indirect_dma source(%dma_start3A_164 : memref<10000x64xf32, #tpu.memory_space<hbm>>) target(%dma_start3A_159 : memref<128x64xf32, #tpu.memory_space<vmem>>) offsets(%dma_start3A_161 : memref<128xi32, #tpu.memory_space<vmem>>) semaphore(%arg11 : memref<!tpu.dma_semaphore, #tpu.memory_space<semaphore_mem>>)
      %mul3A_165 = arith.constant 128 : i32
      %mul3A_166 = arith.muli %add3A_144, %mul3A_165 : i32
      %dma_wait3A_167 = arith.constant 0 : i32
      %dma_wait3A_168 = arith.constant 1 : i32
      %dma_wait3A_169 = arith.constant 0 : i32
      %dma_wait3A_170 = arith.constant 0 : i32
      %dma_wait3A_171 = tpu.memref_slice %arg6[%dma_wait3A_168, %dma_wait3A_169, %dma_wait3A_170] : memref<4x128x64xf32, #tpu.memory_space<vmem>> -> memref<1x128x64xf32, #tpu.memory_space<vmem>>
      %dma_wait3A_172 = tpu.memref_squeeze %dma_wait3A_171 : memref<1x128x64xf32, #tpu.memory_space<vmem>> -> memref<128x64xf32, #tpu.memory_space<vmem>>
      %dma_wait3A_173 = tpu.memref_slice %arg5[%dma_wait3A_167, %mul3A_166] : memref<2x10000xi32, #tpu.memory_space<vmem>> -> memref<1x128xi32, #tpu.memory_space<vmem>>
      %dma_wait3A_174 = tpu.memref_squeeze %dma_wait3A_173 : memref<1x128xi32, #tpu.memory_space<vmem>> -> memref<128xi32, #tpu.memory_space<vmem>>
      %dma_wait3A_175 = arith.constant 0 : i32
      %dma_wait3A_176 = arith.constant 0 : i32
      %dma_wait3A_177 = tpu.memref_slice %arg2[%dma_wait3A_175, %dma_wait3A_176] : memref<10000x64xf32, #tpu.memory_space<hbm>> -> memref<10000x64xf32, #tpu.memory_space<hbm>>
      tpu.wait_indirect_dma semaphore(%arg9 : memref<!tpu.dma_semaphore, #tpu.memory_space<semaphore_mem>>) src(%dma_wait3A_177 : memref<10000x64xf32, #tpu.memory_space<hbm>>) dst(%dma_wait3A_172 : memref<128x64xf32, #tpu.memory_space<vmem>>)
      %mul3A_178 = arith.constant 128 : i32
      %mul3A_179 = arith.muli %add3A_144, %mul3A_178 : i32
      %dma_start3A_180 = arith.constant 1 : i32
      %dma_start3A_181 = arith.constant 1 : i32
      %dma_start3A_182 = arith.constant 0 : i32
      %dma_start3A_183 = arith.constant 0 : i32
      %dma_start3A_184 = tpu.memref_slice %arg6[%dma_start3A_180, %dma_start3A_182, %dma_start3A_183] : memref<4x128x64xf32, #tpu.memory_space<vmem>> -> memref<1x128x64xf32, #tpu.memory_space<vmem>>
      %dma_start3A_185 = tpu.memref_squeeze %dma_start3A_184 : memref<1x128x64xf32, #tpu.memory_space<vmem>> -> memref<128x64xf32, #tpu.memory_space<vmem>>
      %dma_start3A_186 = tpu.memref_slice %arg5[%dma_start3A_181, %mul3A_179] : memref<2x10000xi32, #tpu.memory_space<vmem>> -> memref<1x128xi32, #tpu.memory_space<vmem>>
      %dma_start3A_187 = tpu.memref_squeeze %dma_start3A_186 : memref<1x128xi32, #tpu.memory_space<vmem>> -> memref<128xi32, #tpu.memory_space<vmem>>
      %dma_start3A_188 = arith.constant 0 : i32
      %dma_start3A_189 = arith.constant 0 : i32
      %dma_start3A_190 = tpu.memref_slice %arg7[%dma_start3A_188, %dma_start3A_189] : memref<10000x64xf32, #tpu.memory_space<vmem_shared>> -> memref<10000x64xf32, #tpu.memory_space<vmem_shared>>
      tpu.enqueue_indirect_dma source(%dma_start3A_185 : memref<128x64xf32, #tpu.memory_space<vmem>>) target(%dma_start3A_190 : memref<10000x64xf32, #tpu.memory_space<vmem_shared>>) offsets(%dma_start3A_187 : memref<128xi32, #tpu.memory_space<vmem>>) semaphore(%arg13 : memref<!tpu.dma_semaphore, #tpu.memory_space<semaphore_mem>>) {add = true}
      %mul3A_191 = arith.constant 4 : i32
      %mul3A_192 = arith.muli %add3A_93, %mul3A_191 : i32
      %add3A_193 = arith.constant 2 : i32
      %add3A_194 = arith.addi %mul3A_192, %add3A_193 : i32
      %sub3A = arith.constant 2 : i32
      %sub3A_195 = arith.subi %add3A_194, %sub3A : i32
      %mul3A_196 = arith.constant 128 : i32
      %mul3A_197 = arith.muli %sub3A_195, %mul3A_196 : i32
      %dma_wait3A_198 = arith.constant 0 : i32
      %dma_wait3A_199 = arith.constant 1 : i32
      %dma_wait3A_200 = arith.constant 0 : i32
      %dma_wait3A_201 = arith.constant 0 : i32
      %dma_wait3A_202 = tpu.memref_slice %arg6[%dma_wait3A_198, %dma_wait3A_200, %dma_wait3A_201] : memref<4x128x64xf32, #tpu.memory_space<vmem>> -> memref<1x128x64xf32, #tpu.memory_space<vmem>>
      %dma_wait3A_203 = tpu.memref_squeeze %dma_wait3A_202 : memref<1x128x64xf32, #tpu.memory_space<vmem>> -> memref<128x64xf32, #tpu.memory_space<vmem>>
      %dma_wait3A_204 = tpu.memref_slice %arg5[%dma_wait3A_199, %mul3A_197] : memref<2x10000xi32, #tpu.memory_space<vmem>> -> memref<1x128xi32, #tpu.memory_space<vmem>>
      %dma_wait3A_205 = tpu.memref_squeeze %dma_wait3A_204 : memref<1x128xi32, #tpu.memory_space<vmem>> -> memref<128xi32, #tpu.memory_space<vmem>>
      %dma_wait3A_206 = arith.constant 0 : i32
      %dma_wait3A_207 = arith.constant 0 : i32
      %dma_wait3A_208 = tpu.memref_slice %arg7[%dma_wait3A_206, %dma_wait3A_207] : memref<10000x64xf32, #tpu.memory_space<vmem_shared>> -> memref<10000x64xf32, #tpu.memory_space<vmem_shared>>
      tpu.wait_indirect_dma semaphore(%arg12 : memref<!tpu.dma_semaphore, #tpu.memory_space<semaphore_mem>>) src(%dma_wait3A_203 : memref<128x64xf32, #tpu.memory_space<vmem>>) dst(%dma_wait3A_208 : memref<10000x64xf32, #tpu.memory_space<vmem_shared>>)
      %add3A_209 = arith.constant 2 : i32
      %add3A_210 = arith.addi %add3A_194, %add3A_209 : i32
      %lt3A = arith.constant 76 : i32
      %lt3A_211 = arith.cmpi slt, %add3A_210, %lt3A : i32
      %convert_element_type3A_212 = arith.extui %lt3A_211 : i1 to i32
      %cond3A_213 = arith.constant 0 : i32
      %cond3A_214 = arith.cmpi ne, %convert_element_type3A_212, %cond3A_213 : i32
      scf.if %cond3A_214 {
        %add3A_293 = arith.constant 2 : i32
        %add3A_294 = arith.addi %add3A_194, %add3A_293 : i32
        %mul3A_295 = arith.constant 128 : i32
        %mul3A_296 = arith.muli %add3A_294, %mul3A_295 : i32
        %dma_start3A_297 = arith.constant 0 : i32
        %dma_start3A_298 = arith.constant 0 : i32
        %dma_start3A_299 = arith.constant 0 : i32
        %dma_start3A_300 = arith.constant 0 : i32
        %dma_start3A_301 = tpu.memref_slice %arg6[%dma_start3A_298, %dma_start3A_299, %dma_start3A_300] : memref<4x128x64xf32, #tpu.memory_space<vmem>> -> memref<1x128x64xf32, #tpu.memory_space<vmem>>
        %dma_start3A_302 = tpu.memref_squeeze %dma_start3A_301 : memref<1x128x64xf32, #tpu.memory_space<vmem>> -> memref<128x64xf32, #tpu.memory_space<vmem>>
        %dma_start3A_303 = tpu.memref_slice %arg5[%dma_start3A_297, %mul3A_296] : memref<2x10000xi32, #tpu.memory_space<vmem>> -> memref<1x128xi32, #tpu.memory_space<vmem>>
        %dma_start3A_304 = tpu.memref_squeeze %dma_start3A_303 : memref<1x128xi32, #tpu.memory_space<vmem>> -> memref<128xi32, #tpu.memory_space<vmem>>
        %dma_start3A_305 = arith.constant 0 : i32
        %dma_start3A_306 = arith.constant 0 : i32
        %dma_start3A_307 = tpu.memref_slice %arg2[%dma_start3A_305, %dma_start3A_306] : memref<10000x64xf32, #tpu.memory_space<hbm>> -> memref<10000x64xf32, #tpu.memory_space<hbm>>
        tpu.enqueue_indirect_dma source(%dma_start3A_307 : memref<10000x64xf32, #tpu.memory_space<hbm>>) target(%dma_start3A_302 : memref<128x64xf32, #tpu.memory_space<vmem>>) offsets(%dma_start3A_304 : memref<128xi32, #tpu.memory_space<vmem>>) semaphore(%arg8 : memref<!tpu.dma_semaphore, #tpu.memory_space<semaphore_mem>>)
      } else {
      }
      %mul3A_215 = arith.constant 128 : i32
      %mul3A_216 = arith.muli %add3A_194, %mul3A_215 : i32
      %dma_wait3A_217 = arith.constant 0 : i32
      %dma_wait3A_218 = arith.constant 2 : i32
      %dma_wait3A_219 = arith.constant 0 : i32
      %dma_wait3A_220 = arith.constant 0 : i32
      %dma_wait3A_221 = tpu.memref_slice %arg6[%dma_wait3A_218, %dma_wait3A_219, %dma_wait3A_220] : memref<4x128x64xf32, #tpu.memory_space<vmem>> -> memref<1x128x64xf32, #tpu.memory_space<vmem>>
      %dma_wait3A_222 = tpu.memref_squeeze %dma_wait3A_221 : memref<1x128x64xf32, #tpu.memory_space<vmem>> -> memref<128x64xf32, #tpu.memory_space<vmem>>
      %dma_wait3A_223 = tpu.memref_slice %arg5[%dma_wait3A_217, %mul3A_216] : memref<2x10000xi32, #tpu.memory_space<vmem>> -> memref<1x128xi32, #tpu.memory_space<vmem>>
      %dma_wait3A_224 = tpu.memref_squeeze %dma_wait3A_223 : memref<1x128xi32, #tpu.memory_space<vmem>> -> memref<128xi32, #tpu.memory_space<vmem>>
      %dma_wait3A_225 = arith.constant 0 : i32
      %dma_wait3A_226 = arith.constant 0 : i32
      %dma_wait3A_227 = tpu.memref_slice %arg2[%dma_wait3A_225, %dma_wait3A_226] : memref<10000x64xf32, #tpu.memory_space<hbm>> -> memref<10000x64xf32, #tpu.memory_space<hbm>>
      tpu.wait_indirect_dma semaphore(%arg10 : memref<!tpu.dma_semaphore, #tpu.memory_space<semaphore_mem>>) src(%dma_wait3A_227 : memref<10000x64xf32, #tpu.memory_space<hbm>>) dst(%dma_wait3A_222 : memref<128x64xf32, #tpu.memory_space<vmem>>)
      %mul3A_228 = arith.constant 128 : i32
      %mul3A_229 = arith.muli %add3A_194, %mul3A_228 : i32
      %dma_start3A_230 = arith.constant 2 : i32
      %dma_start3A_231 = arith.constant 1 : i32
      %dma_start3A_232 = arith.constant 0 : i32
      %dma_start3A_233 = arith.constant 0 : i32
      %dma_start3A_234 = tpu.memref_slice %arg6[%dma_start3A_230, %dma_start3A_232, %dma_start3A_233] : memref<4x128x64xf32, #tpu.memory_space<vmem>> -> memref<1x128x64xf32, #tpu.memory_space<vmem>>
      %dma_start3A_235 = tpu.memref_squeeze %dma_start3A_234 : memref<1x128x64xf32, #tpu.memory_space<vmem>> -> memref<128x64xf32, #tpu.memory_space<vmem>>
      %dma_start3A_236 = tpu.memref_slice %arg5[%dma_start3A_231, %mul3A_229] : memref<2x10000xi32, #tpu.memory_space<vmem>> -> memref<1x128xi32, #tpu.memory_space<vmem>>
      %dma_start3A_237 = tpu.memref_squeeze %dma_start3A_236 : memref<1x128xi32, #tpu.memory_space<vmem>> -> memref<128xi32, #tpu.memory_space<vmem>>
      %dma_start3A_238 = arith.constant 0 : i32
      %dma_start3A_239 = arith.constant 0 : i32
      %dma_start3A_240 = tpu.memref_slice %arg7[%dma_start3A_238, %dma_start3A_239] : memref<10000x64xf32, #tpu.memory_space<vmem_shared>> -> memref<10000x64xf32, #tpu.memory_space<vmem_shared>>
      tpu.enqueue_indirect_dma source(%dma_start3A_235 : memref<128x64xf32, #tpu.memory_space<vmem>>) target(%dma_start3A_240 : memref<10000x64xf32, #tpu.memory_space<vmem_shared>>) offsets(%dma_start3A_237 : memref<128xi32, #tpu.memory_space<vmem>>) semaphore(%arg14 : memref<!tpu.dma_semaphore, #tpu.memory_space<semaphore_mem>>) {add = true}
      %mul3A_241 = arith.constant 4 : i32
      %mul3A_242 = arith.muli %add3A_93, %mul3A_241 : i32
      %add3A_243 = arith.constant 3 : i32
      %add3A_244 = arith.addi %mul3A_242, %add3A_243 : i32
      %sub3A_245 = arith.constant 2 : i32
      %sub3A_246 = arith.subi %add3A_244, %sub3A_245 : i32
      %mul3A_247 = arith.constant 128 : i32
      %mul3A_248 = arith.muli %sub3A_246, %mul3A_247 : i32
      %dma_wait3A_249 = arith.constant 1 : i32
      %dma_wait3A_250 = arith.constant 1 : i32
      %dma_wait3A_251 = arith.constant 0 : i32
      %dma_wait3A_252 = arith.constant 0 : i32
      %dma_wait3A_253 = tpu.memref_slice %arg6[%dma_wait3A_249, %dma_wait3A_251, %dma_wait3A_252] : memref<4x128x64xf32, #tpu.memory_space<vmem>> -> memref<1x128x64xf32, #tpu.memory_space<vmem>>
      %dma_wait3A_254 = tpu.memref_squeeze %dma_wait3A_253 : memref<1x128x64xf32, #tpu.memory_space<vmem>> -> memref<128x64xf32, #tpu.memory_space<vmem>>
      %dma_wait3A_255 = tpu.memref_slice %arg5[%dma_wait3A_250, %mul3A_248] : memref<2x10000xi32, #tpu.memory_space<vmem>> -> memref<1x128xi32, #tpu.memory_space<vmem>>
      %dma_wait3A_256 = tpu.memref_squeeze %dma_wait3A_255 : memref<1x128xi32, #tpu.memory_space<vmem>> -> memref<128xi32, #tpu.memory_space<vmem>>
      %dma_wait3A_257 = arith.constant 0 : i32
      %dma_wait3A_258 = arith.constant 0 : i32
      %dma_wait3A_259 = tpu.memref_slice %arg7[%dma_wait3A_257, %dma_wait3A_258] : memref<10000x64xf32, #tpu.memory_space<vmem_shared>> -> memref<10000x64xf32, #tpu.memory_space<vmem_shared>>
      tpu.wait_indirect_dma semaphore(%arg13 : memref<!tpu.dma_semaphore, #tpu.memory_space<semaphore_mem>>) src(%dma_wait3A_254 : memref<128x64xf32, #tpu.memory_space<vmem>>) dst(%dma_wait3A_259 : memref<10000x64xf32, #tpu.memory_space<vmem_shared>>)
      %add3A_260 = arith.constant 2 : i32
      %add3A_261 = arith.addi %add3A_244, %add3A_260 : i32
      %lt3A_262 = arith.constant 76 : i32
      %lt3A_263 = arith.cmpi slt, %add3A_261, %lt3A_262 : i32
      %convert_element_type3A_264 = arith.extui %lt3A_263 : i1 to i32
      %cond3A_265 = arith.constant 0 : i32
      %cond3A_266 = arith.cmpi ne, %convert_element_type3A_264, %cond3A_265 : i32
      scf.if %cond3A_266 {
        %add3A_293 = arith.constant 2 : i32
        %add3A_294 = arith.addi %add3A_244, %add3A_293 : i32
        %mul3A_295 = arith.constant 128 : i32
        %mul3A_296 = arith.muli %add3A_294, %mul3A_295 : i32
        %dma_start3A_297 = arith.constant 0 : i32
        %dma_start3A_298 = arith.constant 1 : i32
        %dma_start3A_299 = arith.constant 0 : i32
        %dma_start3A_300 = arith.constant 0 : i32
        %dma_start3A_301 = tpu.memref_slice %arg6[%dma_start3A_298, %dma_start3A_299, %dma_start3A_300] : memref<4x128x64xf32, #tpu.memory_space<vmem>> -> memref<1x128x64xf32, #tpu.memory_space<vmem>>
        %dma_start3A_302 = tpu.memref_squeeze %dma_start3A_301 : memref<1x128x64xf32, #tpu.memory_space<vmem>> -> memref<128x64xf32, #tpu.memory_space<vmem>>
        %dma_start3A_303 = tpu.memref_slice %arg5[%dma_start3A_297, %mul3A_296] : memref<2x10000xi32, #tpu.memory_space<vmem>> -> memref<1x128xi32, #tpu.memory_space<vmem>>
        %dma_start3A_304 = tpu.memref_squeeze %dma_start3A_303 : memref<1x128xi32, #tpu.memory_space<vmem>> -> memref<128xi32, #tpu.memory_space<vmem>>
        %dma_start3A_305 = arith.constant 0 : i32
        %dma_start3A_306 = arith.constant 0 : i32
        %dma_start3A_307 = tpu.memref_slice %arg2[%dma_start3A_305, %dma_start3A_306] : memref<10000x64xf32, #tpu.memory_space<hbm>> -> memref<10000x64xf32, #tpu.memory_space<hbm>>
        tpu.enqueue_indirect_dma source(%dma_start3A_307 : memref<10000x64xf32, #tpu.memory_space<hbm>>) target(%dma_start3A_302 : memref<128x64xf32, #tpu.memory_space<vmem>>) offsets(%dma_start3A_304 : memref<128xi32, #tpu.memory_space<vmem>>) semaphore(%arg9 : memref<!tpu.dma_semaphore, #tpu.memory_space<semaphore_mem>>)
      } else {
      }
      %mul3A_267 = arith.constant 128 : i32
      %mul3A_268 = arith.muli %add3A_244, %mul3A_267 : i32
      %dma_wait3A_269 = arith.constant 0 : i32
      %dma_wait3A_270 = arith.constant 3 : i32
      %dma_wait3A_271 = arith.constant 0 : i32
      %dma_wait3A_272 = arith.constant 0 : i32
      %dma_wait3A_273 = tpu.memref_slice %arg6[%dma_wait3A_270, %dma_wait3A_271, %dma_wait3A_272] : memref<4x128x64xf32, #tpu.memory_space<vmem>> -> memref<1x128x64xf32, #tpu.memory_space<vmem>>
      %dma_wait3A_274 = tpu.memref_squeeze %dma_wait3A_273 : memref<1x128x64xf32, #tpu.memory_space<vmem>> -> memref<128x64xf32, #tpu.memory_space<vmem>>
      %dma_wait3A_275 = tpu.memref_slice %arg5[%dma_wait3A_269, %mul3A_268] : memref<2x10000xi32, #tpu.memory_space<vmem>> -> memref<1x128xi32, #tpu.memory_space<vmem>>
      %dma_wait3A_276 = tpu.memref_squeeze %dma_wait3A_275 : memref<1x128xi32, #tpu.memory_space<vmem>> -> memref<128xi32, #tpu.memory_space<vmem>>
      %dma_wait3A_277 = arith.constant 0 : i32
      %dma_wait3A_278 = arith.constant 0 : i32
      %dma_wait3A_279 = tpu.memref_slice %arg2[%dma_wait3A_277, %dma_wait3A_278] : memref<10000x64xf32, #tpu.memory_space<hbm>> -> memref<10000x64xf32, #tpu.memory_space<hbm>>
      tpu.wait_indirect_dma semaphore(%arg11 : memref<!tpu.dma_semaphore, #tpu.memory_space<semaphore_mem>>) src(%dma_wait3A_279 : memref<10000x64xf32, #tpu.memory_space<hbm>>) dst(%dma_wait3A_274 : memref<128x64xf32, #tpu.memory_space<vmem>>)
      %mul3A_280 = arith.constant 128 : i32
      %mul3A_281 = arith.muli %add3A_244, %mul3A_280 : i32
      %dma_start3A_282 = arith.constant 3 : i32
      %dma_start3A_283 = arith.constant 1 : i32
      %dma_start3A_284 = arith.constant 0 : i32
      %dma_start3A_285 = arith.constant 0 : i32
      %dma_start3A_286 = tpu.memref_slice %arg6[%dma_start3A_282, %dma_start3A_284, %dma_start3A_285] : memref<4x128x64xf32, #tpu.memory_space<vmem>> -> memref<1x128x64xf32, #tpu.memory_space<vmem>>
      %dma_start3A_287 = tpu.memref_squeeze %dma_start3A_286 : memref<1x128x64xf32, #tpu.memory_space<vmem>> -> memref<128x64xf32, #tpu.memory_space<vmem>>
      %dma_start3A_288 = tpu.memref_slice %arg5[%dma_start3A_283, %mul3A_281] : memref<2x10000xi32, #tpu.memory_space<vmem>> -> memref<1x128xi32, #tpu.memory_space<vmem>>
      %dma_start3A_289 = tpu.memref_squeeze %dma_start3A_288 : memref<1x128xi32, #tpu.memory_space<vmem>> -> memref<128xi32, #tpu.memory_space<vmem>>
      %dma_start3A_290 = arith.constant 0 : i32
      %dma_start3A_291 = arith.constant 0 : i32
      %dma_start3A_292 = tpu.memref_slice %arg7[%dma_start3A_290, %dma_start3A_291] : memref<10000x64xf32, #tpu.memory_space<vmem_shared>> -> memref<10000x64xf32, #tpu.memory_space<vmem_shared>>
      tpu.enqueue_indirect_dma source(%dma_start3A_287 : memref<128x64xf32, #tpu.memory_space<vmem>>) target(%dma_start3A_292 : memref<10000x64xf32, #tpu.memory_space<vmem_shared>>) offsets(%dma_start3A_289 : memref<128xi32, #tpu.memory_space<vmem>>) semaphore(%arg15 : memref<!tpu.dma_semaphore, #tpu.memory_space<semaphore_mem>>) {add = true}
    }
    %scan3A_48 = arith.constant 19 : i32
    %dma_wait3A_49 = arith.constant 2 : i32
    %dma_wait3A_50 = arith.constant 1 : i32
    %dma_wait3A_51 = arith.constant 0 : i32
    %dma_wait3A_52 = arith.constant 0 : i32
    %dma_wait3A_53 = tpu.memref_slice %arg6[%dma_wait3A_49, %dma_wait3A_51, %dma_wait3A_52] : memref<4x128x64xf32, #tpu.memory_space<vmem>> -> memref<1x128x64xf32, #tpu.memory_space<vmem>>
    %dma_wait3A_54 = tpu.memref_squeeze %dma_wait3A_53 : memref<1x128x64xf32, #tpu.memory_space<vmem>> -> memref<128x64xf32, #tpu.memory_space<vmem>>
    %dma_wait3A_55 = arith.constant 9472 : i32
    %dma_wait3A_56 = tpu.memref_slice %arg5[%dma_wait3A_50, %dma_wait3A_55] : memref<2x10000xi32, #tpu.memory_space<vmem>> -> memref<1x128xi32, #tpu.memory_space<vmem>>
    %dma_wait3A_57 = tpu.memref_squeeze %dma_wait3A_56 : memref<1x128xi32, #tpu.memory_space<vmem>> -> memref<128xi32, #tpu.memory_space<vmem>>
    %dma_wait3A_58 = arith.constant 0 : i32
    %dma_wait3A_59 = arith.constant 0 : i32
    %dma_wait3A_60 = tpu.memref_slice %arg7[%dma_wait3A_58, %dma_wait3A_59] : memref<10000x64xf32, #tpu.memory_space<vmem_shared>> -> memref<10000x64xf32, #tpu.memory_space<vmem_shared>>
    tpu.wait_indirect_dma semaphore(%arg14 : memref<!tpu.dma_semaphore, #tpu.memory_space<semaphore_mem>>) src(%dma_wait3A_54 : memref<128x64xf32, #tpu.memory_space<vmem>>) dst(%dma_wait3A_60 : memref<10000x64xf32, #tpu.memory_space<vmem_shared>>)
    %dma_wait3A_61 = arith.constant 3 : i32
    %dma_wait3A_62 = arith.constant 1 : i32
    %dma_wait3A_63 = arith.constant 0 : i32
    %dma_wait3A_64 = arith.constant 0 : i32
    %dma_wait3A_65 = tpu.memref_slice %arg6[%dma_wait3A_61, %dma_wait3A_63, %dma_wait3A_64] : memref<4x128x64xf32, #tpu.memory_space<vmem>> -> memref<1x128x64xf32, #tpu.memory_space<vmem>>
    %dma_wait3A_66 = tpu.memref_squeeze %dma_wait3A_65 : memref<1x128x64xf32, #tpu.memory_space<vmem>> -> memref<128x64xf32, #tpu.memory_space<vmem>>
    %dma_wait3A_67 = arith.constant 9600 : i32
    %dma_wait3A_68 = tpu.memref_slice %arg5[%dma_wait3A_62, %dma_wait3A_67] : memref<2x10000xi32, #tpu.memory_space<vmem>> -> memref<1x128xi32, #tpu.memory_space<vmem>>
    %dma_wait3A_69 = tpu.memref_squeeze %dma_wait3A_68 : memref<1x128xi32, #tpu.memory_space<vmem>> -> memref<128xi32, #tpu.memory_space<vmem>>
    %dma_wait3A_70 = arith.constant 0 : i32
    %dma_wait3A_71 = arith.constant 0 : i32
    %dma_wait3A_72 = tpu.memref_slice %arg7[%dma_wait3A_70, %dma_wait3A_71] : memref<10000x64xf32, #tpu.memory_space<vmem_shared>> -> memref<10000x64xf32, #tpu.memory_space<vmem_shared>>
    tpu.wait_indirect_dma semaphore(%arg15 : memref<!tpu.dma_semaphore, #tpu.memory_space<semaphore_mem>>) src(%dma_wait3A_66 : memref<128x64xf32, #tpu.memory_space<vmem>>) dst(%dma_wait3A_72 : memref<10000x64xf32, #tpu.memory_space<vmem_shared>>)
    %run_scoped3A = arith.constant 0 : i32
    %run_scoped3A_73 = arith.constant 0 : i32
    "tpu.region"() ({
      %run_scoped3A_89 = tpu.sem_alloc : memref<!tpu.dma_semaphore, #tpu.memory_space<semaphore_mem>>
      %dma_start3A_90 = arith.constant 0 : i32
      %dma_start3A_91 = arith.constant 0 : i32
      %dma_start3A_92 = tpu.memref_slice %arg6[%run_scoped3A_73, %dma_start3A_90, %dma_start3A_91] : memref<4x128x64xf32, #tpu.memory_space<vmem>> -> memref<1x128x64xf32, #tpu.memory_space<vmem>>
      %dma_start3A_93 = tpu.memref_squeeze %dma_start3A_92 : memref<1x128x64xf32, #tpu.memory_space<vmem>> -> memref<128x64xf32, #tpu.memory_space<vmem>>
      %dma_start3A_94 = arith.constant 9728 : i32
      %dma_start3A_95 = tpu.memref_slice %arg5[%run_scoped3A, %dma_start3A_94] : memref<2x10000xi32, #tpu.memory_space<vmem>> -> memref<1x128xi32, #tpu.memory_space<vmem>>
      %dma_start3A_96 = tpu.memref_squeeze %dma_start3A_95 : memref<1x128xi32, #tpu.memory_space<vmem>> -> memref<128xi32, #tpu.memory_space<vmem>>
      %dma_start3A_97 = arith.constant 0 : i32
      %dma_start3A_98 = arith.constant 0 : i32
      %dma_start3A_99 = tpu.memref_slice %arg2[%dma_start3A_97, %dma_start3A_98] : memref<10000x64xf32, #tpu.memory_space<hbm>> -> memref<10000x64xf32, #tpu.memory_space<hbm>>
      tpu.enqueue_indirect_dma source(%dma_start3A_99 : memref<10000x64xf32, #tpu.memory_space<hbm>>) target(%dma_start3A_93 : memref<128x64xf32, #tpu.memory_space<vmem>>) offsets(%dma_start3A_96 : memref<128xi32, #tpu.memory_space<vmem>>) semaphore(%run_scoped3A_89 : memref<!tpu.dma_semaphore, #tpu.memory_space<semaphore_mem>>)
      %dma_wait3A_100 = arith.constant 0 : i32
      %dma_wait3A_101 = arith.constant 0 : i32
      %dma_wait3A_102 = tpu.memref_slice %arg6[%run_scoped3A_73, %dma_wait3A_100, %dma_wait3A_101] : memref<4x128x64xf32, #tpu.memory_space<vmem>> -> memref<1x128x64xf32, #tpu.memory_space<vmem>>
      %dma_wait3A_103 = tpu.memref_squeeze %dma_wait3A_102 : memref<1x128x64xf32, #tpu.memory_space<vmem>> -> memref<128x64xf32, #tpu.memory_space<vmem>>
      %dma_wait3A_104 = arith.constant 9728 : i32
      %dma_wait3A_105 = tpu.memref_slice %arg5[%run_scoped3A, %dma_wait3A_104] : memref<2x10000xi32, #tpu.memory_space<vmem>> -> memref<1x128xi32, #tpu.memory_space<vmem>>
      %dma_wait3A_106 = tpu.memref_squeeze %dma_wait3A_105 : memref<1x128xi32, #tpu.memory_space<vmem>> -> memref<128xi32, #tpu.memory_space<vmem>>
      %dma_wait3A_107 = arith.constant 0 : i32
      %dma_wait3A_108 = arith.constant 0 : i32
      %dma_wait3A_109 = tpu.memref_slice %arg2[%dma_wait3A_107, %dma_wait3A_108] : memref<10000x64xf32, #tpu.memory_space<hbm>> -> memref<10000x64xf32, #tpu.memory_space<hbm>>
      tpu.wait_indirect_dma semaphore(%run_scoped3A_89 : memref<!tpu.dma_semaphore, #tpu.memory_space<semaphore_mem>>) src(%dma_wait3A_109 : memref<10000x64xf32, #tpu.memory_space<hbm>>) dst(%dma_wait3A_103 : memref<128x64xf32, #tpu.memory_space<vmem>>)
      tpu.yield
    }) : () -> ()
    %run_scoped3A_74 = arith.constant 0 : i32
    %run_scoped3A_75 = arith.constant 1 : i32
    "tpu.region"() ({
      %run_scoped3A_89 = tpu.sem_alloc : memref<!tpu.dma_semaphore, #tpu.memory_space<semaphore_mem>>
      %dma_start3A_90 = arith.constant 0 : i32
      %dma_start3A_91 = arith.constant 0 : i32
      %dma_start3A_92 = tpu.memref_slice %arg6[%run_scoped3A_74, %dma_start3A_90, %dma_start3A_91] : memref<4x128x64xf32, #tpu.memory_space<vmem>> -> memref<1x128x64xf32, #tpu.memory_space<vmem>>
      %dma_start3A_93 = tpu.memref_squeeze %dma_start3A_92 : memref<1x128x64xf32, #tpu.memory_space<vmem>> -> memref<128x64xf32, #tpu.memory_space<vmem>>
      %dma_start3A_94 = arith.constant 9728 : i32
      %dma_start3A_95 = tpu.memref_slice %arg5[%run_scoped3A_75, %dma_start3A_94] : memref<2x10000xi32, #tpu.memory_space<vmem>> -> memref<1x128xi32, #tpu.memory_space<vmem>>
      %dma_start3A_96 = tpu.memref_squeeze %dma_start3A_95 : memref<1x128xi32, #tpu.memory_space<vmem>> -> memref<128xi32, #tpu.memory_space<vmem>>
      %dma_start3A_97 = arith.constant 0 : i32
      %dma_start3A_98 = arith.constant 0 : i32
      %dma_start3A_99 = tpu.memref_slice %arg7[%dma_start3A_97, %dma_start3A_98] : memref<10000x64xf32, #tpu.memory_space<vmem_shared>> -> memref<10000x64xf32, #tpu.memory_space<vmem_shared>>
      tpu.enqueue_indirect_dma source(%dma_start3A_93 : memref<128x64xf32, #tpu.memory_space<vmem>>) target(%dma_start3A_99 : memref<10000x64xf32, #tpu.memory_space<vmem_shared>>) offsets(%dma_start3A_96 : memref<128xi32, #tpu.memory_space<vmem>>) semaphore(%run_scoped3A_89 : memref<!tpu.dma_semaphore, #tpu.memory_space<semaphore_mem>>) {add = true}
      %dma_wait3A_100 = arith.constant 0 : i32
      %dma_wait3A_101 = arith.constant 0 : i32
      %dma_wait3A_102 = tpu.memref_slice %arg6[%run_scoped3A_74, %dma_wait3A_100, %dma_wait3A_101] : memref<4x128x64xf32, #tpu.memory_space<vmem>> -> memref<1x128x64xf32, #tpu.memory_space<vmem>>
      %dma_wait3A_103 = tpu.memref_squeeze %dma_wait3A_102 : memref<1x128x64xf32, #tpu.memory_space<vmem>> -> memref<128x64xf32, #tpu.memory_space<vmem>>
      %dma_wait3A_104 = arith.constant 9728 : i32
      %dma_wait3A_105 = tpu.memref_slice %arg5[%run_scoped3A_75, %dma_wait3A_104] : memref<2x10000xi32, #tpu.memory_space<vmem>> -> memref<1x128xi32, #tpu.memory_space<vmem>>
      %dma_wait3A_106 = tpu.memref_squeeze %dma_wait3A_105 : memref<1x128xi32, #tpu.memory_space<vmem>> -> memref<128xi32, #tpu.memory_space<vmem>>
      %dma_wait3A_107 = arith.constant 0 : i32
      %dma_wait3A_108 = arith.constant 0 : i32
      %dma_wait3A_109 = tpu.memref_slice %arg7[%dma_wait3A_107, %dma_wait3A_108] : memref<10000x64xf32, #tpu.memory_space<vmem_shared>> -> memref<10000x64xf32, #tpu.memory_space<vmem_shared>>
      tpu.wait_indirect_dma semaphore(%run_scoped3A_89 : memref<!tpu.dma_semaphore, #tpu.memory_space<semaphore_mem>>) src(%dma_wait3A_103 : memref<128x64xf32, #tpu.memory_space<vmem>>) dst(%dma_wait3A_109 : memref<10000x64xf32, #tpu.memory_space<vmem_shared>>)
      tpu.yield
    }) : () -> ()
    %run_scoped3A_76 = arith.constant 0 : i32
    %run_scoped3A_77 = arith.constant 0 : i32
    "tpu.region"() ({
      %run_scoped3A_89 = tpu.sem_alloc : memref<!tpu.dma_semaphore, #tpu.memory_space<semaphore_mem>>
      %dma_start3A_90 = arith.constant 0 : i32
      %dma_start3A_91 = arith.constant 0 : i32
      %dma_start3A_92 = tpu.memref_slice %arg6[%run_scoped3A_77, %dma_start3A_90, %dma_start3A_91] : memref<4x128x64xf32, #tpu.memory_space<vmem>> -> memref<1x128x64xf32, #tpu.memory_space<vmem>>
      %dma_start3A_93 = tpu.memref_squeeze %dma_start3A_92 : memref<1x128x64xf32, #tpu.memory_space<vmem>> -> memref<128x64xf32, #tpu.memory_space<vmem>>
      %dma_start3A_94 = arith.constant 9856 : i32
      %dma_start3A_95 = tpu.memref_slice %arg5[%run_scoped3A_76, %dma_start3A_94] : memref<2x10000xi32, #tpu.memory_space<vmem>> -> memref<1x128xi32, #tpu.memory_space<vmem>>
      %dma_start3A_96 = tpu.memref_squeeze %dma_start3A_95 : memref<1x128xi32, #tpu.memory_space<vmem>> -> memref<128xi32, #tpu.memory_space<vmem>>
      %dma_start3A_97 = arith.constant 0 : i32
      %dma_start3A_98 = arith.constant 0 : i32
      %dma_start3A_99 = tpu.memref_slice %arg2[%dma_start3A_97, %dma_start3A_98] : memref<10000x64xf32, #tpu.memory_space<hbm>> -> memref<10000x64xf32, #tpu.memory_space<hbm>>
      tpu.enqueue_indirect_dma source(%dma_start3A_99 : memref<10000x64xf32, #tpu.memory_space<hbm>>) target(%dma_start3A_93 : memref<128x64xf32, #tpu.memory_space<vmem>>) offsets(%dma_start3A_96 : memref<128xi32, #tpu.memory_space<vmem>>) semaphore(%run_scoped3A_89 : memref<!tpu.dma_semaphore, #tpu.memory_space<semaphore_mem>>)
      %dma_wait3A_100 = arith.constant 0 : i32
      %dma_wait3A_101 = arith.constant 0 : i32
      %dma_wait3A_102 = tpu.memref_slice %arg6[%run_scoped3A_77, %dma_wait3A_100, %dma_wait3A_101] : memref<4x128x64xf32, #tpu.memory_space<vmem>> -> memref<1x128x64xf32, #tpu.memory_space<vmem>>
      %dma_wait3A_103 = tpu.memref_squeeze %dma_wait3A_102 : memref<1x128x64xf32, #tpu.memory_space<vmem>> -> memref<128x64xf32, #tpu.memory_space<vmem>>
      %dma_wait3A_104 = arith.constant 9856 : i32
      %dma_wait3A_105 = tpu.memref_slice %arg5[%run_scoped3A_76, %dma_wait3A_104] : memref<2x10000xi32, #tpu.memory_space<vmem>> -> memref<1x128xi32, #tpu.memory_space<vmem>>
      %dma_wait3A_106 = tpu.memref_squeeze %dma_wait3A_105 : memref<1x128xi32, #tpu.memory_space<vmem>> -> memref<128xi32, #tpu.memory_space<vmem>>
      %dma_wait3A_107 = arith.constant 0 : i32
      %dma_wait3A_108 = arith.constant 0 : i32
      %dma_wait3A_109 = tpu.memref_slice %arg2[%dma_wait3A_107, %dma_wait3A_108] : memref<10000x64xf32, #tpu.memory_space<hbm>> -> memref<10000x64xf32, #tpu.memory_space<hbm>>
      tpu.wait_indirect_dma semaphore(%run_scoped3A_89 : memref<!tpu.dma_semaphore, #tpu.memory_space<semaphore_mem>>) src(%dma_wait3A_109 : memref<10000x64xf32, #tpu.memory_space<hbm>>) dst(%dma_wait3A_103 : memref<128x64xf32, #tpu.memory_space<vmem>>)
      tpu.yield
    }) : () -> ()
    %run_scoped3A_78 = arith.constant 0 : i32
    %run_scoped3A_79 = arith.constant 1 : i32
    "tpu.region"() ({
      %run_scoped3A_89 = tpu.sem_alloc : memref<!tpu.dma_semaphore, #tpu.memory_space<semaphore_mem>>
      %dma_start3A_90 = arith.constant 0 : i32
      %dma_start3A_91 = arith.constant 0 : i32
      %dma_start3A_92 = tpu.memref_slice %arg6[%run_scoped3A_78, %dma_start3A_90, %dma_start3A_91] : memref<4x128x64xf32, #tpu.memory_space<vmem>> -> memref<1x128x64xf32, #tpu.memory_space<vmem>>
      %dma_start3A_93 = tpu.memref_squeeze %dma_start3A_92 : memref<1x128x64xf32, #tpu.memory_space<vmem>> -> memref<128x64xf32, #tpu.memory_space<vmem>>
      %dma_start3A_94 = arith.constant 9856 : i32
      %dma_start3A_95 = tpu.memref_slice %arg5[%run_scoped3A_79, %dma_start3A_94] : memref<2x10000xi32, #tpu.memory_space<vmem>> -> memref<1x128xi32, #tpu.memory_space<vmem>>
      %dma_start3A_96 = tpu.memref_squeeze %dma_start3A_95 : memref<1x128xi32, #tpu.memory_space<vmem>> -> memref<128xi32, #tpu.memory_space<vmem>>
      %dma_start3A_97 = arith.constant 0 : i32
      %dma_start3A_98 = arith.constant 0 : i32
      %dma_start3A_99 = tpu.memref_slice %arg7[%dma_start3A_97, %dma_start3A_98] : memref<10000x64xf32, #tpu.memory_space<vmem_shared>> -> memref<10000x64xf32, #tpu.memory_space<vmem_shared>>
      tpu.enqueue_indirect_dma source(%dma_start3A_93 : memref<128x64xf32, #tpu.memory_space<vmem>>) target(%dma_start3A_99 : memref<10000x64xf32, #tpu.memory_space<vmem_shared>>) offsets(%dma_start3A_96 : memref<128xi32, #tpu.memory_space<vmem>>) semaphore(%run_scoped3A_89 : memref<!tpu.dma_semaphore, #tpu.memory_space<semaphore_mem>>) {add = true}
      %dma_wait3A_100 = arith.constant 0 : i32
      %dma_wait3A_101 = arith.constant 0 : i32
      %dma_wait3A_102 = tpu.memref_slice %arg6[%run_scoped3A_78, %dma_wait3A_100, %dma_wait3A_101] : memref<4x128x64xf32, #tpu.memory_space<vmem>> -> memref<1x128x64xf32, #tpu.memory_space<vmem>>
      %dma_wait3A_103 = tpu.memref_squeeze %dma_wait3A_102 : memref<1x128x64xf32, #tpu.memory_space<vmem>> -> memref<128x64xf32, #tpu.memory_space<vmem>>
      %dma_wait3A_104 = arith.constant 9856 : i32
      %dma_wait3A_105 = tpu.memref_slice %arg5[%run_scoped3A_79, %dma_wait3A_104] : memref<2x10000xi32, #tpu.memory_space<vmem>> -> memref<1x128xi32, #tpu.memory_space<vmem>>
      %dma_wait3A_106 = tpu.memref_squeeze %dma_wait3A_105 : memref<1x128xi32, #tpu.memory_space<vmem>> -> memref<128xi32, #tpu.memory_space<vmem>>
      %dma_wait3A_107 = arith.constant 0 : i32
      %dma_wait3A_108 = arith.constant 0 : i32
      %dma_wait3A_109 = tpu.memref_slice %arg7[%dma_wait3A_107, %dma_wait3A_108] : memref<10000x64xf32, #tpu.memory_space<vmem_shared>> -> memref<10000x64xf32, #tpu.memory_space<vmem_shared>>
      tpu.wait_indirect_dma semaphore(%run_scoped3A_89 : memref<!tpu.dma_semaphore, #tpu.memory_space<semaphore_mem>>) src(%dma_wait3A_103 : memref<128x64xf32, #tpu.memory_space<vmem>>) dst(%dma_wait3A_109 : memref<10000x64xf32, #tpu.memory_space<vmem_shared>>)
      tpu.yield
    }) : () -> ()
    %run_scoped3A_80 = arith.constant 0 : i32
    %run_scoped3A_81 = arith.constant 0 : i32
    "tpu.region"() ({
      %run_scoped3A_89 = tpu.sem_alloc : memref<!tpu.dma_semaphore, #tpu.memory_space<semaphore_mem>>
      %dma_start3A_90 = arith.constant 0 : i32
      %dma_start3A_91 = arith.constant 0 : i32
      %dma_start3A_92 = tpu.memref_slice %arg6[%run_scoped3A_81, %dma_start3A_90, %dma_start3A_91] : memref<4x128x64xf32, #tpu.memory_space<vmem>> -> memref<1x16x64xf32, #tpu.memory_space<vmem>>
      %dma_start3A_93 = tpu.memref_squeeze %dma_start3A_92 : memref<1x16x64xf32, #tpu.memory_space<vmem>> -> memref<16x64xf32, #tpu.memory_space<vmem>>
      %dma_start3A_94 = arith.constant 9984 : i32
      %dma_start3A_95 = tpu.memref_slice %arg5[%run_scoped3A_80, %dma_start3A_94] : memref<2x10000xi32, #tpu.memory_space<vmem>> -> memref<1x16xi32, #tpu.memory_space<vmem>>
      %dma_start3A_96 = tpu.memref_squeeze %dma_start3A_95 : memref<1x16xi32, #tpu.memory_space<vmem>> -> memref<16xi32, #tpu.memory_space<vmem>>
      %dma_start3A_97 = arith.constant 0 : i32
      %dma_start3A_98 = arith.constant 0 : i32
      %dma_start3A_99 = tpu.memref_slice %arg2[%dma_start3A_97, %dma_start3A_98] : memref<10000x64xf32, #tpu.memory_space<hbm>> -> memref<10000x64xf32, #tpu.memory_space<hbm>>
      tpu.enqueue_indirect_dma source(%dma_start3A_99 : memref<10000x64xf32, #tpu.memory_space<hbm>>) target(%dma_start3A_93 : memref<16x64xf32, #tpu.memory_space<vmem>>) offsets(%dma_start3A_96 : memref<16xi32, #tpu.memory_space<vmem>>) semaphore(%run_scoped3A_89 : memref<!tpu.dma_semaphore, #tpu.memory_space<semaphore_mem>>)
      %dma_wait3A_100 = arith.constant 0 : i32
      %dma_wait3A_101 = arith.constant 0 : i32
      %dma_wait3A_102 = tpu.memref_slice %arg6[%run_scoped3A_81, %dma_wait3A_100, %dma_wait3A_101] : memref<4x128x64xf32, #tpu.memory_space<vmem>> -> memref<1x16x64xf32, #tpu.memory_space<vmem>>
      %dma_wait3A_103 = tpu.memref_squeeze %dma_wait3A_102 : memref<1x16x64xf32, #tpu.memory_space<vmem>> -> memref<16x64xf32, #tpu.memory_space<vmem>>
      %dma_wait3A_104 = arith.constant 9984 : i32
      %dma_wait3A_105 = tpu.memref_slice %arg5[%run_scoped3A_80, %dma_wait3A_104] : memref<2x10000xi32, #tpu.memory_space<vmem>> -> memref<1x16xi32, #tpu.memory_space<vmem>>
      %dma_wait3A_106 = tpu.memref_squeeze %dma_wait3A_105 : memref<1x16xi32, #tpu.memory_space<vmem>> -> memref<16xi32, #tpu.memory_space<vmem>>
      %dma_wait3A_107 = arith.constant 0 : i32
      %dma_wait3A_108 = arith.constant 0 : i32
      %dma_wait3A_109 = tpu.memref_slice %arg2[%dma_wait3A_107, %dma_wait3A_108] : memref<10000x64xf32, #tpu.memory_space<hbm>> -> memref<10000x64xf32, #tpu.memory_space<hbm>>
      tpu.wait_indirect_dma semaphore(%run_scoped3A_89 : memref<!tpu.dma_semaphore, #tpu.memory_space<semaphore_mem>>) src(%dma_wait3A_109 : memref<10000x64xf32, #tpu.memory_space<hbm>>) dst(%dma_wait3A_103 : memref<16x64xf32, #tpu.memory_space<vmem>>)
      tpu.yield
    }) : () -> ()
    %run_scoped3A_82 = arith.constant 0 : i32
    %run_scoped3A_83 = arith.constant 1 : i32
    "tpu.region"() ({
      %run_scoped3A_89 = tpu.sem_alloc : memref<!tpu.dma_semaphore, #tpu.memory_space<semaphore_mem>>
      %dma_start3A_90 = arith.constant 0 : i32
      %dma_start3A_91 = arith.constant 0 : i32
      %dma_start3A_92 = tpu.memref_slice %arg6[%run_scoped3A_82, %dma_start3A_90, %dma_start3A_91] : memref<4x128x64xf32, #tpu.memory_space<vmem>> -> memref<1x16x64xf32, #tpu.memory_space<vmem>>
      %dma_start3A_93 = tpu.memref_squeeze %dma_start3A_92 : memref<1x16x64xf32, #tpu.memory_space<vmem>> -> memref<16x64xf32, #tpu.memory_space<vmem>>
      %dma_start3A_94 = arith.constant 9984 : i32
      %dma_start3A_95 = tpu.memref_slice %arg5[%run_scoped3A_83, %dma_start3A_94] : memref<2x10000xi32, #tpu.memory_space<vmem>> -> memref<1x16xi32, #tpu.memory_space<vmem>>
      %dma_start3A_96 = tpu.memref_squeeze %dma_start3A_95 : memref<1x16xi32, #tpu.memory_space<vmem>> -> memref<16xi32, #tpu.memory_space<vmem>>
      %dma_start3A_97 = arith.constant 0 : i32
      %dma_start3A_98 = arith.constant 0 : i32
      %dma_start3A_99 = tpu.memref_slice %arg7[%dma_start3A_97, %dma_start3A_98] : memref<10000x64xf32, #tpu.memory_space<vmem_shared>> -> memref<10000x64xf32, #tpu.memory_space<vmem_shared>>
      tpu.enqueue_indirect_dma source(%dma_start3A_93 : memref<16x64xf32, #tpu.memory_space<vmem>>) target(%dma_start3A_99 : memref<10000x64xf32, #tpu.memory_space<vmem_shared>>) offsets(%dma_start3A_96 : memref<16xi32, #tpu.memory_space<vmem>>) semaphore(%run_scoped3A_89 : memref<!tpu.dma_semaphore, #tpu.memory_space<semaphore_mem>>) {add = true}
      %dma_wait3A_100 = arith.constant 0 : i32
      %dma_wait3A_101 = arith.constant 0 : i32
      %dma_wait3A_102 = tpu.memref_slice %arg6[%run_scoped3A_82, %dma_wait3A_100, %dma_wait3A_101] : memref<4x128x64xf32, #tpu.memory_space<vmem>> -> memref<1x16x64xf32, #tpu.memory_space<vmem>>
      %dma_wait3A_103 = tpu.memref_squeeze %dma_wait3A_102 : memref<1x16x64xf32, #tpu.memory_space<vmem>> -> memref<16x64xf32, #tpu.memory_space<vmem>>
      %dma_wait3A_104 = arith.constant 9984 : i32
      %dma_wait3A_105 = tpu.memref_slice %arg5[%run_scoped3A_83, %dma_wait3A_104] : memref<2x10000xi32, #tpu.memory_space<vmem>> -> memref<1x16xi32, #tpu.memory_space<vmem>>
      %dma_wait3A_106 = tpu.memref_squeeze %dma_wait3A_105 : memref<1x16xi32, #tpu.memory_space<vmem>> -> memref<16xi32, #tpu.memory_space<vmem>>
      %dma_wait3A_107 = arith.constant 0 : i32
      %dma_wait3A_108 = arith.constant 0 : i32
      %dma_wait3A_109 = tpu.memref_slice %arg7[%dma_wait3A_107, %dma_wait3A_108] : memref<10000x64xf32, #tpu.memory_space<vmem_shared>> -> memref<10000x64xf32, #tpu.memory_space<vmem_shared>>
      tpu.wait_indirect_dma semaphore(%run_scoped3A_89 : memref<!tpu.dma_semaphore, #tpu.memory_space<semaphore_mem>>) src(%dma_wait3A_103 : memref<16x64xf32, #tpu.memory_space<vmem>>) dst(%dma_wait3A_109 : memref<10000x64xf32, #tpu.memory_space<vmem_shared>>)
      tpu.yield
    }) : () -> ()
    %barrier3A_84 = arith.constant 0 : index
    tpu.barrier barrier_id(%barrier3A_84)
    %mul3A_85 = arith.constant 625 : i32
    %mul3A_86 = arith.muli %arg1, %mul3A_85 : i32
    %mul3A_87 = arith.constant 625 : i32
    %mul3A_88 = arith.muli %arg1, %mul3A_87 : i32
    "tpu.region"() ({
      %run_scoped3A_89 = tpu.sem_alloc : memref<!tpu.dma_semaphore, #tpu.memory_space<semaphore_mem>>
      %dma_start3A_90 = arith.constant 0 : i32
      %dma_start3A_91 = tpu.memref_slice %arg4[%arg0, %mul3A_88, %dma_start3A_90] : memref<2x10000x64xf32, #tpu.memory_space<hbm>> -> memref<1x625x64xf32, #tpu.memory_space<hbm>>
      %dma_start3A_92 = tpu.memref_squeeze %dma_start3A_91 : memref<1x625x64xf32, #tpu.memory_space<hbm>> -> memref<625x64xf32, #tpu.memory_space<hbm>>
      %dma_start3A_93 = arith.constant 0 : i32
      %dma_start3A_94 = tpu.memref_slice %arg7[%mul3A_86, %dma_start3A_93] : memref<10000x64xf32, #tpu.memory_space<vmem_shared>> -> memref<625x64xf32, #tpu.memory_space<vmem_shared>>
      tpu.enqueue_dma source(%dma_start3A_94 : memref<625x64xf32, #tpu.memory_space<vmem_shared>>) target(%dma_start3A_92 : memref<625x64xf32, #tpu.memory_space<hbm>>) target_semaphore(%run_scoped3A_89 : memref<!tpu.dma_semaphore, #tpu.memory_space<semaphore_mem>>)
      %dma_wait3A_95 = arith.constant 0 : i32
      %dma_wait3A_96 = tpu.memref_slice %arg4[%arg0, %mul3A_88, %dma_wait3A_95] : memref<2x10000x64xf32, #tpu.memory_space<hbm>> -> memref<1x625x64xf32, #tpu.memory_space<hbm>>
      %dma_wait3A_97 = tpu.memref_squeeze %dma_wait3A_96 : memref<1x625x64xf32, #tpu.memory_space<hbm>> -> memref<625x64xf32, #tpu.memory_space<hbm>>
      %dma_wait3A_98 = arith.constant 0 : i32
      %dma_wait3A_99 = tpu.memref_slice %arg7[%mul3A_86, %dma_wait3A_98] : memref<10000x64xf32, #tpu.memory_space<vmem_shared>> -> memref<625x64xf32, #tpu.memory_space<vmem_shared>>
      tpu.wait_dma2 semaphore(%run_scoped3A_89 : memref<!tpu.dma_semaphore, #tpu.memory_space<semaphore_mem>>) src(%dma_wait3A_99 : memref<625x64xf32, #tpu.memory_space<vmem_shared>>) dst(%dma_wait3A_97 : memref<625x64xf32, #tpu.memory_space<hbm>>)
      tpu.yield
    }) : () -> ()
    return
  }
}

#map = affine_map<(d0, d1) -> (0, 0)>
module attributes {stable_mosaic.version = 14 : i64} {
  func.func @body(%arg0: i32, %arg1: i32, %arg2: memref<2x320000xi32, #tpu.memory_space<hbm>>, %arg3: memref<2x10000xf32, #tpu.memory_space<hbm>>, %arg4: memref<1x10000xi32, #tpu.memory_space<vmem>>, %arg5: memref<128xf32, #tpu.memory_space<vmem>>, %arg6: memref<640xf32, #tpu.memory_space<vmem>>, %arg7: memref<10000xf32, #tpu.memory_space<vmem_shared>>, %arg8: memref<!tpu.dma_semaphore, #tpu.memory_space<semaphore_mem>>) attributes {dimension_semantics = [#tpu.dimension_semantics<core_parallel>, #tpu.dimension_semantics<subcore_parallel>], iteration_bounds = array<i64: 2, 16>, scalar_prefetch = 0 : i64, scratch_operands = 5 : i64, tpu.core_type = #tpu.core_type<sc_vector_subcore>, window_params = [{transform_indices = #map}, {transform_indices = #map}]} {
    %mul3A = arith.constant 16 : i32
    %mul3A_0 = arith.muli %arg0, %mul3A : i32
    %add3A = arith.addi %mul3A_0, %arg1 : i32
    %scan3A = arith.constant 0 : i32
    %scan3A_1 = arith.constant 8 : i32
    %scan3A_2 = arith.addi %scan3A, %scan3A_1 : i32
    %scan3A_3 = arith.constant 1 : i32
    scf.for %scan3A_53 = %scan3A to %scan3A_2 step %scan3A_3  : i32 {
      %mul3A_54 = arith.constant 16 : i32
      %mul3A_55 = arith.muli %scan3A_53, %mul3A_54 : i32
      %add3A_56 = arith.constant 0 : i32
      %add3A_57 = arith.addi %add3A_56, %mul3A_55 : i32
      %broadcast_in_dim3A = arith.constant 1.000000e+00 : f32
      %broadcast_in_dim3A_58 = vector.broadcast %broadcast_in_dim3A : f32 to vector<16xf32>
      %swap3A = arith.index_cast %add3A_57 : i32 to index
      %swap3A_59 = tpu.vector_load %arg5[%swap3A] {strides = array<i32>} : memref<128xf32, #tpu.memory_space<vmem>>, vector<16xf32>,
      %swap3A_60 = vector.shape_cast %swap3A_59 : vector<16xf32> to vector<16xf32>
      %swap3A_61 = vector.shape_cast %broadcast_in_dim3A_58 : vector<16xf32> to vector<16xf32>
      tpu.vector_store %arg5[%swap3A], %swap3A_61 {strides = array<i32>} : memref<128xf32, #tpu.memory_space<vmem>>, vector<16xf32>,
    }
    %scan3A_4 = arith.constant 8 : i32
    %scan3A_5 = arith.constant 0 : i32
    %scan3A_6 = arith.constant 40 : i32
    %scan3A_7 = arith.addi %scan3A_5, %scan3A_6 : i32
    %scan3A_8 = arith.constant 1 : i32
    scf.for %scan3A_53 = %scan3A_5 to %scan3A_7 step %scan3A_8  : i32 {
      %mul3A_54 = arith.constant 16 : i32
      %mul3A_55 = arith.muli %scan3A_53, %mul3A_54 : i32
      %add3A_56 = arith.constant 0 : i32
      %add3A_57 = arith.addi %add3A_56, %mul3A_55 : i32
      %broadcast_in_dim3A = arith.constant 0.000000e+00 : f32
      %broadcast_in_dim3A_58 = vector.broadcast %broadcast_in_dim3A : f32 to vector<16xf32>
      %swap3A = arith.index_cast %add3A_57 : i32 to index
      %swap3A_59 = tpu.vector_load %arg6[%swap3A] {strides = array<i32>} : memref<640xf32, #tpu.memory_space<vmem>>, vector<16xf32>,
      %swap3A_60 = vector.shape_cast %swap3A_59 : vector<16xf32> to vector<16xf32>
      %swap3A_61 = vector.shape_cast %broadcast_in_dim3A_58 : vector<16xf32> to vector<16xf32>
      tpu.vector_store %arg6[%swap3A], %swap3A_61 {strides = array<i32>} : memref<640xf32, #tpu.memory_space<vmem>>, vector<16xf32>,
    }
    %scan3A_9 = arith.constant 40 : i32
    %lt3A = arith.constant 15 : i32
    %lt3A_10 = arith.cmpi slt, %arg1, %lt3A : i32
    %convert_element_type3A = arith.extui %lt3A_10 : i1 to i32
    %cond3A = arith.constant 0 : i32
    %cond3A_11 = arith.cmpi ne, %convert_element_type3A, %cond3A : i32
    scf.if %cond3A_11 {
      %mul3A_53 = arith.constant 624 : i32
      %mul3A_54 = arith.muli %arg1, %mul3A_53 : i32
      "tpu.region"() ({
        %run_scoped3A_55 = tpu.sem_alloc : memref<!tpu.dma_semaphore, #tpu.memory_space<semaphore_mem>>
        %dma_start3A = arith.constant 0 : i32
        %dma_start3A_56 = tpu.memref_slice %arg6[%dma_start3A] : memref<640xf32, #tpu.memory_space<vmem>> -> memref<624xf32, #tpu.memory_space<vmem>>
        %dma_start3A_57 = tpu.memref_slice %arg7[%mul3A_54] : memref<10000xf32, #tpu.memory_space<vmem_shared>> -> memref<624xf32, #tpu.memory_space<vmem_shared>>
        %dma_start3A_58 = tpu.memref_slice %arg7[%mul3A_54] : memref<10000xf32, #tpu.memory_space<vmem_shared>> -> memref<624xf32, #tpu.memory_space<vmem_shared>>
        %dma_start3A_59 = arith.constant 0 : i32
        %dma_start3A_60 = tpu.memref_slice %arg6[%dma_start3A_59] : memref<640xf32, #tpu.memory_space<vmem>> -> memref<624xf32, #tpu.memory_space<vmem>>
        tpu.enqueue_dma source(%dma_start3A_60 : memref<624xf32, #tpu.memory_space<vmem>>) target(%dma_start3A_58 : memref<624xf32, #tpu.memory_space<vmem_shared>>) target_semaphore(%run_scoped3A_55 : memref<!tpu.dma_semaphore, #tpu.memory_space<semaphore_mem>>)
        %dma_wait3A_61 = arith.constant 0 : i32
        %dma_wait3A_62 = tpu.memref_slice %arg6[%dma_wait3A_61] : memref<640xf32, #tpu.memory_space<vmem>> -> memref<624xf32, #tpu.memory_space<vmem>>
        %dma_wait3A_63 = tpu.memref_slice %arg7[%mul3A_54] : memref<10000xf32, #tpu.memory_space<vmem_shared>> -> memref<624xf32, #tpu.memory_space<vmem_shared>>
        %dma_wait3A_64 = tpu.memref_slice %arg7[%mul3A_54] : memref<10000xf32, #tpu.memory_space<vmem_shared>> -> memref<624xf32, #tpu.memory_space<vmem_shared>>
        %dma_wait3A_65 = arith.constant 0 : i32
        %dma_wait3A_66 = tpu.memref_slice %arg6[%dma_wait3A_65] : memref<640xf32, #tpu.memory_space<vmem>> -> memref<624xf32, #tpu.memory_space<vmem>>
        tpu.wait_dma2 semaphore(%run_scoped3A_55 : memref<!tpu.dma_semaphore, #tpu.memory_space<semaphore_mem>>) src(%dma_wait3A_66 : memref<624xf32, #tpu.memory_space<vmem>>) dst(%dma_wait3A_64 : memref<624xf32, #tpu.memory_space<vmem_shared>>)
        tpu.yield
      }) : () -> ()
    } else {
    }
    %eq3A = arith.constant 15 : i32
    %eq3A_12 = arith.cmpi eq, %arg1, %eq3A : i32
    %convert_element_type3A_13 = arith.extui %eq3A_12 : i1 to i32
    %cond3A_14 = arith.constant 0 : i32
    %cond3A_15 = arith.cmpi ne, %convert_element_type3A_13, %cond3A_14 : i32
    scf.if %cond3A_15 {
      %mul3A_53 = arith.constant 624 : i32
      %mul3A_54 = arith.muli %arg1, %mul3A_53 : i32
      "tpu.region"() ({
        %run_scoped3A_55 = tpu.sem_alloc : memref<!tpu.dma_semaphore, #tpu.memory_space<semaphore_mem>>
        %dma_start3A = arith.constant 0 : i32
        %dma_start3A_56 = tpu.memref_slice %arg6[%dma_start3A] : memref<640xf32, #tpu.memory_space<vmem>> -> memref<640xf32, #tpu.memory_space<vmem>>
        %dma_start3A_57 = tpu.memref_slice %arg7[%mul3A_54] : memref<10000xf32, #tpu.memory_space<vmem_shared>> -> memref<640xf32, #tpu.memory_space<vmem_shared>>
        %dma_start3A_58 = tpu.memref_slice %arg7[%mul3A_54] : memref<10000xf32, #tpu.memory_space<vmem_shared>> -> memref<640xf32, #tpu.memory_space<vmem_shared>>
        %dma_start3A_59 = arith.constant 0 : i32
        %dma_start3A_60 = tpu.memref_slice %arg6[%dma_start3A_59] : memref<640xf32, #tpu.memory_space<vmem>> -> memref<640xf32, #tpu.memory_space<vmem>>
        tpu.enqueue_dma source(%dma_start3A_60 : memref<640xf32, #tpu.memory_space<vmem>>) target(%dma_start3A_58 : memref<640xf32, #tpu.memory_space<vmem_shared>>) target_semaphore(%run_scoped3A_55 : memref<!tpu.dma_semaphore, #tpu.memory_space<semaphore_mem>>)
        %dma_wait3A_61 = arith.constant 0 : i32
        %dma_wait3A_62 = tpu.memref_slice %arg6[%dma_wait3A_61] : memref<640xf32, #tpu.memory_space<vmem>> -> memref<640xf32, #tpu.memory_space<vmem>>
        %dma_wait3A_63 = tpu.memref_slice %arg7[%mul3A_54] : memref<10000xf32, #tpu.memory_space<vmem_shared>> -> memref<640xf32, #tpu.memory_space<vmem_shared>>
        %dma_wait3A_64 = tpu.memref_slice %arg7[%mul3A_54] : memref<10000xf32, #tpu.memory_space<vmem_shared>> -> memref<640xf32, #tpu.memory_space<vmem_shared>>
        %dma_wait3A_65 = arith.constant 0 : i32
        %dma_wait3A_66 = tpu.memref_slice %arg6[%dma_wait3A_65] : memref<640xf32, #tpu.memory_space<vmem>> -> memref<640xf32, #tpu.memory_space<vmem>>
        tpu.wait_dma2 semaphore(%run_scoped3A_55 : memref<!tpu.dma_semaphore, #tpu.memory_space<semaphore_mem>>) src(%dma_wait3A_66 : memref<640xf32, #tpu.memory_space<vmem>>) dst(%dma_wait3A_64 : memref<640xf32, #tpu.memory_space<vmem_shared>>)
        tpu.yield
      }) : () -> ()
    } else {
    }
    %mul3A_16 = arith.constant 10000 : i32
    %mul3A_17 = arith.muli %add3A, %mul3A_16 : i32
    %run_scoped3A = arith.constant 1 : i32
    %run_scoped3A_18 = arith.constant 0 : i32
    "tpu.region"() ({
      %run_scoped3A_53 = tpu.sem_alloc : memref<!tpu.dma_semaphore, #tpu.memory_space<semaphore_mem>>
      %dma_start3A = arith.constant 0 : i32
      %dma_start3A_54 = tpu.memref_slice %arg4[%run_scoped3A_18, %dma_start3A] : memref<1x10000xi32, #tpu.memory_space<vmem>> -> memref<1x10000xi32, #tpu.memory_space<vmem>>
      %dma_start3A_55 = tpu.memref_squeeze %dma_start3A_54 : memref<1x10000xi32, #tpu.memory_space<vmem>> -> memref<10000xi32, #tpu.memory_space<vmem>>
      %dma_start3A_56 = tpu.memref_slice %arg2[%run_scoped3A, %mul3A_17] : memref<2x320000xi32, #tpu.memory_space<hbm>> -> memref<1x10000xi32, #tpu.memory_space<hbm>>
      %dma_start3A_57 = tpu.memref_squeeze %dma_start3A_56 : memref<1x10000xi32, #tpu.memory_space<hbm>> -> memref<10000xi32, #tpu.memory_space<hbm>>
      %dma_start3A_58 = arith.constant 0 : i32
      %dma_start3A_59 = tpu.memref_slice %arg4[%run_scoped3A_18, %dma_start3A_58] : memref<1x10000xi32, #tpu.memory_space<vmem>> -> memref<1x10000xi32, #tpu.memory_space<vmem>>
      %dma_start3A_60 = tpu.memref_squeeze %dma_start3A_59 : memref<1x10000xi32, #tpu.memory_space<vmem>> -> memref<10000xi32, #tpu.memory_space<vmem>>
      %dma_start3A_61 = tpu.memref_slice %arg2[%run_scoped3A, %mul3A_17] : memref<2x320000xi32, #tpu.memory_space<hbm>> -> memref<1x10000xi32, #tpu.memory_space<hbm>>
      %dma_start3A_62 = tpu.memref_squeeze %dma_start3A_61 : memref<1x10000xi32, #tpu.memory_space<hbm>> -> memref<10000xi32, #tpu.memory_space<hbm>>
      tpu.enqueue_dma source(%dma_start3A_62 : memref<10000xi32, #tpu.memory_space<hbm>>) target(%dma_start3A_60 : memref<10000xi32, #tpu.memory_space<vmem>>) target_semaphore(%run_scoped3A_53 : memref<!tpu.dma_semaphore, #tpu.memory_space<semaphore_mem>>)
      %dma_wait3A_63 = arith.constant 0 : i32
      %dma_wait3A_64 = tpu.memref_slice %arg4[%run_scoped3A_18, %dma_wait3A_63] : memref<1x10000xi32, #tpu.memory_space<vmem>> -> memref<1x10000xi32, #tpu.memory_space<vmem>>
      %dma_wait3A_65 = tpu.memref_squeeze %dma_wait3A_64 : memref<1x10000xi32, #tpu.memory_space<vmem>> -> memref<10000xi32, #tpu.memory_space<vmem>>
      %dma_wait3A_66 = tpu.memref_slice %arg2[%run_scoped3A, %mul3A_17] : memref<2x320000xi32, #tpu.memory_space<hbm>> -> memref<1x10000xi32, #tpu.memory_space<hbm>>
      %dma_wait3A_67 = tpu.memref_squeeze %dma_wait3A_66 : memref<1x10000xi32, #tpu.memory_space<hbm>> -> memref<10000xi32, #tpu.memory_space<hbm>>
      %dma_wait3A_68 = arith.constant 0 : i32
      %dma_wait3A_69 = tpu.memref_slice %arg4[%run_scoped3A_18, %dma_wait3A_68] : memref<1x10000xi32, #tpu.memory_space<vmem>> -> memref<1x10000xi32, #tpu.memory_space<vmem>>
      %dma_wait3A_70 = tpu.memref_squeeze %dma_wait3A_69 : memref<1x10000xi32, #tpu.memory_space<vmem>> -> memref<10000xi32, #tpu.memory_space<vmem>>
      %dma_wait3A_71 = tpu.memref_slice %arg2[%run_scoped3A, %mul3A_17] : memref<2x320000xi32, #tpu.memory_space<hbm>> -> memref<1x10000xi32, #tpu.memory_space<hbm>>
      %dma_wait3A_72 = tpu.memref_squeeze %dma_wait3A_71 : memref<1x10000xi32, #tpu.memory_space<hbm>> -> memref<10000xi32, #tpu.memory_space<hbm>>
      tpu.wait_dma2 semaphore(%run_scoped3A_53 : memref<!tpu.dma_semaphore, #tpu.memory_space<semaphore_mem>>) src(%dma_wait3A_72 : memref<10000xi32, #tpu.memory_space<hbm>>) dst(%dma_wait3A_70 : memref<10000xi32, #tpu.memory_space<vmem>>)
      tpu.yield
    }) : () -> ()
    %barrier3A = arith.constant 0 : index
    tpu.barrier barrier_id(%barrier3A)
    %scan3A_19 = arith.constant 0 : i32
    %scan3A_20 = arith.constant 26 : i32
    %scan3A_21 = arith.addi %scan3A_19, %scan3A_20 : i32
    %scan3A_22 = arith.constant 1 : i32
    scf.for %scan3A_53 = %scan3A_19 to %scan3A_21 step %scan3A_22  : i32 {
      %mul3A_54 = arith.constant 1 : i32
      %mul3A_55 = arith.muli %scan3A_53, %mul3A_54 : i32
      %add3A_56 = arith.constant 0 : i32
      %add3A_57 = arith.addi %add3A_56, %mul3A_55 : i32
      %mul3A_58 = arith.constant 3 : i32
      %mul3A_59 = arith.muli %add3A_57, %mul3A_58 : i32
      %mul3A_60 = arith.constant 128 : i32
      %mul3A_61 = arith.muli %mul3A_59, %mul3A_60 : i32
      %dma_start3A = arith.constant 0 : i32
      %dma_start3A_62 = tpu.memref_slice %arg4[%dma_start3A, %mul3A_61] : memref<1x10000xi32, #tpu.memory_space<vmem>> -> memref<1x128xi32, #tpu.memory_space<vmem>>
      %dma_start3A_63 = tpu.memref_squeeze %dma_start3A_62 : memref<1x128xi32, #tpu.memory_space<vmem>> -> memref<128xi32, #tpu.memory_space<vmem>>
      %dma_start3A_64 = arith.constant 0 : i32
      %dma_start3A_65 = tpu.memref_slice %arg7[%dma_start3A_64] : memref<10000xf32, #tpu.memory_space<vmem_shared>> -> memref<10000xf32, #tpu.memory_space<vmem_shared>>
      tpu.enqueue_indirect_dma source(%arg5 : memref<128xf32, #tpu.memory_space<vmem>>) target(%dma_start3A_65 : memref<10000xf32, #tpu.memory_space<vmem_shared>>) offsets(%dma_start3A_63 : memref<128xi32, #tpu.memory_space<vmem>>) semaphore(%arg8 : memref<!tpu.dma_semaphore, #tpu.memory_space<semaphore_mem>>) {add = true}
      %add3A_66 = arith.constant 1 : i32
      %add3A_67 = arith.addi %mul3A_59, %add3A_66 : i32
      %mul3A_68 = arith.constant 128 : i32
      %mul3A_69 = arith.muli %add3A_67, %mul3A_68 : i32
      %dma_start3A_70 = arith.constant 0 : i32
      %dma_start3A_71 = tpu.memref_slice %arg4[%dma_start3A_70, %mul3A_69] : memref<1x10000xi32, #tpu.memory_space<vmem>> -> memref<1x128xi32, #tpu.memory_space<vmem>>
      %dma_start3A_72 = tpu.memref_squeeze %dma_start3A_71 : memref<1x128xi32, #tpu.memory_space<vmem>> -> memref<128xi32, #tpu.memory_space<vmem>>
      %dma_start3A_73 = arith.constant 0 : i32
      %dma_start3A_74 = tpu.memref_slice %arg7[%dma_start3A_73] : memref<10000xf32, #tpu.memory_space<vmem_shared>> -> memref<10000xf32, #tpu.memory_space<vmem_shared>>
      tpu.enqueue_indirect_dma source(%arg5 : memref<128xf32, #tpu.memory_space<vmem>>) target(%dma_start3A_74 : memref<10000xf32, #tpu.memory_space<vmem_shared>>) offsets(%dma_start3A_72 : memref<128xi32, #tpu.memory_space<vmem>>) semaphore(%arg8 : memref<!tpu.dma_semaphore, #tpu.memory_space<semaphore_mem>>) {add = true}
      %add3A_75 = arith.constant 2 : i32
      %add3A_76 = arith.addi %mul3A_59, %add3A_75 : i32
      %mul3A_77 = arith.constant 128 : i32
      %mul3A_78 = arith.muli %add3A_76, %mul3A_77 : i32
      %dma_start3A_79 = arith.constant 0 : i32
      %dma_start3A_80 = tpu.memref_slice %arg4[%dma_start3A_79, %mul3A_78] : memref<1x10000xi32, #tpu.memory_space<vmem>> -> memref<1x128xi32, #tpu.memory_space<vmem>>
      %dma_start3A_81 = tpu.memref_squeeze %dma_start3A_80 : memref<1x128xi32, #tpu.memory_space<vmem>> -> memref<128xi32, #tpu.memory_space<vmem>>
      %dma_start3A_82 = arith.constant 0 : i32
      %dma_start3A_83 = tpu.memref_slice %arg7[%dma_start3A_82] : memref<10000xf32, #tpu.memory_space<vmem_shared>> -> memref<10000xf32, #tpu.memory_space<vmem_shared>>
      tpu.enqueue_indirect_dma source(%arg5 : memref<128xf32, #tpu.memory_space<vmem>>) target(%dma_start3A_83 : memref<10000xf32, #tpu.memory_space<vmem_shared>>) offsets(%dma_start3A_81 : memref<128xi32, #tpu.memory_space<vmem>>) semaphore(%arg8 : memref<!tpu.dma_semaphore, #tpu.memory_space<semaphore_mem>>) {add = true}
      %ge3A = arith.constant 1 : i32
      %ge3A_84 = arith.cmpi sge, %add3A_57, %ge3A : i32
      %convert_element_type3A_85 = arith.extui %ge3A_84 : i1 to i32
      %cond3A_86 = arith.constant 0 : i32
      %cond3A_87 = arith.cmpi ne, %convert_element_type3A_85, %cond3A_86 : i32
      scf.if %cond3A_87 {
        %sub3A = arith.constant 3 : i32
        %sub3A_88 = arith.subi %mul3A_59, %sub3A : i32
        %mul3A_89 = arith.constant 128 : i32
        %mul3A_90 = arith.muli %sub3A_88, %mul3A_89 : i32
        %dma_wait3A_91 = arith.constant 0 : i32
        %dma_wait3A_92 = tpu.memref_slice %arg4[%dma_wait3A_91, %mul3A_90] : memref<1x10000xi32, #tpu.memory_space<vmem>> -> memref<1x128xi32, #tpu.memory_space<vmem>>
        %dma_wait3A_93 = tpu.memref_squeeze %dma_wait3A_92 : memref<1x128xi32, #tpu.memory_space<vmem>> -> memref<128xi32, #tpu.memory_space<vmem>>
        %dma_wait3A_94 = arith.constant 0 : i32
        %dma_wait3A_95 = tpu.memref_slice %arg7[%dma_wait3A_94] : memref<10000xf32, #tpu.memory_space<vmem_shared>> -> memref<10000xf32, #tpu.memory_space<vmem_shared>>
        tpu.wait_indirect_dma semaphore(%arg8 : memref<!tpu.dma_semaphore, #tpu.memory_space<semaphore_mem>>) src(%arg5 : memref<128xf32, #tpu.memory_space<vmem>>) dst(%dma_wait3A_95 : memref<10000xf32, #tpu.memory_space<vmem_shared>>)
        %sub3A_96 = arith.constant 2 : i32
        %sub3A_97 = arith.subi %mul3A_59, %sub3A_96 : i32
        %mul3A_98 = arith.constant 128 : i32
        %mul3A_99 = arith.muli %sub3A_97, %mul3A_98 : i32
        %dma_wait3A_100 = arith.constant 0 : i32
        %dma_wait3A_101 = tpu.memref_slice %arg4[%dma_wait3A_100, %mul3A_99] : memref<1x10000xi32, #tpu.memory_space<vmem>> -> memref<1x128xi32, #tpu.memory_space<vmem>>
        %dma_wait3A_102 = tpu.memref_squeeze %dma_wait3A_101 : memref<1x128xi32, #tpu.memory_space<vmem>> -> memref<128xi32, #tpu.memory_space<vmem>>
        %dma_wait3A_103 = arith.constant 0 : i32
        %dma_wait3A_104 = tpu.memref_slice %arg7[%dma_wait3A_103] : memref<10000xf32, #tpu.memory_space<vmem_shared>> -> memref<10000xf32, #tpu.memory_space<vmem_shared>>
        tpu.wait_indirect_dma semaphore(%arg8 : memref<!tpu.dma_semaphore, #tpu.memory_space<semaphore_mem>>) src(%arg5 : memref<128xf32, #tpu.memory_space<vmem>>) dst(%dma_wait3A_104 : memref<10000xf32, #tpu.memory_space<vmem_shared>>)
        %sub3A_105 = arith.constant 1 : i32
        %sub3A_106 = arith.subi %mul3A_59, %sub3A_105 : i32
        %mul3A_107 = arith.constant 128 : i32
        %mul3A_108 = arith.muli %sub3A_106, %mul3A_107 : i32
        %dma_wait3A_109 = arith.constant 0 : i32
        %dma_wait3A_110 = tpu.memref_slice %arg4[%dma_wait3A_109, %mul3A_108] : memref<1x10000xi32, #tpu.memory_space<vmem>> -> memref<1x128xi32, #tpu.memory_space<vmem>>
        %dma_wait3A_111 = tpu.memref_squeeze %dma_wait3A_110 : memref<1x128xi32, #tpu.memory_space<vmem>> -> memref<128xi32, #tpu.memory_space<vmem>>
        %dma_wait3A_112 = arith.constant 0 : i32
        %dma_wait3A_113 = tpu.memref_slice %arg7[%dma_wait3A_112] : memref<10000xf32, #tpu.memory_space<vmem_shared>> -> memref<10000xf32, #tpu.memory_space<vmem_shared>>
        tpu.wait_indirect_dma semaphore(%arg8 : memref<!tpu.dma_semaphore, #tpu.memory_space<semaphore_mem>>) src(%arg5 : memref<128xf32, #tpu.memory_space<vmem>>) dst(%dma_wait3A_113 : memref<10000xf32, #tpu.memory_space<vmem_shared>>)
      } else {
      }
    }
    %scan3A_23 = arith.constant 26 : i32
    %dma_wait3A = arith.constant 0 : i32
    %dma_wait3A_24 = arith.constant 9600 : i32
    %dma_wait3A_25 = tpu.memref_slice %arg4[%dma_wait3A, %dma_wait3A_24] : memref<1x10000xi32, #tpu.memory_space<vmem>> -> memref<1x128xi32, #tpu.memory_space<vmem>>
    %dma_wait3A_26 = tpu.memref_squeeze %dma_wait3A_25 : memref<1x128xi32, #tpu.memory_space<vmem>> -> memref<128xi32, #tpu.memory_space<vmem>>
    %dma_wait3A_27 = arith.constant 0 : i32
    %dma_wait3A_28 = tpu.memref_slice %arg7[%dma_wait3A_27] : memref<10000xf32, #tpu.memory_space<vmem_shared>> -> memref<10000xf32, #tpu.memory_space<vmem_shared>>
    tpu.wait_indirect_dma semaphore(%arg8 : memref<!tpu.dma_semaphore, #tpu.memory_space<semaphore_mem>>) src(%arg5 : memref<128xf32, #tpu.memory_space<vmem>>) dst(%dma_wait3A_28 : memref<10000xf32, #tpu.memory_space<vmem_shared>>)
    %dma_wait3A_29 = arith.constant 0 : i32
    %dma_wait3A_30 = arith.constant 9728 : i32
    %dma_wait3A_31 = tpu.memref_slice %arg4[%dma_wait3A_29, %dma_wait3A_30] : memref<1x10000xi32, #tpu.memory_space<vmem>> -> memref<1x128xi32, #tpu.memory_space<vmem>>
    %dma_wait3A_32 = tpu.memref_squeeze %dma_wait3A_31 : memref<1x128xi32, #tpu.memory_space<vmem>> -> memref<128xi32, #tpu.memory_space<vmem>>
    %dma_wait3A_33 = arith.constant 0 : i32
    %dma_wait3A_34 = tpu.memref_slice %arg7[%dma_wait3A_33] : memref<10000xf32, #tpu.memory_space<vmem_shared>> -> memref<10000xf32, #tpu.memory_space<vmem_shared>>
    tpu.wait_indirect_dma semaphore(%arg8 : memref<!tpu.dma_semaphore, #tpu.memory_space<semaphore_mem>>) src(%arg5 : memref<128xf32, #tpu.memory_space<vmem>>) dst(%dma_wait3A_34 : memref<10000xf32, #tpu.memory_space<vmem_shared>>)
    %dma_wait3A_35 = arith.constant 0 : i32
    %dma_wait3A_36 = arith.constant 9856 : i32
    %dma_wait3A_37 = tpu.memref_slice %arg4[%dma_wait3A_35, %dma_wait3A_36] : memref<1x10000xi32, #tpu.memory_space<vmem>> -> memref<1x128xi32, #tpu.memory_space<vmem>>
    %dma_wait3A_38 = tpu.memref_squeeze %dma_wait3A_37 : memref<1x128xi32, #tpu.memory_space<vmem>> -> memref<128xi32, #tpu.memory_space<vmem>>
    %dma_wait3A_39 = arith.constant 0 : i32
    %dma_wait3A_40 = tpu.memref_slice %arg7[%dma_wait3A_39] : memref<10000xf32, #tpu.memory_space<vmem_shared>> -> memref<10000xf32, #tpu.memory_space<vmem_shared>>
    tpu.wait_indirect_dma semaphore(%arg8 : memref<!tpu.dma_semaphore, #tpu.memory_space<semaphore_mem>>) src(%arg5 : memref<128xf32, #tpu.memory_space<vmem>>) dst(%dma_wait3A_40 : memref<10000xf32, #tpu.memory_space<vmem_shared>>)
    %run_scoped3A_41 = arith.constant 0 : i32
    "tpu.region"() ({
      %run_scoped3A_53 = tpu.sem_alloc : memref<!tpu.dma_semaphore, #tpu.memory_space<semaphore_mem>>
      %dma_start3A = arith.constant 0 : i32
      %dma_start3A_54 = tpu.memref_slice %arg5[%dma_start3A] : memref<128xf32, #tpu.memory_space<vmem>> -> memref<16xf32, #tpu.memory_space<vmem>>
      %dma_start3A_55 = arith.constant 9984 : i32
      %dma_start3A_56 = tpu.memref_slice %arg4[%run_scoped3A_41, %dma_start3A_55] : memref<1x10000xi32, #tpu.memory_space<vmem>> -> memref<1x16xi32, #tpu.memory_space<vmem>>
      %dma_start3A_57 = tpu.memref_squeeze %dma_start3A_56 : memref<1x16xi32, #tpu.memory_space<vmem>> -> memref<16xi32, #tpu.memory_space<vmem>>
      %dma_start3A_58 = arith.constant 0 : i32
      %dma_start3A_59 = tpu.memref_slice %arg7[%dma_start3A_58] : memref<10000xf32, #tpu.memory_space<vmem_shared>> -> memref<10000xf32, #tpu.memory_space<vmem_shared>>
      tpu.enqueue_indirect_dma source(%dma_start3A_54 : memref<16xf32, #tpu.memory_space<vmem>>) target(%dma_start3A_59 : memref<10000xf32, #tpu.memory_space<vmem_shared>>) offsets(%dma_start3A_57 : memref<16xi32, #tpu.memory_space<vmem>>) semaphore(%run_scoped3A_53 : memref<!tpu.dma_semaphore, #tpu.memory_space<semaphore_mem>>) {add = true}
      %dma_wait3A_60 = arith.constant 0 : i32
      %dma_wait3A_61 = tpu.memref_slice %arg5[%dma_wait3A_60] : memref<128xf32, #tpu.memory_space<vmem>> -> memref<16xf32, #tpu.memory_space<vmem>>
      %dma_wait3A_62 = arith.constant 9984 : i32
      %dma_wait3A_63 = tpu.memref_slice %arg4[%run_scoped3A_41, %dma_wait3A_62] : memref<1x10000xi32, #tpu.memory_space<vmem>> -> memref<1x16xi32, #tpu.memory_space<vmem>>
      %dma_wait3A_64 = tpu.memref_squeeze %dma_wait3A_63 : memref<1x16xi32, #tpu.memory_space<vmem>> -> memref<16xi32, #tpu.memory_space<vmem>>
      %dma_wait3A_65 = arith.constant 0 : i32
      %dma_wait3A_66 = tpu.memref_slice %arg7[%dma_wait3A_65] : memref<10000xf32, #tpu.memory_space<vmem_shared>> -> memref<10000xf32, #tpu.memory_space<vmem_shared>>
      tpu.wait_indirect_dma semaphore(%run_scoped3A_53 : memref<!tpu.dma_semaphore, #tpu.memory_space<semaphore_mem>>) src(%dma_wait3A_61 : memref<16xf32, #tpu.memory_space<vmem>>) dst(%dma_wait3A_66 : memref<10000xf32, #tpu.memory_space<vmem_shared>>)
      tpu.yield
    }) : () -> ()
    %barrier3A_42 = arith.constant 0 : index
    tpu.barrier barrier_id(%barrier3A_42)
    %lt3A_43 = arith.constant 15 : i32
    %lt3A_44 = arith.cmpi slt, %arg1, %lt3A_43 : i32
    %convert_element_type3A_45 = arith.extui %lt3A_44 : i1 to i32
    %cond3A_46 = arith.constant 0 : i32
    %cond3A_47 = arith.cmpi ne, %convert_element_type3A_45, %cond3A_46 : i32
    scf.if %cond3A_47 {
      %mul3A_53 = arith.constant 624 : i32
      %mul3A_54 = arith.muli %arg1, %mul3A_53 : i32
      %mul3A_55 = arith.constant 624 : i32
      %mul3A_56 = arith.muli %arg1, %mul3A_55 : i32
      "tpu.region"() ({
        %run_scoped3A_57 = tpu.sem_alloc : memref<!tpu.dma_semaphore, #tpu.memory_space<semaphore_mem>>
        %dma_start3A = tpu.memref_slice %arg3[%arg0, %mul3A_56] : memref<2x10000xf32, #tpu.memory_space<hbm>> -> memref<1x624xf32, #tpu.memory_space<hbm>>
        %dma_start3A_58 = tpu.memref_squeeze %dma_start3A : memref<1x624xf32, #tpu.memory_space<hbm>> -> memref<624xf32, #tpu.memory_space<hbm>>
        %dma_start3A_59 = tpu.memref_slice %arg7[%mul3A_54] : memref<10000xf32, #tpu.memory_space<vmem_shared>> -> memref<624xf32, #tpu.memory_space<vmem_shared>>
        tpu.enqueue_dma source(%dma_start3A_59 : memref<624xf32, #tpu.memory_space<vmem_shared>>) target(%dma_start3A_58 : memref<624xf32, #tpu.memory_space<hbm>>) target_semaphore(%run_scoped3A_57 : memref<!tpu.dma_semaphore, #tpu.memory_space<semaphore_mem>>)
        %dma_wait3A_60 = tpu.memref_slice %arg3[%arg0, %mul3A_56] : memref<2x10000xf32, #tpu.memory_space<hbm>> -> memref<1x624xf32, #tpu.memory_space<hbm>>
        %dma_wait3A_61 = tpu.memref_squeeze %dma_wait3A_60 : memref<1x624xf32, #tpu.memory_space<hbm>> -> memref<624xf32, #tpu.memory_space<hbm>>
        %dma_wait3A_62 = tpu.memref_slice %arg7[%mul3A_54] : memref<10000xf32, #tpu.memory_space<vmem_shared>> -> memref<624xf32, #tpu.memory_space<vmem_shared>>
        tpu.wait_dma2 semaphore(%run_scoped3A_57 : memref<!tpu.dma_semaphore, #tpu.memory_space<semaphore_mem>>) src(%dma_wait3A_62 : memref<624xf32, #tpu.memory_space<vmem_shared>>) dst(%dma_wait3A_61 : memref<624xf32, #tpu.memory_space<hbm>>)
        tpu.yield
      }) : () -> ()
    } else {
    }
    %eq3A_48 = arith.constant 15 : i32
    %eq3A_49 = arith.cmpi eq, %arg1, %eq3A_48 : i32
    %convert_element_type3A_50 = arith.extui %eq3A_49 : i1 to i32
    %cond3A_51 = arith.constant 0 : i32
    %cond3A_52 = arith.cmpi ne, %convert_element_type3A_50, %cond3A_51 : i32
    scf.if %cond3A_52 {
      %mul3A_53 = arith.constant 624 : i32
      %mul3A_54 = arith.muli %arg1, %mul3A_53 : i32
      %mul3A_55 = arith.constant 624 : i32
      %mul3A_56 = arith.muli %arg1, %mul3A_55 : i32
      "tpu.region"() ({
        %run_scoped3A_57 = tpu.sem_alloc : memref<!tpu.dma_semaphore, #tpu.memory_space<semaphore_mem>>
        %dma_start3A = tpu.memref_slice %arg3[%arg0, %mul3A_56] : memref<2x10000xf32, #tpu.memory_space<hbm>> -> memref<1x640xf32, #tpu.memory_space<hbm>>
        %dma_start3A_58 = tpu.memref_squeeze %dma_start3A : memref<1x640xf32, #tpu.memory_space<hbm>> -> memref<640xf32, #tpu.memory_space<hbm>>
        %dma_start3A_59 = tpu.memref_slice %arg7[%mul3A_54] : memref<10000xf32, #tpu.memory_space<vmem_shared>> -> memref<640xf32, #tpu.memory_space<vmem_shared>>
        tpu.enqueue_dma source(%dma_start3A_59 : memref<640xf32, #tpu.memory_space<vmem_shared>>) target(%dma_start3A_58 : memref<640xf32, #tpu.memory_space<hbm>>) target_semaphore(%run_scoped3A_57 : memref<!tpu.dma_semaphore, #tpu.memory_space<semaphore_mem>>)
        %dma_wait3A_60 = tpu.memref_slice %arg3[%arg0, %mul3A_56] : memref<2x10000xf32, #tpu.memory_space<hbm>> -> memref<1x640xf32, #tpu.memory_space<hbm>>
        %dma_wait3A_61 = tpu.memref_squeeze %dma_wait3A_60 : memref<1x640xf32, #tpu.memory_space<hbm>> -> memref<640xf32, #tpu.memory_space<hbm>>
        %dma_wait3A_62 = tpu.memref_slice %arg7[%mul3A_54] : memref<10000xf32, #tpu.memory_space<vmem_shared>> -> memref<640xf32, #tpu.memory_space<vmem_shared>>
        tpu.wait_dma2 semaphore(%run_scoped3A_57 : memref<!tpu.dma_semaphore, #tpu.memory_space<semaphore_mem>>) src(%dma_wait3A_62 : memref<640xf32, #tpu.memory_space<vmem_shared>>) dst(%dma_wait3A_61 : memref<640xf32, #tpu.memory_space<hbm>>)
        tpu.yield
      }) : () -> ()
    } else {
    }
    return
  }
}

#map = affine_map<(d0, d1) -> (0, 0)>
#map1 = affine_map<(d0, d1) -> (0, 0, 0)>
module attributes {stable_mosaic.version = 14 : i64} {
  func.func @body(%arg0: i32, %arg1: i32, %arg2: memref<10000x40xf32, #tpu.memory_space<hbm>>, %arg3: memref<2x320000xi32, #tpu.memory_space<hbm>>, %arg4: memref<2x10000x40xf32, #tpu.memory_space<hbm>>, %arg5: memref<2x10000xi32, #tpu.memory_space<vmem>>, %arg6: memref<4x128x40xf32, #tpu.memory_space<vmem>>, %arg7: memref<10000x40xf32, #tpu.memory_space<vmem_shared>>, %arg8: memref<!tpu.dma_semaphore, #tpu.memory_space<semaphore_mem>>, %arg9: memref<!tpu.dma_semaphore, #tpu.memory_space<semaphore_mem>>, %arg10: memref<!tpu.dma_semaphore, #tpu.memory_space<semaphore_mem>>, %arg11: memref<!tpu.dma_semaphore, #tpu.memory_space<semaphore_mem>>, %arg12: memref<!tpu.dma_semaphore, #tpu.memory_space<semaphore_mem>>, %arg13: memref<!tpu.dma_semaphore, #tpu.memory_space<semaphore_mem>>, %arg14: memref<!tpu.dma_semaphore, #tpu.memory_space<semaphore_mem>>, %arg15: memref<!tpu.dma_semaphore, #tpu.memory_space<semaphore_mem>>) attributes {dimension_semantics = [#tpu.dimension_semantics<core_parallel>, #tpu.dimension_semantics<subcore_parallel>], iteration_bounds = array<i64: 2, 16>, scalar_prefetch = 0 : i64, scratch_operands = 11 : i64, tpu.core_type = #tpu.core_type<sc_vector_subcore>, window_params = [{transform_indices = #map}, {transform_indices = #map}, {transform_indices = #map1}]} {
    %mul3A = arith.constant 16 : i32
    %mul3A_0 = arith.muli %arg0, %mul3A : i32
    %add3A = arith.addi %mul3A_0, %arg1 : i32
    %mul3A_1 = arith.constant 10000 : i32
    %mul3A_2 = arith.muli %add3A, %mul3A_1 : i32
    %dma_start3A = arith.constant 0 : i32
    %dma_start3A_3 = tpu.memref_slice %arg3[%dma_start3A, %mul3A_2] : memref<2x320000xi32, #tpu.memory_space<hbm>> -> memref<2x10000xi32, #tpu.memory_space<hbm>>
    %dma_start3A_4 = arith.constant 0 : i32
    %dma_start3A_5 = tpu.memref_slice %arg3[%dma_start3A_4, %mul3A_2] : memref<2x320000xi32, #tpu.memory_space<hbm>> -> memref<2x10000xi32, #tpu.memory_space<hbm>>
    tpu.enqueue_dma source(%dma_start3A_5 : memref<2x10000xi32, #tpu.memory_space<hbm>>) target(%arg5 : memref<2x10000xi32, #tpu.memory_space<vmem>>) target_semaphore(%arg8 : memref<!tpu.dma_semaphore, #tpu.memory_space<semaphore_mem>>)
    %scan3A = arith.constant 0 : i32
    %scan3A_6 = arith.constant 128 : i32
    %scan3A_7 = arith.addi %scan3A, %scan3A_6 : i32
    %scan3A_8 = arith.constant 1 : i32
    scf.for %scan3A_89 = %scan3A to %scan3A_7 step %scan3A_8  : i32 {
      %mul3A_90 = arith.constant 1 : i32
      %mul3A_91 = arith.muli %scan3A_89, %mul3A_90 : i32
      %add3A_92 = arith.constant 0 : i32
      %add3A_93 = arith.addi %add3A_92, %mul3A_91 : i32
      %broadcast_in_dim3A = arith.constant 0.000000e+00 : f32
      %broadcast_in_dim3A_94 = vector.broadcast %broadcast_in_dim3A : f32 to vector<16xf32>
      %swap3A = arith.constant 0 : i32
      %swap3A_95 = arith.index_cast %swap3A : i32 to index
      %swap3A_96 = arith.index_cast %add3A_93 : i32 to index
      %swap3A_97 = arith.constant 0 : index
      %swap3A_98 = tpu.vector_load %arg6[%swap3A_95, %swap3A_96, %swap3A_97] {strides = array<i32>} : memref<4x128x40xf32, #tpu.memory_space<vmem>>, vector<1x1x16xf32>,
      %swap3A_99 = vector.shape_cast %swap3A_98 : vector<1x1x16xf32> to vector<16xf32>
      %swap3A_100 = vector.shape_cast %broadcast_in_dim3A_94 : vector<16xf32> to vector<1x1x16xf32>
      tpu.vector_store %arg6[%swap3A_95, %swap3A_96, %swap3A_97], %swap3A_100 {strides = array<i32>} : memref<4x128x40xf32, #tpu.memory_space<vmem>>, vector<1x1x16xf32>,
      %broadcast_in_dim3A_101 = arith.constant 0.000000e+00 : f32
      %broadcast_in_dim3A_102 = vector.broadcast %broadcast_in_dim3A_101 : f32 to vector<16xf32>
      %swap3A_103 = arith.constant 0 : i32
      %swap3A_104 = arith.index_cast %swap3A_103 : i32 to index
      %swap3A_105 = arith.index_cast %add3A_93 : i32 to index
      %swap3A_106 = arith.constant 16 : index
      %swap3A_107 = tpu.vector_load %arg6[%swap3A_104, %swap3A_105, %swap3A_106] {strides = array<i32>} : memref<4x128x40xf32, #tpu.memory_space<vmem>>, vector<1x1x16xf32>,
      %swap3A_108 = vector.shape_cast %swap3A_107 : vector<1x1x16xf32> to vector<16xf32>
      %swap3A_109 = vector.shape_cast %broadcast_in_dim3A_102 : vector<16xf32> to vector<1x1x16xf32>
      tpu.vector_store %arg6[%swap3A_104, %swap3A_105, %swap3A_106], %swap3A_109 {strides = array<i32>} : memref<4x128x40xf32, #tpu.memory_space<vmem>>, vector<1x1x16xf32>,
      %broadcast_in_dim3A_110 = arith.constant 0.000000e+00 : f32
      %broadcast_in_dim3A_111 = vector.broadcast %broadcast_in_dim3A_110 : f32 to vector<16xf32>
      %swap3A_112 = arith.constant 0 : i32
      %swap3A_113 = arith.index_cast %swap3A_112 : i32 to index
      %swap3A_114 = arith.index_cast %add3A_93 : i32 to index
      %swap3A_115 = arith.constant 24 : index
      %swap3A_116 = tpu.vector_load %arg6[%swap3A_113, %swap3A_114, %swap3A_115] {strides = array<i32>} : memref<4x128x40xf32, #tpu.memory_space<vmem>>, vector<1x1x16xf32>,
      %swap3A_117 = vector.shape_cast %swap3A_116 : vector<1x1x16xf32> to vector<16xf32>
      %swap3A_118 = vector.shape_cast %broadcast_in_dim3A_111 : vector<16xf32> to vector<1x1x16xf32>
      tpu.vector_store %arg6[%swap3A_113, %swap3A_114, %swap3A_115], %swap3A_118 {strides = array<i32>} : memref<4x128x40xf32, #tpu.memory_space<vmem>>, vector<1x1x16xf32>,
    }
    %scan3A_9 = arith.constant 128 : i32
    %scan3A_10 = arith.constant 0 : i32
    %scan3A_11 = arith.constant 5 : i32
    %scan3A_12 = arith.addi %scan3A_10, %scan3A_11 : i32
    %scan3A_13 = arith.constant 1 : i32
    scf.for %scan3A_89 = %scan3A_10 to %scan3A_12 step %scan3A_13  : i32 {
      %mul3A_90 = arith.constant 1 : i32
      %mul3A_91 = arith.muli %scan3A_89, %mul3A_90 : i32
      %add3A_92 = arith.constant 0 : i32
      %add3A_93 = arith.addi %add3A_92, %mul3A_91 : i32
      %mul3A_94 = arith.constant 625 : i32
      %mul3A_95 = arith.muli %arg1, %mul3A_94 : i32
      %mul3A_96 = arith.constant 125 : i32
      %mul3A_97 = arith.muli %add3A_93, %mul3A_96 : i32
      %add3A_98 = arith.addi %mul3A_95, %mul3A_97 : i32
      %run_scoped3A_99 = arith.constant 0 : i32
      "tpu.region"() ({
        %run_scoped3A_100 = tpu.sem_alloc : memref<!tpu.dma_semaphore, #tpu.memory_space<semaphore_mem>>
        %dma_start3A_101 = arith.constant 0 : i32
        %dma_start3A_102 = arith.constant 0 : i32
        %dma_start3A_103 = tpu.memref_slice %arg6[%run_scoped3A_99, %dma_start3A_101, %dma_start3A_102] : memref<4x128x40xf32, #tpu.memory_space<vmem>> -> memref<1x125x40xf32, #tpu.memory_space<vmem>>
        %dma_start3A_104 = tpu.memref_squeeze %dma_start3A_103 : memref<1x125x40xf32, #tpu.memory_space<vmem>> -> memref<125x40xf32, #tpu.memory_space<vmem>>
        %dma_start3A_105 = arith.constant 0 : i32
        %dma_start3A_106 = tpu.memref_slice %arg7[%add3A_98, %dma_start3A_105] : memref<10000x40xf32, #tpu.memory_space<vmem_shared>> -> memref<125x40xf32, #tpu.memory_space<vmem_shared>>
        %dma_start3A_107 = arith.constant 0 : i32
        %dma_start3A_108 = tpu.memref_slice %arg7[%add3A_98, %dma_start3A_107] : memref<10000x40xf32, #tpu.memory_space<vmem_shared>> -> memref<125x40xf32, #tpu.memory_space<vmem_shared>>
        %dma_start3A_109 = arith.constant 0 : i32
        %dma_start3A_110 = arith.constant 0 : i32
        %dma_start3A_111 = tpu.memref_slice %arg6[%run_scoped3A_99, %dma_start3A_109, %dma_start3A_110] : memref<4x128x40xf32, #tpu.memory_space<vmem>> -> memref<1x125x40xf32, #tpu.memory_space<vmem>>
        %dma_start3A_112 = tpu.memref_squeeze %dma_start3A_111 : memref<1x125x40xf32, #tpu.memory_space<vmem>> -> memref<125x40xf32, #tpu.memory_space<vmem>>
        tpu.enqueue_dma source(%dma_start3A_112 : memref<125x40xf32, #tpu.memory_space<vmem>>) target(%dma_start3A_108 : memref<125x40xf32, #tpu.memory_space<vmem_shared>>) target_semaphore(%run_scoped3A_100 : memref<!tpu.dma_semaphore, #tpu.memory_space<semaphore_mem>>)
        %dma_wait3A_113 = arith.constant 0 : i32
        %dma_wait3A_114 = arith.constant 0 : i32
        %dma_wait3A_115 = tpu.memref_slice %arg6[%run_scoped3A_99, %dma_wait3A_113, %dma_wait3A_114] : memref<4x128x40xf32, #tpu.memory_space<vmem>> -> memref<1x125x40xf32, #tpu.memory_space<vmem>>
        %dma_wait3A_116 = tpu.memref_squeeze %dma_wait3A_115 : memref<1x125x40xf32, #tpu.memory_space<vmem>> -> memref<125x40xf32, #tpu.memory_space<vmem>>
        %dma_wait3A_117 = arith.constant 0 : i32
        %dma_wait3A_118 = tpu.memref_slice %arg7[%add3A_98, %dma_wait3A_117] : memref<10000x40xf32, #tpu.memory_space<vmem_shared>> -> memref<125x40xf32, #tpu.memory_space<vmem_shared>>
        %dma_wait3A_119 = arith.constant 0 : i32
        %dma_wait3A_120 = tpu.memref_slice %arg7[%add3A_98, %dma_wait3A_119] : memref<10000x40xf32, #tpu.memory_space<vmem_shared>> -> memref<125x40xf32, #tpu.memory_space<vmem_shared>>
        %dma_wait3A_121 = arith.constant 0 : i32
        %dma_wait3A_122 = arith.constant 0 : i32
        %dma_wait3A_123 = tpu.memref_slice %arg6[%run_scoped3A_99, %dma_wait3A_121, %dma_wait3A_122] : memref<4x128x40xf32, #tpu.memory_space<vmem>> -> memref<1x125x40xf32, #tpu.memory_space<vmem>>
        %dma_wait3A_124 = tpu.memref_squeeze %dma_wait3A_123 : memref<1x125x40xf32, #tpu.memory_space<vmem>> -> memref<125x40xf32, #tpu.memory_space<vmem>>
        tpu.wait_dma2 semaphore(%run_scoped3A_100 : memref<!tpu.dma_semaphore, #tpu.memory_space<semaphore_mem>>) src(%dma_wait3A_124 : memref<125x40xf32, #tpu.memory_space<vmem>>) dst(%dma_wait3A_120 : memref<125x40xf32, #tpu.memory_space<vmem_shared>>)
        tpu.yield
      }) : () -> ()
    }
    %scan3A_14 = arith.constant 5 : i32
    %mul3A_15 = arith.constant 10000 : i32
    %mul3A_16 = arith.muli %add3A, %mul3A_15 : i32
    %dma_wait3A = arith.constant 0 : i32
    %dma_wait3A_17 = tpu.memref_slice %arg3[%dma_wait3A, %mul3A_16] : memref<2x320000xi32, #tpu.memory_space<hbm>> -> memref<2x10000xi32, #tpu.memory_space<hbm>>
    %dma_wait3A_18 = arith.constant 0 : i32
    %dma_wait3A_19 = tpu.memref_slice %arg3[%dma_wait3A_18, %mul3A_16] : memref<2x320000xi32, #tpu.memory_space<hbm>> -> memref<2x10000xi32, #tpu.memory_space<hbm>>
    tpu.wait_dma2 semaphore(%arg8 : memref<!tpu.dma_semaphore, #tpu.memory_space<semaphore_mem>>) src(%dma_wait3A_19 : memref<2x10000xi32, #tpu.memory_space<hbm>>) dst(%arg5 : memref<2x10000xi32, #tpu.memory_space<vmem>>)
    %barrier3A = arith.constant 0 : index
    tpu.barrier barrier_id(%barrier3A)
    %dma_start3A_20 = arith.constant 0 : i32
    %dma_start3A_21 = arith.constant 0 : i32
    %dma_start3A_22 = arith.constant 0 : i32
    %dma_start3A_23 = arith.constant 0 : i32
    %dma_start3A_24 = tpu.memref_slice %arg6[%dma_start3A_21, %dma_start3A_22, %dma_start3A_23] : memref<4x128x40xf32, #tpu.memory_space<vmem>> -> memref<1x128x40xf32, #tpu.memory_space<vmem>>
    %dma_start3A_25 = tpu.memref_squeeze %dma_start3A_24 : memref<1x128x40xf32, #tpu.memory_space<vmem>> -> memref<128x40xf32, #tpu.memory_space<vmem>>
    %dma_start3A_26 = arith.constant 0 : i32
    %dma_start3A_27 = tpu.memref_slice %arg5[%dma_start3A_20, %dma_start3A_26] : memref<2x10000xi32, #tpu.memory_space<vmem>> -> memref<1x128xi32, #tpu.memory_space<vmem>>
    %dma_start3A_28 = tpu.memref_squeeze %dma_start3A_27 : memref<1x128xi32, #tpu.memory_space<vmem>> -> memref<128xi32, #tpu.memory_space<vmem>>
    %dma_start3A_29 = arith.constant 0 : i32
    %dma_start3A_30 = arith.constant 0 : i32
    %dma_start3A_31 = tpu.memref_slice %arg2[%dma_start3A_29, %dma_start3A_30] : memref<10000x40xf32, #tpu.memory_space<hbm>> -> memref<10000x40xf32, #tpu.memory_space<hbm>>
    tpu.enqueue_indirect_dma source(%dma_start3A_31 : memref<10000x40xf32, #tpu.memory_space<hbm>>) target(%dma_start3A_25 : memref<128x40xf32, #tpu.memory_space<vmem>>) offsets(%dma_start3A_28 : memref<128xi32, #tpu.memory_space<vmem>>) semaphore(%arg8 : memref<!tpu.dma_semaphore, #tpu.memory_space<semaphore_mem>>)
    %dma_start3A_32 = arith.constant 0 : i32
    %dma_start3A_33 = arith.constant 1 : i32
    %dma_start3A_34 = arith.constant 0 : i32
    %dma_start3A_35 = arith.constant 0 : i32
    %dma_start3A_36 = tpu.memref_slice %arg6[%dma_start3A_33, %dma_start3A_34, %dma_start3A_35] : memref<4x128x40xf32, #tpu.memory_space<vmem>> -> memref<1x128x40xf32, #tpu.memory_space<vmem>>
    %dma_start3A_37 = tpu.memref_squeeze %dma_start3A_36 : memref<1x128x40xf32, #tpu.memory_space<vmem>> -> memref<128x40xf32, #tpu.memory_space<vmem>>
    %dma_start3A_38 = arith.constant 128 : i32
    %dma_start3A_39 = tpu.memref_slice %arg5[%dma_start3A_32, %dma_start3A_38] : memref<2x10000xi32, #tpu.memory_space<vmem>> -> memref<1x128xi32, #tpu.memory_space<vmem>>
    %dma_start3A_40 = tpu.memref_squeeze %dma_start3A_39 : memref<1x128xi32, #tpu.memory_space<vmem>> -> memref<128xi32, #tpu.memory_space<vmem>>
    %dma_start3A_41 = arith.constant 0 : i32
    %dma_start3A_42 = arith.constant 0 : i32
    %dma_start3A_43 = tpu.memref_slice %arg2[%dma_start3A_41, %dma_start3A_42] : memref<10000x40xf32, #tpu.memory_space<hbm>> -> memref<10000x40xf32, #tpu.memory_space<hbm>>
    tpu.enqueue_indirect_dma source(%dma_start3A_43 : memref<10000x40xf32, #tpu.memory_space<hbm>>) target(%dma_start3A_37 : memref<128x40xf32, #tpu.memory_space<vmem>>) offsets(%dma_start3A_40 : memref<128xi32, #tpu.memory_space<vmem>>) semaphore(%arg9 : memref<!tpu.dma_semaphore, #tpu.memory_space<semaphore_mem>>)
    %scan3A_44 = arith.constant 0 : i32
    %scan3A_45 = arith.constant 19 : i32
    %scan3A_46 = arith.addi %scan3A_44, %scan3A_45 : i32
    %scan3A_47 = arith.constant 1 : i32
    scf.for %scan3A_89 = %scan3A_44 to %scan3A_46 step %scan3A_47  : i32 {
      %mul3A_90 = arith.constant 1 : i32
      %mul3A_91 = arith.muli %scan3A_89, %mul3A_90 : i32
      %add3A_92 = arith.constant 0 : i32
      %add3A_93 = arith.addi %add3A_92, %mul3A_91 : i32
      %mul3A_94 = arith.constant 4 : i32
      %mul3A_95 = arith.muli %add3A_93, %mul3A_94 : i32
      %add3A_96 = arith.constant 0 : i32
      %add3A_97 = arith.addi %mul3A_95, %add3A_96 : i32
      %ge3A = arith.constant 2 : i32
      %ge3A_98 = arith.cmpi sge, %add3A_97, %ge3A : i32
      %convert_element_type3A = arith.extui %ge3A_98 : i1 to i32
      %cond3A = arith.constant 0 : i32
      %cond3A_99 = arith.cmpi ne, %convert_element_type3A, %cond3A : i32
      scf.if %cond3A_99 {
        %sub3A_293 = arith.constant 2 : i32
        %sub3A_294 = arith.subi %add3A_97, %sub3A_293 : i32
        %mul3A_295 = arith.constant 128 : i32
        %mul3A_296 = arith.muli %sub3A_294, %mul3A_295 : i32
        %dma_wait3A_297 = arith.constant 2 : i32
        %dma_wait3A_298 = arith.constant 1 : i32
        %dma_wait3A_299 = arith.constant 0 : i32
        %dma_wait3A_300 = arith.constant 0 : i32
        %dma_wait3A_301 = tpu.memref_slice %arg6[%dma_wait3A_297, %dma_wait3A_299, %dma_wait3A_300] : memref<4x128x40xf32, #tpu.memory_space<vmem>> -> memref<1x128x40xf32, #tpu.memory_space<vmem>>
        %dma_wait3A_302 = tpu.memref_squeeze %dma_wait3A_301 : memref<1x128x40xf32, #tpu.memory_space<vmem>> -> memref<128x40xf32, #tpu.memory_space<vmem>>
        %dma_wait3A_303 = tpu.memref_slice %arg5[%dma_wait3A_298, %mul3A_296] : memref<2x10000xi32, #tpu.memory_space<vmem>> -> memref<1x128xi32, #tpu.memory_space<vmem>>
        %dma_wait3A_304 = tpu.memref_squeeze %dma_wait3A_303 : memref<1x128xi32, #tpu.memory_space<vmem>> -> memref<128xi32, #tpu.memory_space<vmem>>
        %dma_wait3A_305 = arith.constant 0 : i32
        %dma_wait3A_306 = arith.constant 0 : i32
        %dma_wait3A_307 = tpu.memref_slice %arg7[%dma_wait3A_305, %dma_wait3A_306] : memref<10000x40xf32, #tpu.memory_space<vmem_shared>> -> memref<10000x40xf32, #tpu.memory_space<vmem_shared>>
        tpu.wait_indirect_dma semaphore(%arg14 : memref<!tpu.dma_semaphore, #tpu.memory_space<semaphore_mem>>) src(%dma_wait3A_302 : memref<128x40xf32, #tpu.memory_space<vmem>>) dst(%dma_wait3A_307 : memref<10000x40xf32, #tpu.memory_space<vmem_shared>>)
      } else {
      }
      %add3A_100 = arith.constant 2 : i32
      %add3A_101 = arith.addi %add3A_97, %add3A_100 : i32
      %mul3A_102 = arith.constant 128 : i32
      %mul3A_103 = arith.muli %add3A_101, %mul3A_102 : i32
      %dma_start3A_104 = arith.constant 0 : i32
      %dma_start3A_105 = arith.constant 2 : i32
      %dma_start3A_106 = arith.constant 0 : i32
      %dma_start3A_107 = arith.constant 0 : i32
      %dma_start3A_108 = tpu.memref_slice %arg6[%dma_start3A_105, %dma_start3A_106, %dma_start3A_107] : memref<4x128x40xf32, #tpu.memory_space<vmem>> -> memref<1x128x40xf32, #tpu.memory_space<vmem>>
      %dma_start3A_109 = tpu.memref_squeeze %dma_start3A_108 : memref<1x128x40xf32, #tpu.memory_space<vmem>> -> memref<128x40xf32, #tpu.memory_space<vmem>>
      %dma_start3A_110 = tpu.memref_slice %arg5[%dma_start3A_104, %mul3A_103] : memref<2x10000xi32, #tpu.memory_space<vmem>> -> memref<1x128xi32, #tpu.memory_space<vmem>>
      %dma_start3A_111 = tpu.memref_squeeze %dma_start3A_110 : memref<1x128xi32, #tpu.memory_space<vmem>> -> memref<128xi32, #tpu.memory_space<vmem>>
      %dma_start3A_112 = arith.constant 0 : i32
      %dma_start3A_113 = arith.constant 0 : i32
      %dma_start3A_114 = tpu.memref_slice %arg2[%dma_start3A_112, %dma_start3A_113] : memref<10000x40xf32, #tpu.memory_space<hbm>> -> memref<10000x40xf32, #tpu.memory_space<hbm>>
      tpu.enqueue_indirect_dma source(%dma_start3A_114 : memref<10000x40xf32, #tpu.memory_space<hbm>>) target(%dma_start3A_109 : memref<128x40xf32, #tpu.memory_space<vmem>>) offsets(%dma_start3A_111 : memref<128xi32, #tpu.memory_space<vmem>>) semaphore(%arg10 : memref<!tpu.dma_semaphore, #tpu.memory_space<semaphore_mem>>)
      %mul3A_115 = arith.constant 128 : i32
      %mul3A_116 = arith.muli %add3A_97, %mul3A_115 : i32
      %dma_wait3A_117 = arith.constant 0 : i32
      %dma_wait3A_118 = arith.constant 0 : i32
      %dma_wait3A_119 = arith.constant 0 : i32
      %dma_wait3A_120 = arith.constant 0 : i32
      %dma_wait3A_121 = tpu.memref_slice %arg6[%dma_wait3A_118, %dma_wait3A_119, %dma_wait3A_120] : memref<4x128x40xf32, #tpu.memory_space<vmem>> -> memref<1x128x40xf32, #tpu.memory_space<vmem>>
      %dma_wait3A_122 = tpu.memref_squeeze %dma_wait3A_121 : memref<1x128x40xf32, #tpu.memory_space<vmem>> -> memref<128x40xf32, #tpu.memory_space<vmem>>
      %dma_wait3A_123 = tpu.memref_slice %arg5[%dma_wait3A_117, %mul3A_116] : memref<2x10000xi32, #tpu.memory_space<vmem>> -> memref<1x128xi32, #tpu.memory_space<vmem>>
      %dma_wait3A_124 = tpu.memref_squeeze %dma_wait3A_123 : memref<1x128xi32, #tpu.memory_space<vmem>> -> memref<128xi32, #tpu.memory_space<vmem>>
      %dma_wait3A_125 = arith.constant 0 : i32
      %dma_wait3A_126 = arith.constant 0 : i32
      %dma_wait3A_127 = tpu.memref_slice %arg2[%dma_wait3A_125, %dma_wait3A_126] : memref<10000x40xf32, #tpu.memory_space<hbm>> -> memref<10000x40xf32, #tpu.memory_space<hbm>>
      tpu.wait_indirect_dma semaphore(%arg8 : memref<!tpu.dma_semaphore, #tpu.memory_space<semaphore_mem>>) src(%dma_wait3A_127 : memref<10000x40xf32, #tpu.memory_space<hbm>>) dst(%dma_wait3A_122 : memref<128x40xf32, #tpu.memory_space<vmem>>)
      %mul3A_128 = arith.constant 128 : i32
      %mul3A_129 = arith.muli %add3A_97, %mul3A_128 : i32
      %dma_start3A_130 = arith.constant 0 : i32
      %dma_start3A_131 = arith.constant 1 : i32
      %dma_start3A_132 = arith.constant 0 : i32
      %dma_start3A_133 = arith.constant 0 : i32
      %dma_start3A_134 = tpu.memref_slice %arg6[%dma_start3A_130, %dma_start3A_132, %dma_start3A_133] : memref<4x128x40xf32, #tpu.memory_space<vmem>> -> memref<1x128x40xf32, #tpu.memory_space<vmem>>
      %dma_start3A_135 = tpu.memref_squeeze %dma_start3A_134 : memref<1x128x40xf32, #tpu.memory_space<vmem>> -> memref<128x40xf32, #tpu.memory_space<vmem>>
      %dma_start3A_136 = tpu.memref_slice %arg5[%dma_start3A_131, %mul3A_129] : memref<2x10000xi32, #tpu.memory_space<vmem>> -> memref<1x128xi32, #tpu.memory_space<vmem>>
      %dma_start3A_137 = tpu.memref_squeeze %dma_start3A_136 : memref<1x128xi32, #tpu.memory_space<vmem>> -> memref<128xi32, #tpu.memory_space<vmem>>
      %dma_start3A_138 = arith.constant 0 : i32
      %dma_start3A_139 = arith.constant 0 : i32
      %dma_start3A_140 = tpu.memref_slice %arg7[%dma_start3A_138, %dma_start3A_139] : memref<10000x40xf32, #tpu.memory_space<vmem_shared>> -> memref<10000x40xf32, #tpu.memory_space<vmem_shared>>
      tpu.enqueue_indirect_dma source(%dma_start3A_135 : memref<128x40xf32, #tpu.memory_space<vmem>>) target(%dma_start3A_140 : memref<10000x40xf32, #tpu.memory_space<vmem_shared>>) offsets(%dma_start3A_137 : memref<128xi32, #tpu.memory_space<vmem>>) semaphore(%arg12 : memref<!tpu.dma_semaphore, #tpu.memory_space<semaphore_mem>>) {add = true}
      %mul3A_141 = arith.constant 4 : i32
      %mul3A_142 = arith.muli %add3A_93, %mul3A_141 : i32
      %add3A_143 = arith.constant 1 : i32
      %add3A_144 = arith.addi %mul3A_142, %add3A_143 : i32
      %ge3A_145 = arith.constant 2 : i32
      %ge3A_146 = arith.cmpi sge, %add3A_144, %ge3A_145 : i32
      %convert_element_type3A_147 = arith.extui %ge3A_146 : i1 to i32
      %cond3A_148 = arith.constant 0 : i32
      %cond3A_149 = arith.cmpi ne, %convert_element_type3A_147, %cond3A_148 : i32
      scf.if %cond3A_149 {
        %sub3A_293 = arith.constant 2 : i32
        %sub3A_294 = arith.subi %add3A_144, %sub3A_293 : i32
        %mul3A_295 = arith.constant 128 : i32
        %mul3A_296 = arith.muli %sub3A_294, %mul3A_295 : i32
        %dma_wait3A_297 = arith.constant 3 : i32
        %dma_wait3A_298 = arith.constant 1 : i32
        %dma_wait3A_299 = arith.constant 0 : i32
        %dma_wait3A_300 = arith.constant 0 : i32
        %dma_wait3A_301 = tpu.memref_slice %arg6[%dma_wait3A_297, %dma_wait3A_299, %dma_wait3A_300] : memref<4x128x40xf32, #tpu.memory_space<vmem>> -> memref<1x128x40xf32, #tpu.memory_space<vmem>>
        %dma_wait3A_302 = tpu.memref_squeeze %dma_wait3A_301 : memref<1x128x40xf32, #tpu.memory_space<vmem>> -> memref<128x40xf32, #tpu.memory_space<vmem>>
        %dma_wait3A_303 = tpu.memref_slice %arg5[%dma_wait3A_298, %mul3A_296] : memref<2x10000xi32, #tpu.memory_space<vmem>> -> memref<1x128xi32, #tpu.memory_space<vmem>>
        %dma_wait3A_304 = tpu.memref_squeeze %dma_wait3A_303 : memref<1x128xi32, #tpu.memory_space<vmem>> -> memref<128xi32, #tpu.memory_space<vmem>>
        %dma_wait3A_305 = arith.constant 0 : i32
        %dma_wait3A_306 = arith.constant 0 : i32
        %dma_wait3A_307 = tpu.memref_slice %arg7[%dma_wait3A_305, %dma_wait3A_306] : memref<10000x40xf32, #tpu.memory_space<vmem_shared>> -> memref<10000x40xf32, #tpu.memory_space<vmem_shared>>
        tpu.wait_indirect_dma semaphore(%arg15 : memref<!tpu.dma_semaphore, #tpu.memory_space<semaphore_mem>>) src(%dma_wait3A_302 : memref<128x40xf32, #tpu.memory_space<vmem>>) dst(%dma_wait3A_307 : memref<10000x40xf32, #tpu.memory_space<vmem_shared>>)
      } else {
      }
      %add3A_150 = arith.constant 2 : i32
      %add3A_151 = arith.addi %add3A_144, %add3A_150 : i32
      %mul3A_152 = arith.constant 128 : i32
      %mul3A_153 = arith.muli %add3A_151, %mul3A_152 : i32
      %dma_start3A_154 = arith.constant 0 : i32
      %dma_start3A_155 = arith.constant 3 : i32
      %dma_start3A_156 = arith.constant 0 : i32
      %dma_start3A_157 = arith.constant 0 : i32
      %dma_start3A_158 = tpu.memref_slice %arg6[%dma_start3A_155, %dma_start3A_156, %dma_start3A_157] : memref<4x128x40xf32, #tpu.memory_space<vmem>> -> memref<1x128x40xf32, #tpu.memory_space<vmem>>
      %dma_start3A_159 = tpu.memref_squeeze %dma_start3A_158 : memref<1x128x40xf32, #tpu.memory_space<vmem>> -> memref<128x40xf32, #tpu.memory_space<vmem>>
      %dma_start3A_160 = tpu.memref_slice %arg5[%dma_start3A_154, %mul3A_153] : memref<2x10000xi32, #tpu.memory_space<vmem>> -> memref<1x128xi32, #tpu.memory_space<vmem>>
      %dma_start3A_161 = tpu.memref_squeeze %dma_start3A_160 : memref<1x128xi32, #tpu.memory_space<vmem>> -> memref<128xi32, #tpu.memory_space<vmem>>
      %dma_start3A_162 = arith.constant 0 : i32
      %dma_start3A_163 = arith.constant 0 : i32
      %dma_start3A_164 = tpu.memref_slice %arg2[%dma_start3A_162, %dma_start3A_163] : memref<10000x40xf32, #tpu.memory_space<hbm>> -> memref<10000x40xf32, #tpu.memory_space<hbm>>
      tpu.enqueue_indirect_dma source(%dma_start3A_164 : memref<10000x40xf32, #tpu.memory_space<hbm>>) target(%dma_start3A_159 : memref<128x40xf32, #tpu.memory_space<vmem>>) offsets(%dma_start3A_161 : memref<128xi32, #tpu.memory_space<vmem>>) semaphore(%arg11 : memref<!tpu.dma_semaphore, #tpu.memory_space<semaphore_mem>>)
      %mul3A_165 = arith.constant 128 : i32
      %mul3A_166 = arith.muli %add3A_144, %mul3A_165 : i32
      %dma_wait3A_167 = arith.constant 0 : i32
      %dma_wait3A_168 = arith.constant 1 : i32
      %dma_wait3A_169 = arith.constant 0 : i32
      %dma_wait3A_170 = arith.constant 0 : i32
      %dma_wait3A_171 = tpu.memref_slice %arg6[%dma_wait3A_168, %dma_wait3A_169, %dma_wait3A_170] : memref<4x128x40xf32, #tpu.memory_space<vmem>> -> memref<1x128x40xf32, #tpu.memory_space<vmem>>
      %dma_wait3A_172 = tpu.memref_squeeze %dma_wait3A_171 : memref<1x128x40xf32, #tpu.memory_space<vmem>> -> memref<128x40xf32, #tpu.memory_space<vmem>>
      %dma_wait3A_173 = tpu.memref_slice %arg5[%dma_wait3A_167, %mul3A_166] : memref<2x10000xi32, #tpu.memory_space<vmem>> -> memref<1x128xi32, #tpu.memory_space<vmem>>
      %dma_wait3A_174 = tpu.memref_squeeze %dma_wait3A_173 : memref<1x128xi32, #tpu.memory_space<vmem>> -> memref<128xi32, #tpu.memory_space<vmem>>
      %dma_wait3A_175 = arith.constant 0 : i32
      %dma_wait3A_176 = arith.constant 0 : i32
      %dma_wait3A_177 = tpu.memref_slice %arg2[%dma_wait3A_175, %dma_wait3A_176] : memref<10000x40xf32, #tpu.memory_space<hbm>> -> memref<10000x40xf32, #tpu.memory_space<hbm>>
      tpu.wait_indirect_dma semaphore(%arg9 : memref<!tpu.dma_semaphore, #tpu.memory_space<semaphore_mem>>) src(%dma_wait3A_177 : memref<10000x40xf32, #tpu.memory_space<hbm>>) dst(%dma_wait3A_172 : memref<128x40xf32, #tpu.memory_space<vmem>>)
      %mul3A_178 = arith.constant 128 : i32
      %mul3A_179 = arith.muli %add3A_144, %mul3A_178 : i32
      %dma_start3A_180 = arith.constant 1 : i32
      %dma_start3A_181 = arith.constant 1 : i32
      %dma_start3A_182 = arith.constant 0 : i32
      %dma_start3A_183 = arith.constant 0 : i32
      %dma_start3A_184 = tpu.memref_slice %arg6[%dma_start3A_180, %dma_start3A_182, %dma_start3A_183] : memref<4x128x40xf32, #tpu.memory_space<vmem>> -> memref<1x128x40xf32, #tpu.memory_space<vmem>>
      %dma_start3A_185 = tpu.memref_squeeze %dma_start3A_184 : memref<1x128x40xf32, #tpu.memory_space<vmem>> -> memref<128x40xf32, #tpu.memory_space<vmem>>
      %dma_start3A_186 = tpu.memref_slice %arg5[%dma_start3A_181, %mul3A_179] : memref<2x10000xi32, #tpu.memory_space<vmem>> -> memref<1x128xi32, #tpu.memory_space<vmem>>
      %dma_start3A_187 = tpu.memref_squeeze %dma_start3A_186 : memref<1x128xi32, #tpu.memory_space<vmem>> -> memref<128xi32, #tpu.memory_space<vmem>>
      %dma_start3A_188 = arith.constant 0 : i32
      %dma_start3A_189 = arith.constant 0 : i32
      %dma_start3A_190 = tpu.memref_slice %arg7[%dma_start3A_188, %dma_start3A_189] : memref<10000x40xf32, #tpu.memory_space<vmem_shared>> -> memref<10000x40xf32, #tpu.memory_space<vmem_shared>>
      tpu.enqueue_indirect_dma source(%dma_start3A_185 : memref<128x40xf32, #tpu.memory_space<vmem>>) target(%dma_start3A_190 : memref<10000x40xf32, #tpu.memory_space<vmem_shared>>) offsets(%dma_start3A_187 : memref<128xi32, #tpu.memory_space<vmem>>) semaphore(%arg13 : memref<!tpu.dma_semaphore, #tpu.memory_space<semaphore_mem>>) {add = true}
      %mul3A_191 = arith.constant 4 : i32
      %mul3A_192 = arith.muli %add3A_93, %mul3A_191 : i32
      %add3A_193 = arith.constant 2 : i32
      %add3A_194 = arith.addi %mul3A_192, %add3A_193 : i32
      %sub3A = arith.constant 2 : i32
      %sub3A_195 = arith.subi %add3A_194, %sub3A : i32
      %mul3A_196 = arith.constant 128 : i32
      %mul3A_197 = arith.muli %sub3A_195, %mul3A_196 : i32
      %dma_wait3A_198 = arith.constant 0 : i32
      %dma_wait3A_199 = arith.constant 1 : i32
      %dma_wait3A_200 = arith.constant 0 : i32
      %dma_wait3A_201 = arith.constant 0 : i32
      %dma_wait3A_202 = tpu.memref_slice %arg6[%dma_wait3A_198, %dma_wait3A_200, %dma_wait3A_201] : memref<4x128x40xf32, #tpu.memory_space<vmem>> -> memref<1x128x40xf32, #tpu.memory_space<vmem>>
      %dma_wait3A_203 = tpu.memref_squeeze %dma_wait3A_202 : memref<1x128x40xf32, #tpu.memory_space<vmem>> -> memref<128x40xf32, #tpu.memory_space<vmem>>
      %dma_wait3A_204 = tpu.memref_slice %arg5[%dma_wait3A_199, %mul3A_197] : memref<2x10000xi32, #tpu.memory_space<vmem>> -> memref<1x128xi32, #tpu.memory_space<vmem>>
      %dma_wait3A_205 = tpu.memref_squeeze %dma_wait3A_204 : memref<1x128xi32, #tpu.memory_space<vmem>> -> memref<128xi32, #tpu.memory_space<vmem>>
      %dma_wait3A_206 = arith.constant 0 : i32
      %dma_wait3A_207 = arith.constant 0 : i32
      %dma_wait3A_208 = tpu.memref_slice %arg7[%dma_wait3A_206, %dma_wait3A_207] : memref<10000x40xf32, #tpu.memory_space<vmem_shared>> -> memref<10000x40xf32, #tpu.memory_space<vmem_shared>>
      tpu.wait_indirect_dma semaphore(%arg12 : memref<!tpu.dma_semaphore, #tpu.memory_space<semaphore_mem>>) src(%dma_wait3A_203 : memref<128x40xf32, #tpu.memory_space<vmem>>) dst(%dma_wait3A_208 : memref<10000x40xf32, #tpu.memory_space<vmem_shared>>)
      %add3A_209 = arith.constant 2 : i32
      %add3A_210 = arith.addi %add3A_194, %add3A_209 : i32
      %lt3A = arith.constant 76 : i32
      %lt3A_211 = arith.cmpi slt, %add3A_210, %lt3A : i32
      %convert_element_type3A_212 = arith.extui %lt3A_211 : i1 to i32
      %cond3A_213 = arith.constant 0 : i32
      %cond3A_214 = arith.cmpi ne, %convert_element_type3A_212, %cond3A_213 : i32
      scf.if %cond3A_214 {
        %add3A_293 = arith.constant 2 : i32
        %add3A_294 = arith.addi %add3A_194, %add3A_293 : i32
        %mul3A_295 = arith.constant 128 : i32
        %mul3A_296 = arith.muli %add3A_294, %mul3A_295 : i32
        %dma_start3A_297 = arith.constant 0 : i32
        %dma_start3A_298 = arith.constant 0 : i32
        %dma_start3A_299 = arith.constant 0 : i32
        %dma_start3A_300 = arith.constant 0 : i32
        %dma_start3A_301 = tpu.memref_slice %arg6[%dma_start3A_298, %dma_start3A_299, %dma_start3A_300] : memref<4x128x40xf32, #tpu.memory_space<vmem>> -> memref<1x128x40xf32, #tpu.memory_space<vmem>>
        %dma_start3A_302 = tpu.memref_squeeze %dma_start3A_301 : memref<1x128x40xf32, #tpu.memory_space<vmem>> -> memref<128x40xf32, #tpu.memory_space<vmem>>
        %dma_start3A_303 = tpu.memref_slice %arg5[%dma_start3A_297, %mul3A_296] : memref<2x10000xi32, #tpu.memory_space<vmem>> -> memref<1x128xi32, #tpu.memory_space<vmem>>
        %dma_start3A_304 = tpu.memref_squeeze %dma_start3A_303 : memref<1x128xi32, #tpu.memory_space<vmem>> -> memref<128xi32, #tpu.memory_space<vmem>>
        %dma_start3A_305 = arith.constant 0 : i32
        %dma_start3A_306 = arith.constant 0 : i32
        %dma_start3A_307 = tpu.memref_slice %arg2[%dma_start3A_305, %dma_start3A_306] : memref<10000x40xf32, #tpu.memory_space<hbm>> -> memref<10000x40xf32, #tpu.memory_space<hbm>>
        tpu.enqueue_indirect_dma source(%dma_start3A_307 : memref<10000x40xf32, #tpu.memory_space<hbm>>) target(%dma_start3A_302 : memref<128x40xf32, #tpu.memory_space<vmem>>) offsets(%dma_start3A_304 : memref<128xi32, #tpu.memory_space<vmem>>) semaphore(%arg8 : memref<!tpu.dma_semaphore, #tpu.memory_space<semaphore_mem>>)
      } else {
      }
      %mul3A_215 = arith.constant 128 : i32
      %mul3A_216 = arith.muli %add3A_194, %mul3A_215 : i32
      %dma_wait3A_217 = arith.constant 0 : i32
      %dma_wait3A_218 = arith.constant 2 : i32
      %dma_wait3A_219 = arith.constant 0 : i32
      %dma_wait3A_220 = arith.constant 0 : i32
      %dma_wait3A_221 = tpu.memref_slice %arg6[%dma_wait3A_218, %dma_wait3A_219, %dma_wait3A_220] : memref<4x128x40xf32, #tpu.memory_space<vmem>> -> memref<1x128x40xf32, #tpu.memory_space<vmem>>
      %dma_wait3A_222 = tpu.memref_squeeze %dma_wait3A_221 : memref<1x128x40xf32, #tpu.memory_space<vmem>> -> memref<128x40xf32, #tpu.memory_space<vmem>>
      %dma_wait3A_223 = tpu.memref_slice %arg5[%dma_wait3A_217, %mul3A_216] : memref<2x10000xi32, #tpu.memory_space<vmem>> -> memref<1x128xi32, #tpu.memory_space<vmem>>
      %dma_wait3A_224 = tpu.memref_squeeze %dma_wait3A_223 : memref<1x128xi32, #tpu.memory_space<vmem>> -> memref<128xi32, #tpu.memory_space<vmem>>
      %dma_wait3A_225 = arith.constant 0 : i32
      %dma_wait3A_226 = arith.constant 0 : i32
      %dma_wait3A_227 = tpu.memref_slice %arg2[%dma_wait3A_225, %dma_wait3A_226] : memref<10000x40xf32, #tpu.memory_space<hbm>> -> memref<10000x40xf32, #tpu.memory_space<hbm>>
      tpu.wait_indirect_dma semaphore(%arg10 : memref<!tpu.dma_semaphore, #tpu.memory_space<semaphore_mem>>) src(%dma_wait3A_227 : memref<10000x40xf32, #tpu.memory_space<hbm>>) dst(%dma_wait3A_222 : memref<128x40xf32, #tpu.memory_space<vmem>>)
      %mul3A_228 = arith.constant 128 : i32
      %mul3A_229 = arith.muli %add3A_194, %mul3A_228 : i32
      %dma_start3A_230 = arith.constant 2 : i32
      %dma_start3A_231 = arith.constant 1 : i32
      %dma_start3A_232 = arith.constant 0 : i32
      %dma_start3A_233 = arith.constant 0 : i32
      %dma_start3A_234 = tpu.memref_slice %arg6[%dma_start3A_230, %dma_start3A_232, %dma_start3A_233] : memref<4x128x40xf32, #tpu.memory_space<vmem>> -> memref<1x128x40xf32, #tpu.memory_space<vmem>>
      %dma_start3A_235 = tpu.memref_squeeze %dma_start3A_234 : memref<1x128x40xf32, #tpu.memory_space<vmem>> -> memref<128x40xf32, #tpu.memory_space<vmem>>
      %dma_start3A_236 = tpu.memref_slice %arg5[%dma_start3A_231, %mul3A_229] : memref<2x10000xi32, #tpu.memory_space<vmem>> -> memref<1x128xi32, #tpu.memory_space<vmem>>
      %dma_start3A_237 = tpu.memref_squeeze %dma_start3A_236 : memref<1x128xi32, #tpu.memory_space<vmem>> -> memref<128xi32, #tpu.memory_space<vmem>>
      %dma_start3A_238 = arith.constant 0 : i32
      %dma_start3A_239 = arith.constant 0 : i32
      %dma_start3A_240 = tpu.memref_slice %arg7[%dma_start3A_238, %dma_start3A_239] : memref<10000x40xf32, #tpu.memory_space<vmem_shared>> -> memref<10000x40xf32, #tpu.memory_space<vmem_shared>>
      tpu.enqueue_indirect_dma source(%dma_start3A_235 : memref<128x40xf32, #tpu.memory_space<vmem>>) target(%dma_start3A_240 : memref<10000x40xf32, #tpu.memory_space<vmem_shared>>) offsets(%dma_start3A_237 : memref<128xi32, #tpu.memory_space<vmem>>) semaphore(%arg14 : memref<!tpu.dma_semaphore, #tpu.memory_space<semaphore_mem>>) {add = true}
      %mul3A_241 = arith.constant 4 : i32
      %mul3A_242 = arith.muli %add3A_93, %mul3A_241 : i32
      %add3A_243 = arith.constant 3 : i32
      %add3A_244 = arith.addi %mul3A_242, %add3A_243 : i32
      %sub3A_245 = arith.constant 2 : i32
      %sub3A_246 = arith.subi %add3A_244, %sub3A_245 : i32
      %mul3A_247 = arith.constant 128 : i32
      %mul3A_248 = arith.muli %sub3A_246, %mul3A_247 : i32
      %dma_wait3A_249 = arith.constant 1 : i32
      %dma_wait3A_250 = arith.constant 1 : i32
      %dma_wait3A_251 = arith.constant 0 : i32
      %dma_wait3A_252 = arith.constant 0 : i32
      %dma_wait3A_253 = tpu.memref_slice %arg6[%dma_wait3A_249, %dma_wait3A_251, %dma_wait3A_252] : memref<4x128x40xf32, #tpu.memory_space<vmem>> -> memref<1x128x40xf32, #tpu.memory_space<vmem>>
      %dma_wait3A_254 = tpu.memref_squeeze %dma_wait3A_253 : memref<1x128x40xf32, #tpu.memory_space<vmem>> -> memref<128x40xf32, #tpu.memory_space<vmem>>
      %dma_wait3A_255 = tpu.memref_slice %arg5[%dma_wait3A_250, %mul3A_248] : memref<2x10000xi32, #tpu.memory_space<vmem>> -> memref<1x128xi32, #tpu.memory_space<vmem>>
      %dma_wait3A_256 = tpu.memref_squeeze %dma_wait3A_255 : memref<1x128xi32, #tpu.memory_space<vmem>> -> memref<128xi32, #tpu.memory_space<vmem>>
      %dma_wait3A_257 = arith.constant 0 : i32
      %dma_wait3A_258 = arith.constant 0 : i32
      %dma_wait3A_259 = tpu.memref_slice %arg7[%dma_wait3A_257, %dma_wait3A_258] : memref<10000x40xf32, #tpu.memory_space<vmem_shared>> -> memref<10000x40xf32, #tpu.memory_space<vmem_shared>>
      tpu.wait_indirect_dma semaphore(%arg13 : memref<!tpu.dma_semaphore, #tpu.memory_space<semaphore_mem>>) src(%dma_wait3A_254 : memref<128x40xf32, #tpu.memory_space<vmem>>) dst(%dma_wait3A_259 : memref<10000x40xf32, #tpu.memory_space<vmem_shared>>)
      %add3A_260 = arith.constant 2 : i32
      %add3A_261 = arith.addi %add3A_244, %add3A_260 : i32
      %lt3A_262 = arith.constant 76 : i32
      %lt3A_263 = arith.cmpi slt, %add3A_261, %lt3A_262 : i32
      %convert_element_type3A_264 = arith.extui %lt3A_263 : i1 to i32
      %cond3A_265 = arith.constant 0 : i32
      %cond3A_266 = arith.cmpi ne, %convert_element_type3A_264, %cond3A_265 : i32
      scf.if %cond3A_266 {
        %add3A_293 = arith.constant 2 : i32
        %add3A_294 = arith.addi %add3A_244, %add3A_293 : i32
        %mul3A_295 = arith.constant 128 : i32
        %mul3A_296 = arith.muli %add3A_294, %mul3A_295 : i32
        %dma_start3A_297 = arith.constant 0 : i32
        %dma_start3A_298 = arith.constant 1 : i32
        %dma_start3A_299 = arith.constant 0 : i32
        %dma_start3A_300 = arith.constant 0 : i32
        %dma_start3A_301 = tpu.memref_slice %arg6[%dma_start3A_298, %dma_start3A_299, %dma_start3A_300] : memref<4x128x40xf32, #tpu.memory_space<vmem>> -> memref<1x128x40xf32, #tpu.memory_space<vmem>>
        %dma_start3A_302 = tpu.memref_squeeze %dma_start3A_301 : memref<1x128x40xf32, #tpu.memory_space<vmem>> -> memref<128x40xf32, #tpu.memory_space<vmem>>
        %dma_start3A_303 = tpu.memref_slice %arg5[%dma_start3A_297, %mul3A_296] : memref<2x10000xi32, #tpu.memory_space<vmem>> -> memref<1x128xi32, #tpu.memory_space<vmem>>
        %dma_start3A_304 = tpu.memref_squeeze %dma_start3A_303 : memref<1x128xi32, #tpu.memory_space<vmem>> -> memref<128xi32, #tpu.memory_space<vmem>>
        %dma_start3A_305 = arith.constant 0 : i32
        %dma_start3A_306 = arith.constant 0 : i32
        %dma_start3A_307 = tpu.memref_slice %arg2[%dma_start3A_305, %dma_start3A_306] : memref<10000x40xf32, #tpu.memory_space<hbm>> -> memref<10000x40xf32, #tpu.memory_space<hbm>>
        tpu.enqueue_indirect_dma source(%dma_start3A_307 : memref<10000x40xf32, #tpu.memory_space<hbm>>) target(%dma_start3A_302 : memref<128x40xf32, #tpu.memory_space<vmem>>) offsets(%dma_start3A_304 : memref<128xi32, #tpu.memory_space<vmem>>) semaphore(%arg9 : memref<!tpu.dma_semaphore, #tpu.memory_space<semaphore_mem>>)
      } else {
      }
      %mul3A_267 = arith.constant 128 : i32
      %mul3A_268 = arith.muli %add3A_244, %mul3A_267 : i32
      %dma_wait3A_269 = arith.constant 0 : i32
      %dma_wait3A_270 = arith.constant 3 : i32
      %dma_wait3A_271 = arith.constant 0 : i32
      %dma_wait3A_272 = arith.constant 0 : i32
      %dma_wait3A_273 = tpu.memref_slice %arg6[%dma_wait3A_270, %dma_wait3A_271, %dma_wait3A_272] : memref<4x128x40xf32, #tpu.memory_space<vmem>> -> memref<1x128x40xf32, #tpu.memory_space<vmem>>
      %dma_wait3A_274 = tpu.memref_squeeze %dma_wait3A_273 : memref<1x128x40xf32, #tpu.memory_space<vmem>> -> memref<128x40xf32, #tpu.memory_space<vmem>>
      %dma_wait3A_275 = tpu.memref_slice %arg5[%dma_wait3A_269, %mul3A_268] : memref<2x10000xi32, #tpu.memory_space<vmem>> -> memref<1x128xi32, #tpu.memory_space<vmem>>
      %dma_wait3A_276 = tpu.memref_squeeze %dma_wait3A_275 : memref<1x128xi32, #tpu.memory_space<vmem>> -> memref<128xi32, #tpu.memory_space<vmem>>
      %dma_wait3A_277 = arith.constant 0 : i32
      %dma_wait3A_278 = arith.constant 0 : i32
      %dma_wait3A_279 = tpu.memref_slice %arg2[%dma_wait3A_277, %dma_wait3A_278] : memref<10000x40xf32, #tpu.memory_space<hbm>> -> memref<10000x40xf32, #tpu.memory_space<hbm>>
      tpu.wait_indirect_dma semaphore(%arg11 : memref<!tpu.dma_semaphore, #tpu.memory_space<semaphore_mem>>) src(%dma_wait3A_279 : memref<10000x40xf32, #tpu.memory_space<hbm>>) dst(%dma_wait3A_274 : memref<128x40xf32, #tpu.memory_space<vmem>>)
      %mul3A_280 = arith.constant 128 : i32
      %mul3A_281 = arith.muli %add3A_244, %mul3A_280 : i32
      %dma_start3A_282 = arith.constant 3 : i32
      %dma_start3A_283 = arith.constant 1 : i32
      %dma_start3A_284 = arith.constant 0 : i32
      %dma_start3A_285 = arith.constant 0 : i32
      %dma_start3A_286 = tpu.memref_slice %arg6[%dma_start3A_282, %dma_start3A_284, %dma_start3A_285] : memref<4x128x40xf32, #tpu.memory_space<vmem>> -> memref<1x128x40xf32, #tpu.memory_space<vmem>>
      %dma_start3A_287 = tpu.memref_squeeze %dma_start3A_286 : memref<1x128x40xf32, #tpu.memory_space<vmem>> -> memref<128x40xf32, #tpu.memory_space<vmem>>
      %dma_start3A_288 = tpu.memref_slice %arg5[%dma_start3A_283, %mul3A_281] : memref<2x10000xi32, #tpu.memory_space<vmem>> -> memref<1x128xi32, #tpu.memory_space<vmem>>
      %dma_start3A_289 = tpu.memref_squeeze %dma_start3A_288 : memref<1x128xi32, #tpu.memory_space<vmem>> -> memref<128xi32, #tpu.memory_space<vmem>>
      %dma_start3A_290 = arith.constant 0 : i32
      %dma_start3A_291 = arith.constant 0 : i32
      %dma_start3A_292 = tpu.memref_slice %arg7[%dma_start3A_290, %dma_start3A_291] : memref<10000x40xf32, #tpu.memory_space<vmem_shared>> -> memref<10000x40xf32, #tpu.memory_space<vmem_shared>>
      tpu.enqueue_indirect_dma source(%dma_start3A_287 : memref<128x40xf32, #tpu.memory_space<vmem>>) target(%dma_start3A_292 : memref<10000x40xf32, #tpu.memory_space<vmem_shared>>) offsets(%dma_start3A_289 : memref<128xi32, #tpu.memory_space<vmem>>) semaphore(%arg15 : memref<!tpu.dma_semaphore, #tpu.memory_space<semaphore_mem>>) {add = true}
    }
    %scan3A_48 = arith.constant 19 : i32
    %dma_wait3A_49 = arith.constant 2 : i32
    %dma_wait3A_50 = arith.constant 1 : i32
    %dma_wait3A_51 = arith.constant 0 : i32
    %dma_wait3A_52 = arith.constant 0 : i32
    %dma_wait3A_53 = tpu.memref_slice %arg6[%dma_wait3A_49, %dma_wait3A_51, %dma_wait3A_52] : memref<4x128x40xf32, #tpu.memory_space<vmem>> -> memref<1x128x40xf32, #tpu.memory_space<vmem>>
    %dma_wait3A_54 = tpu.memref_squeeze %dma_wait3A_53 : memref<1x128x40xf32, #tpu.memory_space<vmem>> -> memref<128x40xf32, #tpu.memory_space<vmem>>
    %dma_wait3A_55 = arith.constant 9472 : i32
    %dma_wait3A_56 = tpu.memref_slice %arg5[%dma_wait3A_50, %dma_wait3A_55] : memref<2x10000xi32, #tpu.memory_space<vmem>> -> memref<1x128xi32, #tpu.memory_space<vmem>>
    %dma_wait3A_57 = tpu.memref_squeeze %dma_wait3A_56 : memref<1x128xi32, #tpu.memory_space<vmem>> -> memref<128xi32, #tpu.memory_space<vmem>>
    %dma_wait3A_58 = arith.constant 0 : i32
    %dma_wait3A_59 = arith.constant 0 : i32
    %dma_wait3A_60 = tpu.memref_slice %arg7[%dma_wait3A_58, %dma_wait3A_59] : memref<10000x40xf32, #tpu.memory_space<vmem_shared>> -> memref<10000x40xf32, #tpu.memory_space<vmem_shared>>
    tpu.wait_indirect_dma semaphore(%arg14 : memref<!tpu.dma_semaphore, #tpu.memory_space<semaphore_mem>>) src(%dma_wait3A_54 : memref<128x40xf32, #tpu.memory_space<vmem>>) dst(%dma_wait3A_60 : memref<10000x40xf32, #tpu.memory_space<vmem_shared>>)
    %dma_wait3A_61 = arith.constant 3 : i32
    %dma_wait3A_62 = arith.constant 1 : i32
    %dma_wait3A_63 = arith.constant 0 : i32
    %dma_wait3A_64 = arith.constant 0 : i32
    %dma_wait3A_65 = tpu.memref_slice %arg6[%dma_wait3A_61, %dma_wait3A_63, %dma_wait3A_64] : memref<4x128x40xf32, #tpu.memory_space<vmem>> -> memref<1x128x40xf32, #tpu.memory_space<vmem>>
    %dma_wait3A_66 = tpu.memref_squeeze %dma_wait3A_65 : memref<1x128x40xf32, #tpu.memory_space<vmem>> -> memref<128x40xf32, #tpu.memory_space<vmem>>
    %dma_wait3A_67 = arith.constant 9600 : i32
    %dma_wait3A_68 = tpu.memref_slice %arg5[%dma_wait3A_62, %dma_wait3A_67] : memref<2x10000xi32, #tpu.memory_space<vmem>> -> memref<1x128xi32, #tpu.memory_space<vmem>>
    %dma_wait3A_69 = tpu.memref_squeeze %dma_wait3A_68 : memref<1x128xi32, #tpu.memory_space<vmem>> -> memref<128xi32, #tpu.memory_space<vmem>>
    %dma_wait3A_70 = arith.constant 0 : i32
    %dma_wait3A_71 = arith.constant 0 : i32
    %dma_wait3A_72 = tpu.memref_slice %arg7[%dma_wait3A_70, %dma_wait3A_71] : memref<10000x40xf32, #tpu.memory_space<vmem_shared>> -> memref<10000x40xf32, #tpu.memory_space<vmem_shared>>
    tpu.wait_indirect_dma semaphore(%arg15 : memref<!tpu.dma_semaphore, #tpu.memory_space<semaphore_mem>>) src(%dma_wait3A_66 : memref<128x40xf32, #tpu.memory_space<vmem>>) dst(%dma_wait3A_72 : memref<10000x40xf32, #tpu.memory_space<vmem_shared>>)
    %run_scoped3A = arith.constant 0 : i32
    %run_scoped3A_73 = arith.constant 0 : i32
    "tpu.region"() ({
      %run_scoped3A_89 = tpu.sem_alloc : memref<!tpu.dma_semaphore, #tpu.memory_space<semaphore_mem>>
      %dma_start3A_90 = arith.constant 0 : i32
      %dma_start3A_91 = arith.constant 0 : i32
      %dma_start3A_92 = tpu.memref_slice %arg6[%run_scoped3A_73, %dma_start3A_90, %dma_start3A_91] : memref<4x128x40xf32, #tpu.memory_space<vmem>> -> memref<1x128x40xf32, #tpu.memory_space<vmem>>
      %dma_start3A_93 = tpu.memref_squeeze %dma_start3A_92 : memref<1x128x40xf32, #tpu.memory_space<vmem>> -> memref<128x40xf32, #tpu.memory_space<vmem>>
      %dma_start3A_94 = arith.constant 9728 : i32
      %dma_start3A_95 = tpu.memref_slice %arg5[%run_scoped3A, %dma_start3A_94] : memref<2x10000xi32, #tpu.memory_space<vmem>> -> memref<1x128xi32, #tpu.memory_space<vmem>>
      %dma_start3A_96 = tpu.memref_squeeze %dma_start3A_95 : memref<1x128xi32, #tpu.memory_space<vmem>> -> memref<128xi32, #tpu.memory_space<vmem>>
      %dma_start3A_97 = arith.constant 0 : i32
      %dma_start3A_98 = arith.constant 0 : i32
      %dma_start3A_99 = tpu.memref_slice %arg2[%dma_start3A_97, %dma_start3A_98] : memref<10000x40xf32, #tpu.memory_space<hbm>> -> memref<10000x40xf32, #tpu.memory_space<hbm>>
      tpu.enqueue_indirect_dma source(%dma_start3A_99 : memref<10000x40xf32, #tpu.memory_space<hbm>>) target(%dma_start3A_93 : memref<128x40xf32, #tpu.memory_space<vmem>>) offsets(%dma_start3A_96 : memref<128xi32, #tpu.memory_space<vmem>>) semaphore(%run_scoped3A_89 : memref<!tpu.dma_semaphore, #tpu.memory_space<semaphore_mem>>)
      %dma_wait3A_100 = arith.constant 0 : i32
      %dma_wait3A_101 = arith.constant 0 : i32
      %dma_wait3A_102 = tpu.memref_slice %arg6[%run_scoped3A_73, %dma_wait3A_100, %dma_wait3A_101] : memref<4x128x40xf32, #tpu.memory_space<vmem>> -> memref<1x128x40xf32, #tpu.memory_space<vmem>>
      %dma_wait3A_103 = tpu.memref_squeeze %dma_wait3A_102 : memref<1x128x40xf32, #tpu.memory_space<vmem>> -> memref<128x40xf32, #tpu.memory_space<vmem>>
      %dma_wait3A_104 = arith.constant 9728 : i32
      %dma_wait3A_105 = tpu.memref_slice %arg5[%run_scoped3A, %dma_wait3A_104] : memref<2x10000xi32, #tpu.memory_space<vmem>> -> memref<1x128xi32, #tpu.memory_space<vmem>>
      %dma_wait3A_106 = tpu.memref_squeeze %dma_wait3A_105 : memref<1x128xi32, #tpu.memory_space<vmem>> -> memref<128xi32, #tpu.memory_space<vmem>>
      %dma_wait3A_107 = arith.constant 0 : i32
      %dma_wait3A_108 = arith.constant 0 : i32
      %dma_wait3A_109 = tpu.memref_slice %arg2[%dma_wait3A_107, %dma_wait3A_108] : memref<10000x40xf32, #tpu.memory_space<hbm>> -> memref<10000x40xf32, #tpu.memory_space<hbm>>
      tpu.wait_indirect_dma semaphore(%run_scoped3A_89 : memref<!tpu.dma_semaphore, #tpu.memory_space<semaphore_mem>>) src(%dma_wait3A_109 : memref<10000x40xf32, #tpu.memory_space<hbm>>) dst(%dma_wait3A_103 : memref<128x40xf32, #tpu.memory_space<vmem>>)
      tpu.yield
    }) : () -> ()
    %run_scoped3A_74 = arith.constant 0 : i32
    %run_scoped3A_75 = arith.constant 1 : i32
    "tpu.region"() ({
      %run_scoped3A_89 = tpu.sem_alloc : memref<!tpu.dma_semaphore, #tpu.memory_space<semaphore_mem>>
      %dma_start3A_90 = arith.constant 0 : i32
      %dma_start3A_91 = arith.constant 0 : i32
      %dma_start3A_92 = tpu.memref_slice %arg6[%run_scoped3A_74, %dma_start3A_90, %dma_start3A_91] : memref<4x128x40xf32, #tpu.memory_space<vmem>> -> memref<1x128x40xf32, #tpu.memory_space<vmem>>
      %dma_start3A_93 = tpu.memref_squeeze %dma_start3A_92 : memref<1x128x40xf32, #tpu.memory_space<vmem>> -> memref<128x40xf32, #tpu.memory_space<vmem>>
      %dma_start3A_94 = arith.constant 9728 : i32
      %dma_start3A_95 = tpu.memref_slice %arg5[%run_scoped3A_75, %dma_start3A_94] : memref<2x10000xi32, #tpu.memory_space<vmem>> -> memref<1x128xi32, #tpu.memory_space<vmem>>
      %dma_start3A_96 = tpu.memref_squeeze %dma_start3A_95 : memref<1x128xi32, #tpu.memory_space<vmem>> -> memref<128xi32, #tpu.memory_space<vmem>>
      %dma_start3A_97 = arith.constant 0 : i32
      %dma_start3A_98 = arith.constant 0 : i32
      %dma_start3A_99 = tpu.memref_slice %arg7[%dma_start3A_97, %dma_start3A_98] : memref<10000x40xf32, #tpu.memory_space<vmem_shared>> -> memref<10000x40xf32, #tpu.memory_space<vmem_shared>>
      tpu.enqueue_indirect_dma source(%dma_start3A_93 : memref<128x40xf32, #tpu.memory_space<vmem>>) target(%dma_start3A_99 : memref<10000x40xf32, #tpu.memory_space<vmem_shared>>) offsets(%dma_start3A_96 : memref<128xi32, #tpu.memory_space<vmem>>) semaphore(%run_scoped3A_89 : memref<!tpu.dma_semaphore, #tpu.memory_space<semaphore_mem>>) {add = true}
      %dma_wait3A_100 = arith.constant 0 : i32
      %dma_wait3A_101 = arith.constant 0 : i32
      %dma_wait3A_102 = tpu.memref_slice %arg6[%run_scoped3A_74, %dma_wait3A_100, %dma_wait3A_101] : memref<4x128x40xf32, #tpu.memory_space<vmem>> -> memref<1x128x40xf32, #tpu.memory_space<vmem>>
      %dma_wait3A_103 = tpu.memref_squeeze %dma_wait3A_102 : memref<1x128x40xf32, #tpu.memory_space<vmem>> -> memref<128x40xf32, #tpu.memory_space<vmem>>
      %dma_wait3A_104 = arith.constant 9728 : i32
      %dma_wait3A_105 = tpu.memref_slice %arg5[%run_scoped3A_75, %dma_wait3A_104] : memref<2x10000xi32, #tpu.memory_space<vmem>> -> memref<1x128xi32, #tpu.memory_space<vmem>>
      %dma_wait3A_106 = tpu.memref_squeeze %dma_wait3A_105 : memref<1x128xi32, #tpu.memory_space<vmem>> -> memref<128xi32, #tpu.memory_space<vmem>>
      %dma_wait3A_107 = arith.constant 0 : i32
      %dma_wait3A_108 = arith.constant 0 : i32
      %dma_wait3A_109 = tpu.memref_slice %arg7[%dma_wait3A_107, %dma_wait3A_108] : memref<10000x40xf32, #tpu.memory_space<vmem_shared>> -> memref<10000x40xf32, #tpu.memory_space<vmem_shared>>
      tpu.wait_indirect_dma semaphore(%run_scoped3A_89 : memref<!tpu.dma_semaphore, #tpu.memory_space<semaphore_mem>>) src(%dma_wait3A_103 : memref<128x40xf32, #tpu.memory_space<vmem>>) dst(%dma_wait3A_109 : memref<10000x40xf32, #tpu.memory_space<vmem_shared>>)
      tpu.yield
    }) : () -> ()
    %run_scoped3A_76 = arith.constant 0 : i32
    %run_scoped3A_77 = arith.constant 0 : i32
    "tpu.region"() ({
      %run_scoped3A_89 = tpu.sem_alloc : memref<!tpu.dma_semaphore, #tpu.memory_space<semaphore_mem>>
      %dma_start3A_90 = arith.constant 0 : i32
      %dma_start3A_91 = arith.constant 0 : i32
      %dma_start3A_92 = tpu.memref_slice %arg6[%run_scoped3A_77, %dma_start3A_90, %dma_start3A_91] : memref<4x128x40xf32, #tpu.memory_space<vmem>> -> memref<1x128x40xf32, #tpu.memory_space<vmem>>
      %dma_start3A_93 = tpu.memref_squeeze %dma_start3A_92 : memref<1x128x40xf32, #tpu.memory_space<vmem>> -> memref<128x40xf32, #tpu.memory_space<vmem>>
      %dma_start3A_94 = arith.constant 9856 : i32
      %dma_start3A_95 = tpu.memref_slice %arg5[%run_scoped3A_76, %dma_start3A_94] : memref<2x10000xi32, #tpu.memory_space<vmem>> -> memref<1x128xi32, #tpu.memory_space<vmem>>
      %dma_start3A_96 = tpu.memref_squeeze %dma_start3A_95 : memref<1x128xi32, #tpu.memory_space<vmem>> -> memref<128xi32, #tpu.memory_space<vmem>>
      %dma_start3A_97 = arith.constant 0 : i32
      %dma_start3A_98 = arith.constant 0 : i32
      %dma_start3A_99 = tpu.memref_slice %arg2[%dma_start3A_97, %dma_start3A_98] : memref<10000x40xf32, #tpu.memory_space<hbm>> -> memref<10000x40xf32, #tpu.memory_space<hbm>>
      tpu.enqueue_indirect_dma source(%dma_start3A_99 : memref<10000x40xf32, #tpu.memory_space<hbm>>) target(%dma_start3A_93 : memref<128x40xf32, #tpu.memory_space<vmem>>) offsets(%dma_start3A_96 : memref<128xi32, #tpu.memory_space<vmem>>) semaphore(%run_scoped3A_89 : memref<!tpu.dma_semaphore, #tpu.memory_space<semaphore_mem>>)
      %dma_wait3A_100 = arith.constant 0 : i32
      %dma_wait3A_101 = arith.constant 0 : i32
      %dma_wait3A_102 = tpu.memref_slice %arg6[%run_scoped3A_77, %dma_wait3A_100, %dma_wait3A_101] : memref<4x128x40xf32, #tpu.memory_space<vmem>> -> memref<1x128x40xf32, #tpu.memory_space<vmem>>
      %dma_wait3A_103 = tpu.memref_squeeze %dma_wait3A_102 : memref<1x128x40xf32, #tpu.memory_space<vmem>> -> memref<128x40xf32, #tpu.memory_space<vmem>>
      %dma_wait3A_104 = arith.constant 9856 : i32
      %dma_wait3A_105 = tpu.memref_slice %arg5[%run_scoped3A_76, %dma_wait3A_104] : memref<2x10000xi32, #tpu.memory_space<vmem>> -> memref<1x128xi32, #tpu.memory_space<vmem>>
      %dma_wait3A_106 = tpu.memref_squeeze %dma_wait3A_105 : memref<1x128xi32, #tpu.memory_space<vmem>> -> memref<128xi32, #tpu.memory_space<vmem>>
      %dma_wait3A_107 = arith.constant 0 : i32
      %dma_wait3A_108 = arith.constant 0 : i32
      %dma_wait3A_109 = tpu.memref_slice %arg2[%dma_wait3A_107, %dma_wait3A_108] : memref<10000x40xf32, #tpu.memory_space<hbm>> -> memref<10000x40xf32, #tpu.memory_space<hbm>>
      tpu.wait_indirect_dma semaphore(%run_scoped3A_89 : memref<!tpu.dma_semaphore, #tpu.memory_space<semaphore_mem>>) src(%dma_wait3A_109 : memref<10000x40xf32, #tpu.memory_space<hbm>>) dst(%dma_wait3A_103 : memref<128x40xf32, #tpu.memory_space<vmem>>)
      tpu.yield
    }) : () -> ()
    %run_scoped3A_78 = arith.constant 0 : i32
    %run_scoped3A_79 = arith.constant 1 : i32
    "tpu.region"() ({
      %run_scoped3A_89 = tpu.sem_alloc : memref<!tpu.dma_semaphore, #tpu.memory_space<semaphore_mem>>
      %dma_start3A_90 = arith.constant 0 : i32
      %dma_start3A_91 = arith.constant 0 : i32
      %dma_start3A_92 = tpu.memref_slice %arg6[%run_scoped3A_78, %dma_start3A_90, %dma_start3A_91] : memref<4x128x40xf32, #tpu.memory_space<vmem>> -> memref<1x128x40xf32, #tpu.memory_space<vmem>>
      %dma_start3A_93 = tpu.memref_squeeze %dma_start3A_92 : memref<1x128x40xf32, #tpu.memory_space<vmem>> -> memref<128x40xf32, #tpu.memory_space<vmem>>
      %dma_start3A_94 = arith.constant 9856 : i32
      %dma_start3A_95 = tpu.memref_slice %arg5[%run_scoped3A_79, %dma_start3A_94] : memref<2x10000xi32, #tpu.memory_space<vmem>> -> memref<1x128xi32, #tpu.memory_space<vmem>>
      %dma_start3A_96 = tpu.memref_squeeze %dma_start3A_95 : memref<1x128xi32, #tpu.memory_space<vmem>> -> memref<128xi32, #tpu.memory_space<vmem>>
      %dma_start3A_97 = arith.constant 0 : i32
      %dma_start3A_98 = arith.constant 0 : i32
      %dma_start3A_99 = tpu.memref_slice %arg7[%dma_start3A_97, %dma_start3A_98] : memref<10000x40xf32, #tpu.memory_space<vmem_shared>> -> memref<10000x40xf32, #tpu.memory_space<vmem_shared>>
      tpu.enqueue_indirect_dma source(%dma_start3A_93 : memref<128x40xf32, #tpu.memory_space<vmem>>) target(%dma_start3A_99 : memref<10000x40xf32, #tpu.memory_space<vmem_shared>>) offsets(%dma_start3A_96 : memref<128xi32, #tpu.memory_space<vmem>>) semaphore(%run_scoped3A_89 : memref<!tpu.dma_semaphore, #tpu.memory_space<semaphore_mem>>) {add = true}
      %dma_wait3A_100 = arith.constant 0 : i32
      %dma_wait3A_101 = arith.constant 0 : i32
      %dma_wait3A_102 = tpu.memref_slice %arg6[%run_scoped3A_78, %dma_wait3A_100, %dma_wait3A_101] : memref<4x128x40xf32, #tpu.memory_space<vmem>> -> memref<1x128x40xf32, #tpu.memory_space<vmem>>
      %dma_wait3A_103 = tpu.memref_squeeze %dma_wait3A_102 : memref<1x128x40xf32, #tpu.memory_space<vmem>> -> memref<128x40xf32, #tpu.memory_space<vmem>>
      %dma_wait3A_104 = arith.constant 9856 : i32
      %dma_wait3A_105 = tpu.memref_slice %arg5[%run_scoped3A_79, %dma_wait3A_104] : memref<2x10000xi32, #tpu.memory_space<vmem>> -> memref<1x128xi32, #tpu.memory_space<vmem>>
      %dma_wait3A_106 = tpu.memref_squeeze %dma_wait3A_105 : memref<1x128xi32, #tpu.memory_space<vmem>> -> memref<128xi32, #tpu.memory_space<vmem>>
      %dma_wait3A_107 = arith.constant 0 : i32
      %dma_wait3A_108 = arith.constant 0 : i32
      %dma_wait3A_109 = tpu.memref_slice %arg7[%dma_wait3A_107, %dma_wait3A_108] : memref<10000x40xf32, #tpu.memory_space<vmem_shared>> -> memref<10000x40xf32, #tpu.memory_space<vmem_shared>>
      tpu.wait_indirect_dma semaphore(%run_scoped3A_89 : memref<!tpu.dma_semaphore, #tpu.memory_space<semaphore_mem>>) src(%dma_wait3A_103 : memref<128x40xf32, #tpu.memory_space<vmem>>) dst(%dma_wait3A_109 : memref<10000x40xf32, #tpu.memory_space<vmem_shared>>)
      tpu.yield
    }) : () -> ()
    %run_scoped3A_80 = arith.constant 0 : i32
    %run_scoped3A_81 = arith.constant 0 : i32
    "tpu.region"() ({
      %run_scoped3A_89 = tpu.sem_alloc : memref<!tpu.dma_semaphore, #tpu.memory_space<semaphore_mem>>
      %dma_start3A_90 = arith.constant 0 : i32
      %dma_start3A_91 = arith.constant 0 : i32
      %dma_start3A_92 = tpu.memref_slice %arg6[%run_scoped3A_81, %dma_start3A_90, %dma_start3A_91] : memref<4x128x40xf32, #tpu.memory_space<vmem>> -> memref<1x16x40xf32, #tpu.memory_space<vmem>>
      %dma_start3A_93 = tpu.memref_squeeze %dma_start3A_92 : memref<1x16x40xf32, #tpu.memory_space<vmem>> -> memref<16x40xf32, #tpu.memory_space<vmem>>
      %dma_start3A_94 = arith.constant 9984 : i32
      %dma_start3A_95 = tpu.memref_slice %arg5[%run_scoped3A_80, %dma_start3A_94] : memref<2x10000xi32, #tpu.memory_space<vmem>> -> memref<1x16xi32, #tpu.memory_space<vmem>>
      %dma_start3A_96 = tpu.memref_squeeze %dma_start3A_95 : memref<1x16xi32, #tpu.memory_space<vmem>> -> memref<16xi32, #tpu.memory_space<vmem>>
      %dma_start3A_97 = arith.constant 0 : i32
      %dma_start3A_98 = arith.constant 0 : i32
      %dma_start3A_99 = tpu.memref_slice %arg2[%dma_start3A_97, %dma_start3A_98] : memref<10000x40xf32, #tpu.memory_space<hbm>> -> memref<10000x40xf32, #tpu.memory_space<hbm>>
      tpu.enqueue_indirect_dma source(%dma_start3A_99 : memref<10000x40xf32, #tpu.memory_space<hbm>>) target(%dma_start3A_93 : memref<16x40xf32, #tpu.memory_space<vmem>>) offsets(%dma_start3A_96 : memref<16xi32, #tpu.memory_space<vmem>>) semaphore(%run_scoped3A_89 : memref<!tpu.dma_semaphore, #tpu.memory_space<semaphore_mem>>)
      %dma_wait3A_100 = arith.constant 0 : i32
      %dma_wait3A_101 = arith.constant 0 : i32
      %dma_wait3A_102 = tpu.memref_slice %arg6[%run_scoped3A_81, %dma_wait3A_100, %dma_wait3A_101] : memref<4x128x40xf32, #tpu.memory_space<vmem>> -> memref<1x16x40xf32, #tpu.memory_space<vmem>>
      %dma_wait3A_103 = tpu.memref_squeeze %dma_wait3A_102 : memref<1x16x40xf32, #tpu.memory_space<vmem>> -> memref<16x40xf32, #tpu.memory_space<vmem>>
      %dma_wait3A_104 = arith.constant 9984 : i32
      %dma_wait3A_105 = tpu.memref_slice %arg5[%run_scoped3A_80, %dma_wait3A_104] : memref<2x10000xi32, #tpu.memory_space<vmem>> -> memref<1x16xi32, #tpu.memory_space<vmem>>
      %dma_wait3A_106 = tpu.memref_squeeze %dma_wait3A_105 : memref<1x16xi32, #tpu.memory_space<vmem>> -> memref<16xi32, #tpu.memory_space<vmem>>
      %dma_wait3A_107 = arith.constant 0 : i32
      %dma_wait3A_108 = arith.constant 0 : i32
      %dma_wait3A_109 = tpu.memref_slice %arg2[%dma_wait3A_107, %dma_wait3A_108] : memref<10000x40xf32, #tpu.memory_space<hbm>> -> memref<10000x40xf32, #tpu.memory_space<hbm>>
      tpu.wait_indirect_dma semaphore(%run_scoped3A_89 : memref<!tpu.dma_semaphore, #tpu.memory_space<semaphore_mem>>) src(%dma_wait3A_109 : memref<10000x40xf32, #tpu.memory_space<hbm>>) dst(%dma_wait3A_103 : memref<16x40xf32, #tpu.memory_space<vmem>>)
      tpu.yield
    }) : () -> ()
    %run_scoped3A_82 = arith.constant 0 : i32
    %run_scoped3A_83 = arith.constant 1 : i32
    "tpu.region"() ({
      %run_scoped3A_89 = tpu.sem_alloc : memref<!tpu.dma_semaphore, #tpu.memory_space<semaphore_mem>>
      %dma_start3A_90 = arith.constant 0 : i32
      %dma_start3A_91 = arith.constant 0 : i32
      %dma_start3A_92 = tpu.memref_slice %arg6[%run_scoped3A_82, %dma_start3A_90, %dma_start3A_91] : memref<4x128x40xf32, #tpu.memory_space<vmem>> -> memref<1x16x40xf32, #tpu.memory_space<vmem>>
      %dma_start3A_93 = tpu.memref_squeeze %dma_start3A_92 : memref<1x16x40xf32, #tpu.memory_space<vmem>> -> memref<16x40xf32, #tpu.memory_space<vmem>>
      %dma_start3A_94 = arith.constant 9984 : i32
      %dma_start3A_95 = tpu.memref_slice %arg5[%run_scoped3A_83, %dma_start3A_94] : memref<2x10000xi32, #tpu.memory_space<vmem>> -> memref<1x16xi32, #tpu.memory_space<vmem>>
      %dma_start3A_96 = tpu.memref_squeeze %dma_start3A_95 : memref<1x16xi32, #tpu.memory_space<vmem>> -> memref<16xi32, #tpu.memory_space<vmem>>
      %dma_start3A_97 = arith.constant 0 : i32
      %dma_start3A_98 = arith.constant 0 : i32
      %dma_start3A_99 = tpu.memref_slice %arg7[%dma_start3A_97, %dma_start3A_98] : memref<10000x40xf32, #tpu.memory_space<vmem_shared>> -> memref<10000x40xf32, #tpu.memory_space<vmem_shared>>
      tpu.enqueue_indirect_dma source(%dma_start3A_93 : memref<16x40xf32, #tpu.memory_space<vmem>>) target(%dma_start3A_99 : memref<10000x40xf32, #tpu.memory_space<vmem_shared>>) offsets(%dma_start3A_96 : memref<16xi32, #tpu.memory_space<vmem>>) semaphore(%run_scoped3A_89 : memref<!tpu.dma_semaphore, #tpu.memory_space<semaphore_mem>>) {add = true}
      %dma_wait3A_100 = arith.constant 0 : i32
      %dma_wait3A_101 = arith.constant 0 : i32
      %dma_wait3A_102 = tpu.memref_slice %arg6[%run_scoped3A_82, %dma_wait3A_100, %dma_wait3A_101] : memref<4x128x40xf32, #tpu.memory_space<vmem>> -> memref<1x16x40xf32, #tpu.memory_space<vmem>>
      %dma_wait3A_103 = tpu.memref_squeeze %dma_wait3A_102 : memref<1x16x40xf32, #tpu.memory_space<vmem>> -> memref<16x40xf32, #tpu.memory_space<vmem>>
      %dma_wait3A_104 = arith.constant 9984 : i32
      %dma_wait3A_105 = tpu.memref_slice %arg5[%run_scoped3A_83, %dma_wait3A_104] : memref<2x10000xi32, #tpu.memory_space<vmem>> -> memref<1x16xi32, #tpu.memory_space<vmem>>
      %dma_wait3A_106 = tpu.memref_squeeze %dma_wait3A_105 : memref<1x16xi32, #tpu.memory_space<vmem>> -> memref<16xi32, #tpu.memory_space<vmem>>
      %dma_wait3A_107 = arith.constant 0 : i32
      %dma_wait3A_108 = arith.constant 0 : i32
      %dma_wait3A_109 = tpu.memref_slice %arg7[%dma_wait3A_107, %dma_wait3A_108] : memref<10000x40xf32, #tpu.memory_space<vmem_shared>> -> memref<10000x40xf32, #tpu.memory_space<vmem_shared>>
      tpu.wait_indirect_dma semaphore(%run_scoped3A_89 : memref<!tpu.dma_semaphore, #tpu.memory_space<semaphore_mem>>) src(%dma_wait3A_103 : memref<16x40xf32, #tpu.memory_space<vmem>>) dst(%dma_wait3A_109 : memref<10000x40xf32, #tpu.memory_space<vmem_shared>>)
      tpu.yield
    }) : () -> ()
    %barrier3A_84 = arith.constant 0 : index
    tpu.barrier barrier_id(%barrier3A_84)
    %mul3A_85 = arith.constant 625 : i32
    %mul3A_86 = arith.muli %arg1, %mul3A_85 : i32
    %mul3A_87 = arith.constant 625 : i32
    %mul3A_88 = arith.muli %arg1, %mul3A_87 : i32
    "tpu.region"() ({
      %run_scoped3A_89 = tpu.sem_alloc : memref<!tpu.dma_semaphore, #tpu.memory_space<semaphore_mem>>
      %dma_start3A_90 = arith.constant 0 : i32
      %dma_start3A_91 = tpu.memref_slice %arg4[%arg0, %mul3A_88, %dma_start3A_90] : memref<2x10000x40xf32, #tpu.memory_space<hbm>> -> memref<1x625x40xf32, #tpu.memory_space<hbm>>
      %dma_start3A_92 = tpu.memref_squeeze %dma_start3A_91 : memref<1x625x40xf32, #tpu.memory_space<hbm>> -> memref<625x40xf32, #tpu.memory_space<hbm>>
      %dma_start3A_93 = arith.constant 0 : i32
      %dma_start3A_94 = tpu.memref_slice %arg7[%mul3A_86, %dma_start3A_93] : memref<10000x40xf32, #tpu.memory_space<vmem_shared>> -> memref<625x40xf32, #tpu.memory_space<vmem_shared>>
      tpu.enqueue_dma source(%dma_start3A_94 : memref<625x40xf32, #tpu.memory_space<vmem_shared>>) target(%dma_start3A_92 : memref<625x40xf32, #tpu.memory_space<hbm>>) target_semaphore(%run_scoped3A_89 : memref<!tpu.dma_semaphore, #tpu.memory_space<semaphore_mem>>)
      %dma_wait3A_95 = arith.constant 0 : i32
      %dma_wait3A_96 = tpu.memref_slice %arg4[%arg0, %mul3A_88, %dma_wait3A_95] : memref<2x10000x40xf32, #tpu.memory_space<hbm>> -> memref<1x625x40xf32, #tpu.memory_space<hbm>>
      %dma_wait3A_97 = tpu.memref_squeeze %dma_wait3A_96 : memref<1x625x40xf32, #tpu.memory_space<hbm>> -> memref<625x40xf32, #tpu.memory_space<hbm>>
      %dma_wait3A_98 = arith.constant 0 : i32
      %dma_wait3A_99 = tpu.memref_slice %arg7[%mul3A_86, %dma_wait3A_98] : memref<10000x40xf32, #tpu.memory_space<vmem_shared>> -> memref<625x40xf32, #tpu.memory_space<vmem_shared>>
      tpu.wait_dma2 semaphore(%run_scoped3A_89 : memref<!tpu.dma_semaphore, #tpu.memory_space<semaphore_mem>>) src(%dma_wait3A_99 : memref<625x40xf32, #tpu.memory_space<vmem_shared>>) dst(%dma_wait3A_97 : memref<625x40xf32, #tpu.memory_space<hbm>>)
      tpu.yield
    }) : () -> ()
    return
  }
}

module attributes {stable_mosaic.version = 14 : i64} {
  func.func @body(%arg0: i32, %arg1: memref<2000x128xf32, #tpu.memory_space<vmem>>, %arg2: memref<64x128xf32, #tpu.memory_space<vmem>>, %arg3: memref<2000x64xf32, #tpu.memory_space<vmem>>) attributes {dimension_semantics = [#tpu.dimension_semantics<arbitrary>], iteration_bounds = array<i64: 5>, scalar_prefetch = 0 : i64, scratch_operands = 0 : i64, tpu.core_type = #tpu.core_type<tc>, window_params = [{transform_indices = @transform_0, window_bounds = array<i64: 2000, 128>}, {pipeline_mode = #tpu.pipeline_mode<synchronous>, transform_indices = @transform_1, window_bounds = array<i64: 64, 128>}, {transform_indices = @transform_2, window_bounds = array<i64: 2000, 64>}]} {
    %get3A = arith.constant 0 : index
    %get3A_0 = arith.constant 0 : index
    %get3A_1 = vector.load %arg1[%get3A, %get3A_0] : memref<2000x128xf32, #tpu.memory_space<vmem>>, vector<2000x128xf32>
    %get3A_2 = arith.constant 0 : index
    %get3A_3 = arith.constant 0 : index
    %get3A_4 = vector.load %arg2[%get3A_2, %get3A_3] : memref<64x128xf32, #tpu.memory_space<vmem>>, vector<64x128xf32>
    %dot_general3A = arith.constant dense<0.000000e+00> : vector<2000x64xf32>
    %dot_general3A_5 = tpu.matmul %get3A_1, %get3A_4, %dot_general3A {dimension_numbers = #tpu.dot_dimension_numbers<[1], [1], [0], [0], [0, 0, 1, 0], [], []>, transpose_lhs_hint = false} : vector<2000x128xf32>, vector<64x128xf32>, vector<2000x64xf32> -> vector<2000x64xf32>
    %swap3A = arith.constant 0 : index
    %swap3A_6 = arith.constant 0 : index
    %swap3A_7 = vector.load %arg3[%swap3A, %swap3A_6] : memref<2000x64xf32, #tpu.memory_space<vmem>>, vector<2000x64xf32>
    tpu.vector_store %arg3[%swap3A, %swap3A_6], %dot_general3A_5 {strides = array<i32>} : memref<2000x64xf32, #tpu.memory_space<vmem>>, vector<2000x64xf32>,
    return
  }
  func.func @transform_0(%arg0: i32) -> (i32, i32) {
    %c0_i32 = arith.constant 0 : i32
    %c0_i32_0 = arith.constant 0 : i32
    return %arg0, %c0_i32 : i32, i32
  }
  func.func @transform_1(%arg0: i32) -> (i32, i32) {
    %c0_i32 = arith.constant 0 : i32
    %c0_i32_0 = arith.constant 0 : i32
    %c0_i32_1 = arith.constant 0 : i32
    return %c0_i32, %c0_i32_0 : i32, i32
  }
  func.func @transform_2(%arg0: i32) -> (i32, i32) {
    %c0_i32 = arith.constant 0 : i32
    %c0_i32_0 = arith.constant 0 : i32
    return %arg0, %c0_i32 : i32, i32
  }
}

module attributes {stable_mosaic.version = 14 : i64} {
  func.func @body(%arg0: i32, %arg1: memref<2000x64xf32, #tpu.memory_space<vmem>>, %arg2: memref<2000x2xf32, #tpu.memory_space<vmem>>, %arg3: memref<2000x64xf32, #tpu.memory_space<vmem>>) attributes {dimension_semantics = [#tpu.dimension_semantics<arbitrary>], iteration_bounds = array<i64: 5>, scalar_prefetch = 0 : i64, scratch_operands = 0 : i64, tpu.core_type = #tpu.core_type<tc>, window_params = [{transform_indices = @transform_0, window_bounds = array<i64: 2000, 64>}, {transform_indices = @transform_1, window_bounds = array<i64: 2000, 2>}, {transform_indices = @transform_2, window_bounds = array<i64: 2000, 64>}]} {
    %get3A = arith.constant 0 : index
    %get3A_0 = arith.constant 0 : index
    %get3A_1 = vector.load %arg1[%get3A, %get3A_0] : memref<2000x64xf32, #tpu.memory_space<vmem>>, vector<2000x64xf32>
    %get3A_2 = arith.constant 0 : index
    %get3A_3 = arith.constant 0 : index
    %get3A_4 = vector.load %arg2[%get3A_2, %get3A_3] : memref<2000x2xf32, #tpu.memory_space<vmem>>, vector<2000x1xf32>
    %get3A_5 = arith.constant 0 : index
    %get3A_6 = arith.constant 1 : index
    %get3A_7 = vector.load %arg2[%get3A_5, %get3A_6] : memref<2000x2xf32, #tpu.memory_space<vmem>>, vector<2000x1xf32>
    %add3A = arith.addf %get3A_4, %get3A_7 : vector<2000x1xf32>
    %add3A_8 = arith.constant 1.000000e+00 : f32
    %add3A_9 = vector.broadcast %add3A_8 : f32 to vector<2000x1xf32>
    %add3A_10 = arith.addf %add3A, %add3A_9 : vector<2000x1xf32>
    %rsqrt3A = math.rsqrt %add3A_10 : vector<2000x1xf32>
    %mul3A = vector.broadcast %rsqrt3A : vector<2000x1xf32> to vector<2000x64xf32>
    %mul3A_11 = arith.mulf %get3A_1, %mul3A : vector<2000x64xf32>
    %swap3A = arith.constant 0 : index
    %swap3A_12 = arith.constant 0 : index
    %swap3A_13 = vector.load %arg3[%swap3A, %swap3A_12] : memref<2000x64xf32, #tpu.memory_space<vmem>>, vector<2000x64xf32>
    tpu.vector_store %arg3[%swap3A, %swap3A_12], %mul3A_11 {strides = array<i32>} : memref<2000x64xf32, #tpu.memory_space<vmem>>, vector<2000x64xf32>,
    return
  }
  func.func @transform_0(%arg0: i32) -> (i32, i32) {
    %c0_i32 = arith.constant 0 : i32
    %c0_i32_0 = arith.constant 0 : i32
    return %arg0, %c0_i32 : i32, i32
  }
  func.func @transform_1(%arg0: i32) -> (i32, i32) {
    %c0_i32 = arith.constant 0 : i32
    %c0_i32_0 = arith.constant 0 : i32
    return %arg0, %c0_i32 : i32, i32
  }
  func.func @transform_2(%arg0: i32) -> (i32, i32) {
    %c0_i32 = arith.constant 0 : i32
    %c0_i32_0 = arith.constant 0 : i32
    return %arg0, %c0_i32 : i32, i32
  }
}

module attributes {stable_mosaic.version = 14 : i64} {
  func.func @body(%arg0: i32, %arg1: memref<2x2000x64xf32, #tpu.memory_space<vmem>>, %arg2: memref<2000x64xf32, #tpu.memory_space<vmem>>, %arg3: memref<2000x2xf32, #tpu.memory_space<vmem>>, %arg4: memref<40x64xf32, #tpu.memory_space<vmem>>, %arg5: memref<1x64xf32, #tpu.memory_space<vmem>>, %arg6: memref<2000x40xf32, #tpu.memory_space<vmem>>) attributes {dimension_semantics = [#tpu.dimension_semantics<arbitrary>], iteration_bounds = array<i64: 5>, scalar_prefetch = 0 : i64, scratch_operands = 0 : i64, tpu.core_type = #tpu.core_type<tc>, window_params = [{transform_indices = @transform_0, window_bounds = array<i64: 2, 2000, 64>}, {transform_indices = @transform_1, window_bounds = array<i64: 2000, 64>}, {transform_indices = @transform_2, window_bounds = array<i64: 2000, 2>}, {pipeline_mode = #tpu.pipeline_mode<synchronous>, transform_indices = @transform_3, window_bounds = array<i64: 40, 64>}, {pipeline_mode = #tpu.pipeline_mode<synchronous>, transform_indices = @transform_4, window_bounds = array<i64: 1, 64>}, {transform_indices = @transform_5, window_bounds = array<i64: 2000, 40>}]} {
    %get3A = arith.constant 0 : index
    %get3A_0 = arith.constant 0 : index
    %get3A_1 = vector.load %arg3[%get3A, %get3A_0] : memref<2000x2xf32, #tpu.memory_space<vmem>>, vector<2000x1xf32>
    %get3A_2 = arith.constant 0 : index
    %get3A_3 = arith.constant 1 : index
    %get3A_4 = vector.load %arg3[%get3A_2, %get3A_3] : memref<2000x2xf32, #tpu.memory_space<vmem>>, vector<2000x1xf32>
    %add3A = arith.addf %get3A_1, %get3A_4 : vector<2000x1xf32>
    %add3A_5 = arith.constant 1.000000e+00 : f32
    %add3A_6 = vector.broadcast %add3A_5 : f32 to vector<2000x1xf32>
    %add3A_7 = arith.addf %add3A, %add3A_6 : vector<2000x1xf32>
    %rsqrt3A = math.rsqrt %add3A_7 : vector<2000x1xf32>
    %get3A_8 = arith.constant 0 : index
    %get3A_9 = arith.constant 0 : index
    %get3A_10 = arith.constant 0 : index
    %get3A_11 = vector.load %arg1[%get3A_8, %get3A_9, %get3A_10] : memref<2x2000x64xf32, #tpu.memory_space<vmem>>, vector<1x2000x64xf32>
    %get3A_12 = vector.shape_cast %get3A_11 : vector<1x2000x64xf32> to vector<2000x64xf32>
    %get3A_13 = arith.constant 1 : index
    %get3A_14 = arith.constant 0 : index
    %get3A_15 = arith.constant 0 : index
    %get3A_16 = vector.load %arg1[%get3A_13, %get3A_14, %get3A_15] : memref<2x2000x64xf32, #tpu.memory_space<vmem>>, vector<1x2000x64xf32>
    %get3A_17 = vector.shape_cast %get3A_16 : vector<1x2000x64xf32> to vector<2000x64xf32>
    %add3A_18 = arith.addf %get3A_12, %get3A_17 : vector<2000x64xf32>
    %get3A_19 = arith.constant 0 : index
    %get3A_20 = arith.constant 0 : index
    %get3A_21 = vector.load %arg2[%get3A_19, %get3A_20] : memref<2000x64xf32, #tpu.memory_space<vmem>>, vector<2000x64xf32>
    %add3A_22 = arith.addf %add3A_18, %get3A_21 : vector<2000x64xf32>
    %mul3A = vector.broadcast %rsqrt3A : vector<2000x1xf32> to vector<2000x64xf32>
    %mul3A_23 = arith.mulf %mul3A, %add3A_22 : vector<2000x64xf32>
    %get3A_24 = arith.constant 0 : index
    %get3A_25 = arith.constant 0 : index
    %get3A_26 = vector.load %arg5[%get3A_24, %get3A_25] : memref<1x64xf32, #tpu.memory_space<vmem>>, vector<1x64xf32>
    %add3A_27 = vector.broadcast %get3A_26 : vector<1x64xf32> to vector<2000x64xf32>
    %add3A_28 = arith.addf %mul3A_23, %add3A_27 : vector<2000x64xf32>
    %max3A = arith.constant 0.000000e+00 : f32
    %max3A_29 = vector.broadcast %max3A : f32 to vector<2000x64xf32>
    %max3A_30 = arith.maximumf %add3A_28, %max3A_29 : vector<2000x64xf32>
    %get3A_31 = arith.constant 0 : index
    %get3A_32 = arith.constant 0 : index
    %get3A_33 = vector.load %arg4[%get3A_31, %get3A_32] : memref<40x64xf32, #tpu.memory_space<vmem>>, vector<40x64xf32>
    %dot_general3A = arith.constant dense<0.000000e+00> : vector<2000x40xf32>
    %dot_general3A_34 = tpu.matmul %max3A_30, %get3A_33, %dot_general3A {dimension_numbers = #tpu.dot_dimension_numbers<[1], [1], [0], [0], [0, 0, 1, 0], [], []>, transpose_lhs_hint = false} : vector<2000x64xf32>, vector<40x64xf32>, vector<2000x40xf32> -> vector<2000x40xf32>
    %mul3A_35 = vector.broadcast %rsqrt3A : vector<2000x1xf32> to vector<2000x40xf32>
    %mul3A_36 = arith.mulf %dot_general3A_34, %mul3A_35 : vector<2000x40xf32>
    %swap3A = arith.constant 0 : index
    %swap3A_37 = arith.constant 0 : index
    %swap3A_38 = vector.load %arg6[%swap3A, %swap3A_37] : memref<2000x40xf32, #tpu.memory_space<vmem>>, vector<2000x40xf32>
    tpu.vector_store %arg6[%swap3A, %swap3A_37], %mul3A_36 {strides = array<i32>} : memref<2000x40xf32, #tpu.memory_space<vmem>>, vector<2000x40xf32>,
    return
  }
  func.func @transform_0(%arg0: i32) -> (i32, i32, i32) {
    %c0_i32 = arith.constant 0 : i32
    %c0_i32_0 = arith.constant 0 : i32
    %c0_i32_1 = arith.constant 0 : i32
    return %c0_i32, %arg0, %c0_i32_0 : i32, i32, i32
  }
  func.func @transform_1(%arg0: i32) -> (i32, i32) {
    %c0_i32 = arith.constant 0 : i32
    %c0_i32_0 = arith.constant 0 : i32
    return %arg0, %c0_i32 : i32, i32
  }
  func.func @transform_2(%arg0: i32) -> (i32, i32) {
    %c0_i32 = arith.constant 0 : i32
    %c0_i32_0 = arith.constant 0 : i32
    return %arg0, %c0_i32 : i32, i32
  }
  func.func @transform_3(%arg0: i32) -> (i32, i32) {
    %c0_i32 = arith.constant 0 : i32
    %c0_i32_0 = arith.constant 0 : i32
    %c0_i32_1 = arith.constant 0 : i32
    return %c0_i32, %c0_i32_0 : i32, i32
  }
  func.func @transform_4(%arg0: i32) -> (i32, i32) {
    %c0_i32 = arith.constant 0 : i32
    %c0_i32_0 = arith.constant 0 : i32
    %c0_i32_1 = arith.constant 0 : i32
    return %c0_i32, %c0_i32_0 : i32, i32
  }
  func.func @transform_5(%arg0: i32) -> (i32, i32) {
    %c0_i32 = arith.constant 0 : i32
    %c0_i32_0 = arith.constant 0 : i32
    return %arg0, %c0_i32 : i32, i32
  }
}

module attributes {stable_mosaic.version = 14 : i64} {
  func.func @body(%arg0: i32, %arg1: memref<2x2000x40xf32, #tpu.memory_space<vmem>>, %arg2: memref<2000x40xf32, #tpu.memory_space<vmem>>, %arg3: memref<2000x2xf32, #tpu.memory_space<vmem>>, %arg4: memref<1x40xf32, #tpu.memory_space<vmem>>, %arg5: memref<2000x40xf32, #tpu.memory_space<vmem>>) attributes {dimension_semantics = [#tpu.dimension_semantics<arbitrary>], iteration_bounds = array<i64: 5>, scalar_prefetch = 0 : i64, scratch_operands = 0 : i64, tpu.core_type = #tpu.core_type<tc>, window_params = [{transform_indices = @transform_0, window_bounds = array<i64: 2, 2000, 40>}, {transform_indices = @transform_1, window_bounds = array<i64: 2000, 40>}, {transform_indices = @transform_2, window_bounds = array<i64: 2000, 2>}, {pipeline_mode = #tpu.pipeline_mode<synchronous>, transform_indices = @transform_3, window_bounds = array<i64: 1, 40>}, {transform_indices = @transform_4, window_bounds = array<i64: 2000, 40>}]} {
    %get3A = arith.constant 0 : index
    %get3A_0 = arith.constant 0 : index
    %get3A_1 = vector.load %arg3[%get3A, %get3A_0] : memref<2000x2xf32, #tpu.memory_space<vmem>>, vector<2000x1xf32>
    %get3A_2 = arith.constant 0 : index
    %get3A_3 = arith.constant 1 : index
    %get3A_4 = vector.load %arg3[%get3A_2, %get3A_3] : memref<2000x2xf32, #tpu.memory_space<vmem>>, vector<2000x1xf32>
    %add3A = arith.addf %get3A_1, %get3A_4 : vector<2000x1xf32>
    %add3A_5 = arith.constant 1.000000e+00 : f32
    %add3A_6 = vector.broadcast %add3A_5 : f32 to vector<2000x1xf32>
    %add3A_7 = arith.addf %add3A, %add3A_6 : vector<2000x1xf32>
    %rsqrt3A = math.rsqrt %add3A_7 : vector<2000x1xf32>
    %get3A_8 = arith.constant 0 : index
    %get3A_9 = arith.constant 0 : index
    %get3A_10 = arith.constant 0 : index
    %get3A_11 = vector.load %arg1[%get3A_8, %get3A_9, %get3A_10] : memref<2x2000x40xf32, #tpu.memory_space<vmem>>, vector<1x2000x40xf32>
    %get3A_12 = vector.shape_cast %get3A_11 : vector<1x2000x40xf32> to vector<2000x40xf32>
    %get3A_13 = arith.constant 1 : index
    %get3A_14 = arith.constant 0 : index
    %get3A_15 = arith.constant 0 : index
    %get3A_16 = vector.load %arg1[%get3A_13, %get3A_14, %get3A_15] : memref<2x2000x40xf32, #tpu.memory_space<vmem>>, vector<1x2000x40xf32>
    %get3A_17 = vector.shape_cast %get3A_16 : vector<1x2000x40xf32> to vector<2000x40xf32>
    %add3A_18 = arith.addf %get3A_12, %get3A_17 : vector<2000x40xf32>
    %get3A_19 = arith.constant 0 : index
    %get3A_20 = arith.constant 0 : index
    %get3A_21 = vector.load %arg2[%get3A_19, %get3A_20] : memref<2000x40xf32, #tpu.memory_space<vmem>>, vector<2000x40xf32>
    %add3A_22 = arith.addf %add3A_18, %get3A_21 : vector<2000x40xf32>
    %mul3A = vector.broadcast %rsqrt3A : vector<2000x1xf32> to vector<2000x40xf32>
    %mul3A_23 = arith.mulf %mul3A, %add3A_22 : vector<2000x40xf32>
    %get3A_24 = arith.constant 0 : index
    %get3A_25 = arith.constant 0 : index
    %get3A_26 = vector.load %arg4[%get3A_24, %get3A_25] : memref<1x40xf32, #tpu.memory_space<vmem>>, vector<1x40xf32>
    %add3A_27 = vector.broadcast %get3A_26 : vector<1x40xf32> to vector<2000x40xf32>
    %add3A_28 = arith.addf %mul3A_23, %add3A_27 : vector<2000x40xf32>
    %swap3A = arith.constant 0 : index
    %swap3A_29 = arith.constant 0 : index
    %swap3A_30 = vector.load %arg5[%swap3A, %swap3A_29] : memref<2000x40xf32, #tpu.memory_space<vmem>>, vector<2000x40xf32>
    tpu.vector_store %arg5[%swap3A, %swap3A_29], %add3A_28 {strides = array<i32>} : memref<2000x40xf32, #tpu.memory_space<vmem>>, vector<2000x40xf32>,
    return
  }
  func.func @transform_0(%arg0: i32) -> (i32, i32, i32) {
    %c0_i32 = arith.constant 0 : i32
    %c0_i32_0 = arith.constant 0 : i32
    %c0_i32_1 = arith.constant 0 : i32
    return %c0_i32, %arg0, %c0_i32_0 : i32, i32, i32
  }
  func.func @transform_1(%arg0: i32) -> (i32, i32) {
    %c0_i32 = arith.constant 0 : i32
    %c0_i32_0 = arith.constant 0 : i32
    return %arg0, %c0_i32 : i32, i32
  }
  func.func @transform_2(%arg0: i32) -> (i32, i32) {
    %c0_i32 = arith.constant 0 : i32
    %c0_i32_0 = arith.constant 0 : i32
    return %arg0, %c0_i32 : i32, i32
  }
  func.func @transform_3(%arg0: i32) -> (i32, i32) {
    %c0_i32 = arith.constant 0 : i32
    %c0_i32_0 = arith.constant 0 : i32
    %c0_i32_1 = arith.constant 0 : i32
    return %c0_i32, %c0_i32_0 : i32, i32
  }
  func.func @transform_4(%arg0: i32) -> (i32, i32) {
    %c0_i32 = arith.constant 0 : i32
    %c0_i32_0 = arith.constant 0 : i32
    return %arg0, %c0_i32 : i32, i32
  }
}

</mosaic_0001>

<sc_bundles>
// kernel: kernel.11.cloned.1.call-start
scs
__scs_entry_jumppad:
0x0: {  	(pc) =	sbr.rel $0x88, $3  }
0x1: {  	(tag) =	ssettag $0x0;
	lr =	simm.s32 $0x1  }
0x2: {  	[smem:$0x3F9B] =	sst lr;
	_ =	strace $0xD0000000  }
0x3: {  	_ = 	snop  }
0x4: {  	_ = 	snop  }
0x5: {  	_ = 	snop  }
0x6: {  	_ = 	snop  }
0x7: {  	_ = 	snop  }
__scs_overlays_trampoline_lowered:
0x8: {  	[smem:$0x3FAA] =	sst s0  }
0x9: {  	[smem:$0x3FAB] =	sst s1  }
0xa: {  	[smem:$0x3FAC] =	sst s2  }
0xb: {  	[smem:$0x3FAD] =	sst s3  }
0xc: {  	[smem:$0x3FAE] =	sst s4  }
0xd: {  	[smem:$0x3FAF] =	sst s5  }
0xe: {  	[smem:$0x3FB0] =	sst s6  }
0xf: {  	[smem:$0x3FB1] =	sst s7  }
0x10: {  	[smem:$0x3FB2] =	sst s8  }
0x11: {  	[smem:$0x3FB3] =	sst s9;
	s0 =	simm.s32 @!p0 $0x0  }
0x12: {  	s1 =	sld [smem:$0x3F99];
	s0 =	simm.s32 @p0 $0x1  }
0x13: {  	[smem:$0x3FB4] =	sst s0;
	s0 =	simm.s32 @!p1 $0x0  }
0x14: {  	s2 =	sld [smem:$0x3F98];
	s0 =	simm.s32 @p1 $0x1  }
0x15: {  	[smem:$0x3FB5] =	sst s0;
	s0 =	simm.s32 @!p2 $0x0  }
0x16: {  	s3 =	sld [smem:$0x3FDB];
	s0 =	simm.s32 @p2 $0x1  }
0x17: {  	s4 =	simm.s32 $0x1BF5;
	[smem:$0x3FB7] =	sst s0  }
0x18: {  	s0 =	sld [smem:$0x3F9A];
	_ =	swait.ge [sflag:s4], $0x0  }
0x19: {  	s7 =	sld [smem:$0x3F9B]  }
0x1a: {  	s8 =	sadd.s32 $0xFFFFE003, lr  }
0x1b: {  	s9 =	sadd.s32 $0xFFFFFEF7, lr;
	s5 =	simm.s32 $0xFFFFFFFF;
	p2 =	slt.u32 s8, $0xFFFFF086  }
0x1c: {  	p1 =	slt.u32 s9, $0xF7A;
	s5 =	simm.s32 @!p2 $0x0  }
0x1d: {  	s5 =	simm.s32 @p1 $0x1;
	p0 =	seq.s32 s7, s2  }
0x1e: {  	s7 =	smul.u32 @!p0 $0xF7A, s2;
	p2 =	seq.s32 @!p0 s5, $0x0  }
0x1f: {  	s9 =	smul.u32 $0xF7A, s1;
	s8 =	simm.s32 @!p0 $0x1BF5;
	p2 =	por !p2, p0  }
0x20: {  	[sflag:s8] =	ssyncset.s32 @!p0 $0xFFFFF086;
	s6 =	sadd.s32 @!p0 s3, s7;
	s7 =	simm.s32 @!p0 $0x108  }
0x21: {  	s3 =	sadd.s32 s3, s9;
	s6 =	sadd.s32 @!p0 $0x88, s6;
	s7 =	simm.s32 @p2 $0x1082  }
0x22: {  	[simem:s7], [sflag:s8] =	dma.local @!p0 [hbm:s6], $0xF7A  }
0x23: {  	s9 =	sor.u32 $0xD0000000, s2;
	s6 =	simm.s32 $0x108;
	_ =	swait.ge @!p0 [sflag:s8], $0x0  }
0x24: {  	s3 =	sadd.s32 $0x88, s3;
	s6 =	simm.s32 @!p1 $0x1082;
	[sflag:s4] =	ssyncset.s32 $0xFFFFF086  }
0x25: {  	[simem:s6], [sflag:s4] =	dma.local [hbm:s3], $0xF7A  }
0x26: {  	[smem:$0x3F9B] =	sst s1;
	(tag) =	ssettag s2;
	_ =	strace s9  }
0x27: {  	s1 =	sld [smem:$0x3FAB]  }
0x28: {  	s2 =	sld [smem:$0x3FAC]  }
0x29: {  	s4 =	sld [smem:$0x3FAE]  }
0x2a: {  	p0 =	seq.s32 s5, $0x0;
	s5 =	sld [smem:$0x3FAF]  }
0x2b: {  	s6 =	sld [smem:$0x3FB0]  }
0x2c: {  	s7 =	sld [smem:$0x3FB1]  }
0x2d: {  	s3 =	simm.s32 $0x108;
	s8 =	sld [smem:$0x3FB2]  }
0x2e: {  	s3 =	simm.s32 @!p0 $0x1082;
	s9 =	sld [smem:$0x3FB3]  }
0x2f: {  	lr =	sadd.s32 s0, s3;
	s0 =	sld [smem:$0x3FAA]  }
0x30: {  	s3 =	sld [smem:$0x3FAD]  }
0x31: {  	[smem:$0x3FB6] =	sst s10  }
0x32: {  	s10 =	sld [smem:$0x3FB4];
	_ =	sdelay $0x3  }
0x33: {  	p0 =	seq.s32 s10, $0x1;
	s10 =	sld [smem:$0x3FB6];
	_ =	sdelay $0x3  }
0x34: {  	[smem:$0x3FB6] =	sst s10  }
0x35: {  	s10 =	sld [smem:$0x3FB5];
	_ =	sdelay $0x3  }
0x36: {  	p1 =	seq.s32 s10, $0x1;
	s10 =	sld [smem:$0x3FB6];
	_ =	sdelay $0x3  }
0x37: {  	[smem:$0x3FB6] =	sst s10  }
0x38: {  	s10 =	sld [smem:$0x3FB7]  }
0x39: {  	_ = 	snop;
	(pc) =	sbr.ind lr, $3  }
0x3a: {  	_ = 	snop  }
0x3b: {  	_ = 	snop  }
0x3c: {  	p2 =	seq.s32 s10, $0x1;
	s10 =	sld [smem:$0x3FB6]  }
0x3d: {  	_ =	shalt  }
0x3e: {  	_ =	shalt  }
0x3f: {  	_ =	shalt  }
0x40: {  	_ =	shalt  }
0x41: {  	_ =	shalt  }
0x42: {  	_ =	shalt  }
0x43: {  	_ =	shalt  }
0x44: {  	_ =	shalt  }
0x45: {  	_ =	shalt  }
0x46: {  	_ =	shalt  }
0x47: {  	_ =	shalt  }
0x48: {  	_ =	shalt  }
0x49: {  	_ =	shalt  }
0x4a: {  	_ =	shalt  }
0x4b: {  	_ =	shalt  }
0x4c: {  	_ =	shalt  }
0x4d: {  	_ =	shalt  }
0x4e: {  	_ =	shalt  }
0x4f: {  	_ =	shalt  }
0x50: {  	_ =	shalt  }
0x51: {  	_ =	shalt  }
0x52: {  	_ =	shalt  }
0x53: {  	_ =	shalt  }
0x54: {  	_ =	shalt  }
0x55: {  	_ =	shalt  }
0x56: {  	_ =	shalt  }
0x57: {  	_ =	shalt  }
0x58: {  	_ =	shalt  }
0x59: {  	_ =	shalt  }
0x5a: {  	_ =	shalt  }
0x5b: {  	_ =	shalt  }
0x5c: {  	_ =	shalt  }
0x5d: {  	_ =	shalt  }
0x5e: {  	_ =	shalt  }
0x5f: {  	_ =	shalt  }
0x60: {  	_ =	shalt  }
0x61: {  	_ =	shalt  }
0x62: {  	_ =	shalt  }
0x63: {  	_ =	shalt  }
0x64: {  	_ =	shalt  }
0x65: {  	_ =	shalt  }
0x66: {  	_ =	shalt  }
0x67: {  	_ =	shalt  }
0x68: {  	_ =	shalt  }
0x69: {  	_ =	shalt  }
0x6a: {  	_ =	shalt  }
0x6b: {  	_ =	shalt  }
0x6c: {  	_ =	shalt  }
0x6d: {  	_ =	shalt  }
0x6e: {  	_ =	shalt  }
0x6f: {  	_ =	shalt  }
0x70: {  	_ =	shalt  }
0x71: {  	_ =	shalt  }
0x72: {  	_ =	shalt  }
0x73: {  	_ =	shalt  }
0x74: {  	_ =	shalt  }
0x75: {  	_ =	shalt  }
0x76: {  	_ =	shalt  }
0x77: {  	_ =	shalt  }
0x78: {  	_ =	shalt  }
0x79: {  	_ =	shalt  }
0x7a: {  	_ =	shalt  }
0x7b: {  	_ =	shalt  }
0x7c: {  	_ =	shalt  }
0x7d: {  	_ =	shalt  }
0x7e: {  	_ =	shalt  }
0x7f: {  	_ =	shalt  }
0x80: {  	_ =	shalt  }
0x81: {  	_ =	shalt  }
0x82: {  	_ =	shalt  }
0x83: {  	_ =	shalt  }
0x84: {  	_ =	shalt  }
0x85: {  	_ =	shalt  }
0x86: {  	_ =	shalt  }
0x87: {  	_ =	shalt  }
.Lfunc_end0:
.L_simem_size_0:
called_computation_lowered:
.L_overlay_start_0:
0x88: {  	s2 =	sld [smem:$0x3FD9]  }
0x89: {  	s3 =	sld [smem:$0x3FFE];
	_ =	sdelay $0x1  }
0x8a: {  	s1 =	srdreg.scid  }
0x8b: {  	s0 =	sand.u32 $0x1, s1  }
0x8c: {  	s17 =	sshll.u32 s0, $0xA;
	s2 =	sadd.s32 s3, s2  }
0x8d: {  	s2 =	sadd.s32 s2, s17  }
0x8e: {  	[smem:$0x3FC2] =	sst s2  }
0x8f: {  	_ = 	snop  }
0x90: {  	s2 =	sld [smem:$0x3FD0];
	(tm) =	ssettm $0x1  }
0x91: {  	s18 =	sld [smem:$0x3FFB];
	_ =	sdelay $0x3  }
0x92: {  	_ =	strace s18  }
0x93: {  	s3 =	sld [smem:$0x3FFC];
	_ =	sdelay $0x3  }
0x94: {  	_ =	strace s3  }
0x95: {  	s3 =	sld [smem:$0x3FFD];
	_ =	sdelay $0x3  }
0x96: {  	_ =	strace s3  }
0x97: {  	_ =	strace $0x8FFFFFFF  }
0x98: {  	s19 =	sld [smem:$0x3FDB];
	_ =	sdelay $0x1  }
0x99: {  	s4 =	simm.s32 $_scs_section_size  }
0x9a: {  	s5 =	simm.s32 $_size__tile_overlayer_lowered;
	s6 =	simm.s32 $_tile_overlayer_lowered  }
0x9b: {  	s22 =	simm.s32 $0x1BFF;
	s21 =	sshll.u32 s6, $0x1;
	s3 =	sadd.s32 s4, s19  }
0x9c: {  	s7 =	simm.s32 $0x0;
	s20 =	sshll.u32 s5, $0x1;
	s5 =	sadd.s32 s21, s3  }
0x9d: {  	[timem:s7], [sflag:s22] =	dma.local [hbm:s5], s20  }
0x9e: {  	_ =	swait.ge [sflag:s22], s20  }
0x9f: {  	s4 =	ssub.s32 $0x0, s20;
	[sflag:s22] =	ssyncset.done $0x0  }
0xa0: {  	[sflag:s22] =	ssyncadd.s32 s4;
	_ =	sdelay $0x1  }
0xa1: {  	s23 =	simm.s32 $0x1B8B  }
0xa2: {  	_ =	swait.ge [sflag:s23], $0x1  }
0xa3: {  	[sflag:s23] =	ssyncset.done $0x0  }
0xa4: {  	s25 =	simm.s32 $0x1B8E;
	s24 =	sld [smem:$0x3FFE];
	[sflag:s23] =	ssyncadd.s32 $0xFFFFFFFF  }
0xa5: {  	s26 =	simm.s32 $execute0_lowered;
	[smem:$0x3FD2] =	sst s25  }
0xa6: {  	s5 =	sshll.u32 s26, $0x1;
	_ =	strace $0x80000046;
	[dreg:$0x1] =	wrdreg $0xFFFFFFFF  }
0xa7: {  	s28 =	simm.s32 $_size_execute0_lowered;
	s3 =	sadd.s32 s3, s5;
	[dreg:$0x0] =	wrdreg $0x0  }
0xa8: {  	s5 =	sshll.u32 s28, $0x1;
	[dreg:$0x2] =	wrdreg s3  }
0xa9: {  	[dreg:$0x3] =	wrdreg s5  }
0xaa: {  	[dreg:$0x4] =	wrdreg $0xC0  }
0xab: {  	_ =	task [dreg:s7], $0x5FFFF  }
0xac: {  	[dreg:$0x1] =	wrdreg $0xFFFFFFFF  }
0xad: {  	[dreg:$0x0] =	wrdreg $0x60  }
0xae: {  	[dreg:$0x2] =	wrdreg s24  }
0xaf: {  	[dreg:$0x3] =	wrdreg s2  }
0xb0: {  	[dreg:$0x4] =	wrdreg $0x2A100  }
0xb1: {  	[dreg:$0x5] =	wrdreg $0x9  }
0xb2: {  	_ =	task.clear_ibuf [dreg:s7], $0x6FFFF;
	_ =	strace $0x90000046  }
0xb3: {  	s29 =	simm.s32 $0x9;
	_ =	strace $0x80000048  }
0xb4: {  	_ =	swait.ge [sflag:s29], $0x1  }
0xb5: {  	[sflag:s29] =	ssyncadd.s32 $0xFFFFFFFF  }
0xb6: {  	_ =	strace $0x90000048  }
0xb7: {  	_ =	sfence  }
0xb8: {  	s30 =	sld [smem:$0x0];
	_ =	sdelay $0x2  }
0xb9: {  	s31 =	sshll.u32 s1, $0xD;
	s1 =	sshrl.u32 s1, $0x2  }
0xba: {  	s3 =	sand.u32 $0x4000, s31;
	s1 =	sadd.s32 s1, s30  }
0xbb: {  	s0 =	sor.u32 s3, s0;
	s1 =	sshll.u32 s1, $0x11  }
0xbc: {  	s0 =	sor.u32 s1, s0  }
0xbd: {  	s0 =	sadd.s32 $0x8F2B, s0  }
0xbe: {  	[sflag:s0] =	ssyncadd.remote.s32 $0x1  }
0xbf: {  	_ =	sfence.sel $0xFFFF  }
0xc0: {  	[dreg:$0x0] =	wrdreg $0xFFFFFFFF;
	(pc) =	sbr.abs _section_cstart, $3  }
0xc1: {  	[dreg:$0x1] =	wrdreg $0xFFFFFFFF  }
0xc2: {  	_ =	task.clear_ibuf [dreg:s7], $0x2FFFF;
	_ =	strace $0x9FFFFFFF  }
0xc3: {  	(tm) =	ssettm $0x7FFFFFFF  }
tec
execute0_lowered:
.L_overlay_start_1:
0x0: {  	(tag) =	ssettag $0x1  }
0x1: {  	s6 =	rddreg [dreg:$0x0]  }
0x2: {  	s8 =	rddreg [dreg:$0x1]  }
0x3: {  	s0 =	srdreg.scid;
	s2 =	rddreg [dreg:$0x2]  }
0x4: {  	s1 =	stileid.u32;
	s3 =	simm.s32 $0x0;
	s12 =	simm.s32 $0x2710  }
0x5: {  	s13 =	simm.s32 $0x100;
	s14 =	simm.s32 $0x1;
	s15 =	simm.s32 $0x10  }
0x6: {  	s16 =	simm.s32 $0x2700;
	s4 =	sand.u32 $0x1, s0;
	s0 =	rddreg [dreg:$0x3]  }
0x7: {  	s20 =	simm.s32 $0x0;
	s7 =	smul.u32 $0x9C0, s1;
	[smem:$0x7FF] =	sst s3  }
0x8: {  	s11 =	smul.u32 $0x270, s1;
	p0 =	seq.s32 s1, $0xF;
	s5 =	sshll.u32 s4, $0x4  }
0x9: {  	_ =	strace $0x80000047;
	s9 =	ssub.s32 $0x2, s4;
	s10 =	smul.u32 $0x2710, s4  }
0xa: {  	s18 =	sshll.u32 @!p0 s1, $0x6;
	s5 =	sor.u32 s1, s5;
	s29 =	sshrl.u32 s9, $0x1  }
0xb: {  	s7 =	sshrl.u32 s7, $0x2;
	s19 =	sadd.s32 s11, s2;
	s18 =	sor.u32 @!p0 $0x1C02, s18  }
0xc: {  	s5 =	smul.u32 $0x2710, s5;
	s9 =	ssub.s32 s9, s29;
	s4 =	sadd.s32 s7, s2  }
0xd: {  	s31 =	sadd.s32 s11, s10;
	s10 =	sshrl.u32 s10, $0x3;
	s11 =	simm.s32 $0x80  }
0xe: {  	s19 =	sshrl.u32 @!p0 s19, $0x3;
	s7 =	sshrl.u32 s31, $0x3;
	s9 =	smax.u32 s9, $0x1  }
0xf: {  	s30 =	sshrl.u32 s5, $0x3;
	s5 =	sadd.s32 $0x2490, s2;
	s7 =	sadd.s32 s8, s7  }
0x10: {  	s8 =	sadd.s32 s8, s10;
	s10 =	simm.s32 $0x2;
	s6 =	sadd.s32 s6, s30  }
0x11: {  	v0 =	vimm.f32 $1.000000000e+00;
	v1 =	vimm.f32 $0.0e+00;
	s8 =	sadd.s32 $0x492, s8;
	s17 =	sshrl.u32 @p0 s5, $0x3;
	s6 =	sadd.s32 $0xBA40, s6  }
.LBB2_1:
0x12: {  	[tilespmem:$0x2710] =	vst v0  }
0x13: {  	[tilespmem:$0x2720] =	vst v0  }
0x14: {  	[tilespmem:$0x2730] =	vst v0  }
0x15: {  	[tilespmem:$0x2740] =	vst v0  }
0x16: {  	[tilespmem:$0x2750] =	vst v0  }
0x17: {  	[tilespmem:$0x2760] =	vst v0  }
0x18: {  	[tilespmem:$0x2770] =	vst v0  }
0x19: {  	[tilespmem:$0x2780] =	vst v0  }
0x1a: {  	[tilespmem:$0x2790] =	vst v1  }
0x1b: {  	[tilespmem:$0x27A0] =	vst v1  }
0x1c: {  	[tilespmem:$0x27B0] =	vst v1  }
0x1d: {  	[tilespmem:$0x27C0] =	vst v1  }
0x1e: {  	[tilespmem:$0x27D0] =	vst v1  }
0x1f: {  	[tilespmem:$0x27E0] =	vst v1  }
0x20: {  	[tilespmem:$0x27F0] =	vst v1  }
0x21: {  	[tilespmem:$0x2800] =	vst v1  }
0x22: {  	[tilespmem:$0x2810] =	vst v1  }
0x23: {  	[tilespmem:$0x2820] =	vst v1  }
0x24: {  	[tilespmem:$0x2830] =	vst v1  }
0x25: {  	[tilespmem:$0x2840] =	vst v1  }
0x26: {  	[tilespmem:$0x2850] =	vst v1  }
0x27: {  	[tilespmem:$0x2860] =	vst v1  }
0x28: {  	[tilespmem:$0x2870] =	vst v1  }
0x29: {  	[tilespmem:$0x2880] =	vst v1  }
0x2a: {  	[tilespmem:$0x2890] =	vst v1  }
0x2b: {  	[tilespmem:$0x28A0] =	vst v1  }
0x2c: {  	[tilespmem:$0x28B0] =	vst v1  }
0x2d: {  	[tilespmem:$0x28C0] =	vst v1  }
0x2e: {  	[tilespmem:$0x28D0] =	vst v1  }
0x2f: {  	[tilespmem:$0x28E0] =	vst v1  }
0x30: {  	[tilespmem:$0x28F0] =	vst v1  }
0x31: {  	[tilespmem:$0x2900] =	vst v1  }
0x32: {  	[tilespmem:$0x2910] =	vst v1  }
0x33: {  	[tilespmem:$0x2920] =	vst v1  }
0x34: {  	[tilespmem:$0x2930] =	vst v1  }
0x35: {  	[tilespmem:$0x2940] =	vst v1  }
0x36: {  	[tilespmem:$0x2950] =	vst v1  }
0x37: {  	[tilespmem:$0x2960] =	vst v1  }
0x38: {  	[tilespmem:$0x2970] =	vst v1  }
0x39: {  	[tilespmem:$0x2980] =	vst v1  }
0x3a: {  	[tilespmem:$0x2990] =	vst v1  }
0x3b: {  	[tilespmem:$0x29A0] =	vst v1  }
0x3c: {  	[tilespmem:$0x29B0] =	vst v1  }
0x3d: {  	[tilespmem:$0x29C0] =	vst v1  }
0x3e: {  	[tilespmem:$0x29D0] =	vst v1  }
0x3f: {  	[tilespmem:$0x29E0] =	vst v1  }
0x40: {  	[tilespmem:$0x29F0] =	vst v1  }
0x41: {  	[tilespmem:$0x2A00] =	vst v1;
	s21 =	simm.s32 @p0 $0x2790  }
0x42: {  	[spmem:s5] =	stream.linear.scatter @p0 [tilespmem:s21], [sflag:$0x2], $0x280, $0x38;
	[tilespmem:$0x2C88] =	vst v63  }
0x43: {  	s21 =	simm.s32 @p0 $0x2  }
0x44: {  	_ =	swait.ge @p0 [sflag:s21], $0x280  }
0x45: {  	[sflag:s21] =	ssyncset.done @p0 $0x0  }
0x46: {  	[sflag:s21] =	ssyncadd.s32 @p0 $0xFFFFFD80;
	s21 =	simm.s32 @!p0 $0x2790  }
0x47: {  	[spmem:s4] =	stream.linear.scatter @!p0 [tilespmem:s21], [sflag:$0x2], $0x270, $0x38;
	[tilespmem:$0x2C88] =	vst v63  }
0x48: {  	s21 =	simm.s32 @!p0 $0x2  }
0x49: {  	_ =	swait.ge @!p0 [sflag:s21], $0x270  }
0x4a: {  	[sflag:s21] =	ssyncset.done @!p0 $0x0  }
0x4b: {  	[sflag:s21] =	ssyncadd.s32 @!p0 $0xFFFFFD90  }
0x4c: {  	[tilespmem:s3], [sflag:$0x2] =	stream.linear.gather [hbm4b:s6+s3], $0x2710, $0x38;
	[tilespmem:$0x2C88] =	vst v63  }
0x4d: {  	_ =	swait.ge [sflag:s10], $0x2710  }
0x4e: {  	[sflag:s10] =	ssyncset.done $0x0  }
0x4f: {  	[sflag:s10] =	ssyncadd.s32 $0xFFFFD8F0  }
0x50: {  	[bflag:$0x0] =	sbarrier.arrive $0xFFFF  }
0x51: {  	[spmem:s2] =	stream.indirect.scatter.add.f32 [tilespmem:s12], [sflag:$0x1], $0x1, s3, s11, $0xb8;
	[tilespmem:$0x2C88] =	vst v63  }
0x52: {  	_ = 	snop  }
0x53: {  	[spmem:s2] =	stream.indirect.scatter.add.f32 [tilespmem:s12], [sflag:$0x1], $0x1, s11, s11, $0xb8;
	[tilespmem:$0x2C88] =	vst v63  }
0x54: {  	_ = 	snop  }
0x55: {  	[spmem:s2] =	stream.indirect.scatter.add.f32 [tilespmem:s12], [sflag:$0x1], $0x1, s13, s11, $0xb8;
	[tilespmem:$0x2C88] =	vst v63  }
0x56: {  	s29 =	simm.s32 $0x180  }
0x57: {  	[spmem:s2] =	stream.indirect.scatter.add.f32 [tilespmem:s12], [sflag:$0x1], $0x1, s29, s11, $0xb8;
	[tilespmem:$0x2C88] =	vst v63  }
0x58: {  	s30 =	simm.s32 $0x200  }
0x59: {  	[spmem:s2] =	stream.indirect.scatter.add.f32 [tilespmem:s12], [sflag:$0x1], $0x1, s30, s11, $0xb8;
	[tilespmem:$0x2C88] =	vst v63  }
0x5a: {  	s31 =	simm.s32 $0x280  }
0x5b: {  	[spmem:s2] =	stream.indirect.scatter.add.f32 [tilespmem:s12], [sflag:$0x1], $0x1, s31, s11, $0xb8;
	[tilespmem:$0x2C88] =	vst v63  }
0x5c: {  	_ =	swait.ge [sflag:s14], $0x80  }
0x5d: {  	[sflag:s14] =	ssyncset.done $0x0  }
0x5e: {  	[sflag:s14] =	ssyncadd.s32 $0xFFFFFF80  }
0x5f: {  	_ =	swait.ge [sflag:s14], $0x80  }
0x60: {  	[sflag:s14] =	ssyncset.done $0x0  }
0x61: {  	[sflag:s14] =	ssyncadd.s32 $0xFFFFFF80  }
0x62: {  	_ =	swait.ge [sflag:s14], $0x80  }
0x63: {  	s22 =	simm.s32 $0xFFFF7600;
	s21 =	simm.s32 $0xFFFFDC00;
	[sflag:s14] =	ssyncset.done $0x0  }
.LBB2_2:
0x64: {  	s23 =	sadd.s32 $0x2700, s21  }
0x65: {  	[sflag:s14] =	ssyncadd.s32 $0xFFFFFF80;
	s24 =	smov.u32 s22;
	s25 =	sadd.s32 $0x600, s22  }
0x66: {  	[spmem:s2] =	stream.indirect.scatter.add.f32 [tilespmem:s12], [sflag:$0x1], $0x1, s23, s11, $0xb8;
	[tilespmem:$0x2C88] =	vst v63  }
0x67: {  	p1 =	sne.s32 s22, $0xFFFFFA00;
	s22 =	sadd.s32 $0x2780, s21  }
0x68: {  	[spmem:s2] =	stream.indirect.scatter.add.f32 [tilespmem:s12], [sflag:$0x1], $0x1, s22, s11, $0xb8;
	[tilespmem:$0x2C88] =	vst v63  }
0x69: {  	s21 =	sadd.s32 $0x2800, s21  }
0x6a: {  	[spmem:s2] =	stream.indirect.scatter.add.f32 [tilespmem:s12], [sflag:$0x1], $0x1, s21, s11, $0xb8;
	[tilespmem:$0x2C88] =	vst v63  }
0x6b: {  	_ =	swait.ge [sflag:s14], $0x80  }
0x6c: {  	[sflag:s14] =	ssyncset.done $0x0  }
0x6d: {  	[sflag:s14] =	ssyncadd.s32 $0xFFFFFF80  }
.Ltmp0:
0x6e: {  	_ =	swait.ge [sflag:s14], $0x80;
	(pc) =	sbr.rel @p1 .LBB2_2-.Ltmp0, $4  }
0x6f: {  	[sflag:s14] =	ssyncset.done $0x0  }
0x70: {  	[sflag:s14] =	ssyncadd.s32 $0xFFFFFF80  }
0x71: {  	_ =	swait.ge [sflag:s14], $0x80  }
0x72: {  	s22 =	smov.u32 s25;
	s21 =	sshra.s32 s24, $0x2;
	[sflag:s14] =	ssyncset.done $0x0  }
0x73: {  	s22 =	sadd.s32 $0x2700, s21;
	[sflag:s14] =	ssyncadd.s32 $0xFFFFFF80  }
0x74: {  	[spmem:s2] =	stream.indirect.scatter.add.f32 [tilespmem:s12], [sflag:$0x1], $0x1, s22, s11, $0xb8;
	[tilespmem:$0x2C88] =	vst v63  }
0x75: {  	s30 =	sadd.s32 $0x2780, s21  }
0x76: {  	[spmem:s2] =	stream.indirect.scatter.add.f32 [tilespmem:s12], [sflag:$0x1], $0x1, s30, s11, $0xb8;
	[tilespmem:$0x2C88] =	vst v63  }
0x77: {  	s31 =	sadd.s32 $0x2800, s21  }
0x78: {  	[spmem:s2] =	stream.indirect.scatter.add.f32 [tilespmem:s12], [sflag:$0x1], $0x1, s31, s11, $0xb8;
	[tilespmem:$0x2C88] =	vst v63  }
0x79: {  	_ =	swait.ge [sflag:s14], $0x80  }
0x7a: {  	[sflag:s14] =	ssyncset.done $0x0  }
0x7b: {  	[sflag:s14] =	ssyncadd.s32 $0xFFFFFF80  }
0x7c: {  	_ =	swait.ge [sflag:s14], $0x80  }
0x7d: {  	[sflag:s14] =	ssyncset.done $0x0  }
0x7e: {  	[sflag:s14] =	ssyncadd.s32 $0xFFFFFF80  }
0x7f: {  	_ =	swait.ge [sflag:s14], $0x80  }
0x80: {  	[sflag:s14] =	ssyncset.done $0x0  }
0x81: {  	[sflag:s14] =	ssyncadd.s32 $0xFFFFFF80  }
0x82: {  	_ =	swait.ge [sflag:s14], $0x80  }
0x83: {  	[sflag:s14] =	ssyncset.done $0x0  }
0x84: {  	[sflag:s14] =	ssyncadd.s32 $0xFFFFFF80  }
0x85: {  	_ =	swait.ge [sflag:s14], $0x80  }
0x86: {  	[sflag:s14] =	ssyncset.done $0x0  }
0x87: {  	[sflag:s14] =	ssyncadd.s32 $0xFFFFFF80  }
0x88: {  	_ =	swait.ge [sflag:s14], $0x80  }
0x89: {  	[sflag:s14] =	ssyncset.done $0x0  }
0x8a: {  	[sflag:s14] =	ssyncadd.s32 $0xFFFFFF80  }
0x8b: {  	[spmem:s2] =	stream.indirect.scatter.add.f32 [tilespmem:s12], [sflag:$0x2], $0x1, s16, s15, $0xb8;
	[tilespmem:$0x2C88] =	vst v63  }
0x8c: {  	_ =	swait.ge [sflag:s10], $0x10  }
0x8d: {  	[sflag:s10] =	ssyncset.done $0x0  }
0x8e: {  	[sflag:s10] =	ssyncadd.s32 $0xFFFFFFF0  }
0x8f: {  	s21 =	simm.s32 @p0 $0x1FC2;
	[bflag:$0x0] =	sbarrier.arrive $0xFFFF  }
0x90: {  	[hbm:s8], [sflag:s21] =	dma.local @p0 [spmem:s17], $0x50  }
0x91: {  	s21 =	simm.s32 @p0 $0x2  }
0x92: {  	s20 =	sadd.s32 $0x1, s20;
	_ =	swait.ge @p0 [sflag:s21], $0x50  }
0x93: {  	p1 =	sne.s32 s20, s9;
	[sflag:s21] =	ssyncset.done @p0 $0x0  }
.Ltmp1:
0x94: {  	[sflag:s21] =	ssyncadd.s32 @p0 $0xFFFFFFB0;
	s21 =	simm.s32 @!p0 $0x2;
	(pc) =	sbr.rel @p1 .LBB2_1-.Ltmp1, $4  }
0x95: {  	[hbm:s7], [sflag:s18] =	dma.local @!p0 [spmem:s19], $0x4E  }
0x96: {  	_ =	swait.ge @!p0 [sflag:s21], $0x4E  }
0x97: {  	[sflag:s21] =	ssyncset.done @!p0 $0x0  }
0x98: {  	[sflag:s21] =	ssyncadd.s32 @!p0 $0xFFFFFFB2  }
0x99: {  	_ =	sfence.sel $0x180000  }
0x9a: {  	[bflag:$0x0] =	sbarrier.arrive $0xFFFF  }
0x9b: {  	p0 =	sne.s32 s1, $0x0;
	_ =	strace $0x90000047  }
0x9c: {  	s0 =	sadd.s32 @!p0 $0x100000, s0;
	[bflag:$0x2] =	sbarrier.arrive $0xFFFF  }
0x9d: {  	[sflag:s0] =	ssyncadd.tile.s32 @!p0 $0x1;
	_ =	shalt  }
.Lfunc_end2:
_tile_overlayer_lowered:
.L_overlay_start_2:
0x9e: {  	(tag) =	ssettag $0x2  }
0x9f: {  	s0 =	rddreg [dreg:$0x0];
	s2 =	stileid.u32  }
0xa0: {  	s1 =	rddreg [dreg:$0x1];
	p0 =	sne.s32 s2, $0x0  }
0xa1: {  	s3 =	rddreg [dreg:$0x2];
	[bflag:$0x3] =	sbarrier.arrive $0xFFFF;
	s2 =	simm.s32 @!p0 $0x1C02  }
0xa2: {  	[timem:s3], [sflag:s2] =	dma.local @!p0 [hbm:s0], s1  }
0xa3: {  	s0 =	simm.s32 @!p0 $0x2  }
0xa4: {  	_ =	swait.ge @!p0 [sflag:s0], s1  }
0xa5: {  	s1 =	ssub.s32 @!p0 $0x0, s1;
	[sflag:s0] =	ssyncset.done @!p0 $0x0  }
0xa6: {  	[sflag:s0] =	ssyncadd.s32 @!p0 s1  }
0xa7: {  	[bflag:$0x3] =	sbarrier.arrive $0xFFFF  }
0xa8: {  	_ =	shalt  }

// kernel: kernel.14.cloned.1.call-start
scs
__scs_entry_jumppad:
0x0: {  	(pc) =	sbr.rel $0x88, $3  }
0x1: {  	(tag) =	ssettag $0x0;
	lr =	simm.s32 $0x1  }
0x2: {  	[smem:$0x3F9B] =	sst lr;
	_ =	strace $0xD0000000  }
0x3: {  	_ = 	snop  }
0x4: {  	_ = 	snop  }
0x5: {  	_ = 	snop  }
0x6: {  	_ = 	snop  }
0x7: {  	_ = 	snop  }
__scs_overlays_trampoline_lowered:
0x8: {  	[smem:$0x3FAA] =	sst s0  }
0x9: {  	[smem:$0x3FAB] =	sst s1  }
0xa: {  	[smem:$0x3FAC] =	sst s2  }
0xb: {  	[smem:$0x3FAD] =	sst s3  }
0xc: {  	[smem:$0x3FAE] =	sst s4  }
0xd: {  	[smem:$0x3FAF] =	sst s5  }
0xe: {  	[smem:$0x3FB0] =	sst s6  }
0xf: {  	[smem:$0x3FB1] =	sst s7  }
0x10: {  	[smem:$0x3FB2] =	sst s8  }
0x11: {  	[smem:$0x3FB3] =	sst s9;
	s0 =	simm.s32 @!p0 $0x0  }
0x12: {  	s1 =	sld [smem:$0x3F99];
	s0 =	simm.s32 @p0 $0x1  }
0x13: {  	[smem:$0x3FB4] =	sst s0;
	s0 =	simm.s32 @!p1 $0x0  }
0x14: {  	s2 =	sld [smem:$0x3F98];
	s0 =	simm.s32 @p1 $0x1  }
0x15: {  	[smem:$0x3FB5] =	sst s0;
	s0 =	simm.s32 @!p2 $0x0  }
0x16: {  	s3 =	sld [smem:$0x3FDB];
	s0 =	simm.s32 @p2 $0x1  }
0x17: {  	s4 =	simm.s32 $0x1BF5;
	[smem:$0x3FB7] =	sst s0  }
0x18: {  	s0 =	sld [smem:$0x3F9A];
	_ =	swait.ge [sflag:s4], $0x0  }
0x19: {  	s7 =	sld [smem:$0x3F9B]  }
0x1a: {  	s8 =	sadd.s32 $0xFFFFE003, lr  }
0x1b: {  	s9 =	sadd.s32 $0xFFFFFEF7, lr;
	s5 =	simm.s32 $0xFFFFFFFF;
	p2 =	slt.u32 s8, $0xFFFFF086  }
0x1c: {  	p1 =	slt.u32 s9, $0xF7A;
	s5 =	simm.s32 @!p2 $0x0  }
0x1d: {  	s5 =	simm.s32 @p1 $0x1;
	p0 =	seq.s32 s7, s2  }
0x1e: {  	s7 =	smul.u32 @!p0 $0xF7A, s2;
	p2 =	seq.s32 @!p0 s5, $0x0  }
0x1f: {  	s9 =	smul.u32 $0xF7A, s1;
	s8 =	simm.s32 @!p0 $0x1BF5;
	p2 =	por !p2, p0  }
0x20: {  	[sflag:s8] =	ssyncset.s32 @!p0 $0xFFFFF086;
	s6 =	sadd.s32 @!p0 s3, s7;
	s7 =	simm.s32 @!p0 $0x108  }
0x21: {  	s3 =	sadd.s32 s3, s9;
	s6 =	sadd.s32 @!p0 $0x88, s6;
	s7 =	simm.s32 @p2 $0x1082  }
0x22: {  	[simem:s7], [sflag:s8] =	dma.local @!p0 [hbm:s6], $0xF7A  }
0x23: {  	s9 =	sor.u32 $0xD0000000, s2;
	s6 =	simm.s32 $0x108;
	_ =	swait.ge @!p0 [sflag:s8], $0x0  }
0x24: {  	s3 =	sadd.s32 $0x88, s3;
	s6 =	simm.s32 @!p1 $0x1082;
	[sflag:s4] =	ssyncset.s32 $0xFFFFF086  }
0x25: {  	[simem:s6], [sflag:s4] =	dma.local [hbm:s3], $0xF7A  }
0x26: {  	[smem:$0x3F9B] =	sst s1;
	(tag) =	ssettag s2;
	_ =	strace s9  }
0x27: {  	s1 =	sld [smem:$0x3FAB]  }
0x28: {  	s2 =	sld [smem:$0x3FAC]  }
0x29: {  	s4 =	sld [smem:$0x3FAE]  }
0x2a: {  	p0 =	seq.s32 s5, $0x0;
	s5 =	sld [smem:$0x3FAF]  }
0x2b: {  	s6 =	sld [smem:$0x3FB0]  }
0x2c: {  	s7 =	sld [smem:$0x3FB1]  }
0x2d: {  	s3 =	simm.s32 $0x108;
	s8 =	sld [smem:$0x3FB2]  }
0x2e: {  	s3 =	simm.s32 @!p0 $0x1082;
	s9 =	sld [smem:$0x3FB3]  }
0x2f: {  	lr =	sadd.s32 s0, s3;
	s0 =	sld [smem:$0x3FAA]  }
0x30: {  	s3 =	sld [smem:$0x3FAD]  }
0x31: {  	[smem:$0x3FB6] =	sst s10  }
0x32: {  	s10 =	sld [smem:$0x3FB4];
	_ =	sdelay $0x3  }
0x33: {  	p0 =	seq.s32 s10, $0x1;
	s10 =	sld [smem:$0x3FB6];
	_ =	sdelay $0x3  }
0x34: {  	[smem:$0x3FB6] =	sst s10  }
0x35: {  	s10 =	sld [smem:$0x3FB5];
	_ =	sdelay $0x3  }
0x36: {  	p1 =	seq.s32 s10, $0x1;
	s10 =	sld [smem:$0x3FB6];
	_ =	sdelay $0x3  }
0x37: {  	[smem:$0x3FB6] =	sst s10  }
0x38: {  	s10 =	sld [smem:$0x3FB7]  }
0x39: {  	_ = 	snop;
	(pc) =	sbr.ind lr, $3  }
0x3a: {  	_ = 	snop  }
0x3b: {  	_ = 	snop  }
0x3c: {  	p2 =	seq.s32 s10, $0x1;
	s10 =	sld [smem:$0x3FB6]  }
0x3d: {  	_ =	shalt  }
0x3e: {  	_ =	shalt  }
0x3f: {  	_ =	shalt  }
0x40: {  	_ =	shalt  }
0x41: {  	_ =	shalt  }
0x42: {  	_ =	shalt  }
0x43: {  	_ =	shalt  }
0x44: {  	_ =	shalt  }
0x45: {  	_ =	shalt  }
0x46: {  	_ =	shalt  }
0x47: {  	_ =	shalt  }
0x48: {  	_ =	shalt  }
0x49: {  	_ =	shalt  }
0x4a: {  	_ =	shalt  }
0x4b: {  	_ =	shalt  }
0x4c: {  	_ =	shalt  }
0x4d: {  	_ =	shalt  }
0x4e: {  	_ =	shalt  }
0x4f: {  	_ =	shalt  }
0x50: {  	_ =	shalt  }
0x51: {  	_ =	shalt  }
0x52: {  	_ =	shalt  }
0x53: {  	_ =	shalt  }
0x54: {  	_ =	shalt  }
0x55: {  	_ =	shalt  }
0x56: {  	_ =	shalt  }
0x57: {  	_ =	shalt  }
0x58: {  	_ =	shalt  }
0x59: {  	_ =	shalt  }
0x5a: {  	_ =	shalt  }
0x5b: {  	_ =	shalt  }
0x5c: {  	_ =	shalt  }
0x5d: {  	_ =	shalt  }
0x5e: {  	_ =	shalt  }
0x5f: {  	_ =	shalt  }
0x60: {  	_ =	shalt  }
0x61: {  	_ =	shalt  }
0x62: {  	_ =	shalt  }
0x63: {  	_ =	shalt  }
0x64: {  	_ =	shalt  }
0x65: {  	_ =	shalt  }
0x66: {  	_ =	shalt  }
0x67: {  	_ =	shalt  }
0x68: {  	_ =	shalt  }
0x69: {  	_ =	shalt  }
0x6a: {  	_ =	shalt  }
0x6b: {  	_ =	shalt  }
0x6c: {  	_ =	shalt  }
0x6d: {  	_ =	shalt  }
0x6e: {  	_ =	shalt  }
0x6f: {  	_ =	shalt  }
0x70: {  	_ =	shalt  }
0x71: {  	_ =	shalt  }
0x72: {  	_ =	shalt  }
0x73: {  	_ =	shalt  }
0x74: {  	_ =	shalt  }
0x75: {  	_ =	shalt  }
0x76: {  	_ =	shalt  }
0x77: {  	_ =	shalt  }
0x78: {  	_ =	shalt  }
0x79: {  	_ =	shalt  }
0x7a: {  	_ =	shalt  }
0x7b: {  	_ =	shalt  }
0x7c: {  	_ =	shalt  }
0x7d: {  	_ =	shalt  }
0x7e: {  	_ =	shalt  }
0x7f: {  	_ =	shalt  }
0x80: {  	_ =	shalt  }
0x81: {  	_ =	shalt  }
0x82: {  	_ =	shalt  }
0x83: {  	_ =	shalt  }
0x84: {  	_ =	shalt  }
0x85: {  	_ =	shalt  }
0x86: {  	_ =	shalt  }
0x87: {  	_ =	shalt  }
.Lfunc_end0:
.L_simem_size_0:
called_computation.1_lowered:
.L_overlay_start_0:
0x88: {  	s2 =	sld [smem:$0x3FD9]  }
0x89: {  	s3 =	sld [smem:$0x3FFE];
	_ =	sdelay $0x1  }
0x8a: {  	s1 =	srdreg.scid  }
0x8b: {  	s0 =	sand.u32 $0x1, s1  }
0x8c: {  	s16 =	sshll.u32 s0, $0xA;
	s2 =	sadd.s32 s3, s2  }
0x8d: {  	s2 =	sadd.s32 s2, s16  }
0x8e: {  	[smem:$0x3FC2] =	sst s2  }
0x8f: {  	_ = 	snop  }
0x90: {  	(tm) =	ssettm $0x1  }
0x91: {  	s17 =	sld [smem:$0x3FFB];
	_ =	sdelay $0x3  }
0x92: {  	_ =	strace s17  }
0x93: {  	s2 =	sld [smem:$0x3FFC];
	_ =	sdelay $0x3  }
0x94: {  	_ =	strace s2  }
0x95: {  	s2 =	sld [smem:$0x3FFD];
	_ =	sdelay $0x3  }
0x96: {  	_ =	strace s2  }
0x97: {  	_ =	strace $0x8FFFFFFF  }
0x98: {  	s18 =	sld [smem:$0x3FDB];
	_ =	sdelay $0x1  }
0x99: {  	s19 =	simm.s32 $_scs_section_size  }
0x9a: {  	s4 =	simm.s32 $_size__tile_overlayer_lowered;
	s5 =	simm.s32 $_tile_overlayer_lowered  }
0x9b: {  	s22 =	simm.s32 $0x1BFF;
	s21 =	sshll.u32 s5, $0x1;
	s2 =	sadd.s32 s19, s18  }
0x9c: {  	s6 =	simm.s32 $0x0;
	s20 =	sshll.u32 s4, $0x1;
	s4 =	sadd.s32 s21, s2  }
0x9d: {  	[timem:s6], [sflag:s22] =	dma.local [hbm:s4], s20  }
0x9e: {  	_ =	swait.ge [sflag:s22], s20  }
0x9f: {  	s3 =	ssub.s32 $0x0, s20;
	[sflag:s22] =	ssyncset.done $0x0  }
0xa0: {  	[sflag:s22] =	ssyncadd.s32 s3;
	_ =	sdelay $0x1  }
0xa1: {  	s23 =	simm.s32 $0x1B8B  }
0xa2: {  	_ =	swait.ge [sflag:s23], $0x1  }
0xa3: {  	[sflag:s23] =	ssyncset.done $0x0  }
0xa4: {  	s25 =	simm.s32 $0x1B8E;
	s24 =	sld [smem:$0x3FFE];
	[sflag:s23] =	ssyncadd.s32 $0xFFFFFFFF  }
0xa5: {  	s26 =	simm.s32 $execute0_lowered;
	[smem:$0x3FD2] =	sst s25  }
0xa6: {  	s4 =	sshll.u32 s26, $0x1;
	_ =	strace $0x80000049;
	[dreg:$0x1] =	wrdreg $0xFFFFFFFF  }
0xa7: {  	s28 =	simm.s32 $_size_execute0_lowered;
	s2 =	sadd.s32 s2, s4;
	[dreg:$0x0] =	wrdreg $0x0  }
0xa8: {  	s4 =	sshll.u32 s28, $0x1;
	[dreg:$0x2] =	wrdreg s2  }
0xa9: {  	[dreg:$0x3] =	wrdreg s4  }
0xaa: {  	[dreg:$0x4] =	wrdreg $0xC0  }
0xab: {  	_ =	task [dreg:s6], $0x5FFFF  }
0xac: {  	[dreg:$0x1] =	wrdreg $0xFFFFFFFF  }
0xad: {  	[dreg:$0x0] =	wrdreg $0x60  }
0xae: {  	[dreg:$0x2] =	wrdreg s24  }
0xaf: {  	[dreg:$0x3] =	wrdreg $0xCE200  }
0xb0: {  	[dreg:$0x4] =	wrdreg $0x9  }
0xb1: {  	_ =	task.clear_ibuf [dreg:s6], $0x5FFFF;
	_ =	strace $0x90000049  }
0xb2: {  	s29 =	simm.s32 $0x9;
	_ =	strace $0x8000004B  }
0xb3: {  	_ =	swait.ge [sflag:s29], $0x1  }
0xb4: {  	[sflag:s29] =	ssyncadd.s32 $0xFFFFFFFF  }
0xb5: {  	_ =	strace $0x9000004B  }
0xb6: {  	_ =	sfence  }
0xb7: {  	s30 =	sld [smem:$0x0];
	_ =	sdelay $0x2  }
0xb8: {  	s31 =	sshll.u32 s1, $0xD;
	s1 =	sshrl.u32 s1, $0x2  }
0xb9: {  	s3 =	sand.u32 $0x4000, s31;
	s1 =	sadd.s32 s1, s30  }
0xba: {  	s0 =	sor.u32 s3, s0;
	s1 =	sshll.u32 s1, $0x11  }
0xbb: {  	s0 =	sor.u32 s1, s0  }
0xbc: {  	s0 =	sadd.s32 $0x8F2B, s0  }
0xbd: {  	[sflag:s0] =	ssyncadd.remote.s32 $0x1  }
0xbe: {  	_ =	sfence.sel $0xFFFF  }
0xbf: {  	[dreg:$0x0] =	wrdreg $0xFFFFFFFF;
	(pc) =	sbr.abs _section_cstart, $3  }
0xc0: {  	[dreg:$0x1] =	wrdreg $0xFFFFFFFF  }
0xc1: {  	_ =	task.clear_ibuf [dreg:s6], $0x2FFFF;
	_ =	strace $0x9FFFFFFF  }
0xc2: {  	(tm) =	ssettm $0x7FFFFFFF  }
0xc3: {  	_ =	shalt  }
tec
execute0_lowered:
.L_overlay_start_1:
0x0: {  	(tag) =	ssettag $0x1  }
0x1: {  	s0 =	rddreg [dreg:$0x0]  }
0x2: {  	s1 =	rddreg [dreg:$0x1]  }
0x3: {  	s2 =	srdreg.scid;
	s4 =	simm.s32 $0x0;
	s8 =	stileid.u32  }
0x4: {  	s13 =	simm.s32 $0x2710;
	s15 =	simm.s32 $0x4E20;
	s16 =	simm.s32 $0x9  }
0x5: {  	s17 =	simm.s32 $0x1;
	s18 =	simm.s32 $0x80;
	s19 =	simm.s32 $0x6E20  }
0x6: {  	s21 =	simm.s32 $0x8E20;
	s23 =	simm.s32 $0xAE20;
	s24 =	simm.s32 $0x2  }
0x7: {  	s28 =	simm.s32 $0x5;
	s30 =	simm.s32 $0x3;
	s14 =	simm.s32 $0x4  }
0x8: {  	s22 =	simm.s32 $0x8;
	s26 =	simm.s32 $0x10;
	s2 =	sand.u32 $0x1, s2  }
0x9: {  	[smem:$0x7FF] =	sst s4;
	s7 =	smul.u32 $0x9C40, s8;
	s4 =	sadd.s32 $0x15800, s0  }
0xa: {  	s3 =	smul.u32 $0x9C400, s2;
	s5 =	sshll.u32 s2, $0x4;
	_ =	strace $0x8000004A  }
0xb: {  	s2 =	ssub.s32 $0x2, s2;
	s5 =	sor.u32 s8, s5;
	s8 =	smul.u32 $0x27100, s8  }
0xc: {  	s6 =	sshrl.u32 s2, $0x1;
	s31 =	sadd.s32 s7, s1;
	s5 =	smul.u32 $0x4E2, s5  }
0xd: {  	s3 =	sadd.s32 s7, s3;
	s2 =	ssub.s32 s2, s6;
	s25 =	sshrl.u32 s31, $0x3  }
0xe: {  	s3 =	sshrl.u32 s3, $0x3;
	s29 =	sshrl.u32 s8, $0x2;
	s7 =	smax.u32 s2, $0x1  }
0xf: {  	s2 =	simm.s32 $0x7;
	s5 =	sadd.s32 s5, s0;
	s0 =	sadd.s32 s3, s0  }
0x10: {  	s8 =	sadd.s32 s29, s1;
	s3 =	simm.s32 $0x0;
	s5 =	sadd.s32 $0x1E00, s5  }
0x11: {  	s6 =	sadd.s32 $0x29200, s0;
	s9 =	sadd.s32 $0x1F40, s8;
	s10 =	sadd.s32 $0x3E80, s8  }
0x12: {  	v0 =	vimm.f32 $0.0e+00;
	s11 =	sadd.s32 $0x5DC0, s8;
	s12 =	sadd.s32 $0x7D00, s8;
	s0 =	simm.s32 $0x6  }
.LBB2_1:
0x13: {  	s20 =	simm.s32 $0x0;
	s29 =	simm.s32 $0x4E200  }
0x14: {  	[tilespmem:s20], [sflag:$0x1] =	stream.strided.gather [hbm4b:s5+s13], $0x4E20, s29, s13, $0x38;
	[tilespmem:$0x16A60] =	vst v63  }
0x15: {  	s29 =	simm.s32 $0x100;
	s20 =	simm.s32 $0x0  }
.LBB2_2:
0x16: {  	p0 =	sne.s32 s29, $0x7F00;
	[tilespmem:s20+$0x4E50] =	vst v0;
	s31 =	smov.u32 s29;
	s29 =	sadd.s32 $0x100, s29  }
.Ltmp0:
0x17: {  	[tilespmem:s20+$0x4E40] =	vst v0;
	(pc) =	sbr.rel @p0 .LBB2_2-.Ltmp0, $3  }
0x18: {  	[tilespmem:s20+$0x4E20] =	vst v0  }
0x19: {  	[tilespmem:s20+$0x4E30] =	vst v0;
	_ =	sdelay $0x1  }
0x1a: {  	s20 =	sshra.s32 s31, $0x2  }
0x1b: {  	[tilespmem:s20+$0x4E50] =	vst v0  }
0x1c: {  	[tilespmem:s20+$0x4E40] =	vst v0  }
0x1d: {  	[tilespmem:s20+$0x4E20] =	vst v0  }
0x1e: {  	[tilespmem:s20+$0x4E30] =	vst v0  }
0x1f: {  	[spmem:s8] =	stream.linear.scatter [tilespmem:s15], [sflag:$0x9], $0x1F40, $0x38;
	[tilespmem:$0x16A60] =	vst v63  }
0x20: {  	_ =	swait.ge [sflag:s16], $0x1F40  }
0x21: {  	[sflag:s16] =	ssyncset.done $0x0  }
0x22: {  	[sflag:s16] =	ssyncadd.s32 $0xFFFFE0C0  }
0x23: {  	[spmem:s9] =	stream.linear.scatter [tilespmem:s15], [sflag:$0x9], $0x1F40, $0x38;
	[tilespmem:$0x16A60] =	vst v63  }
0x24: {  	_ =	swait.ge [sflag:s16], $0x1F40  }
0x25: {  	[sflag:s16] =	ssyncset.done $0x0  }
0x26: {  	[sflag:s16] =	ssyncadd.s32 $0xFFFFE0C0  }
0x27: {  	[spmem:s10] =	stream.linear.scatter [tilespmem:s15], [sflag:$0x9], $0x1F40, $0x38;
	[tilespmem:$0x16A60] =	vst v63  }
0x28: {  	_ =	swait.ge [sflag:s16], $0x1F40  }
0x29: {  	[sflag:s16] =	ssyncset.done $0x0  }
0x2a: {  	[sflag:s16] =	ssyncadd.s32 $0xFFFFE0C0  }
0x2b: {  	[spmem:s11] =	stream.linear.scatter [tilespmem:s15], [sflag:$0x9], $0x1F40, $0x38;
	[tilespmem:$0x16A60] =	vst v63  }
0x2c: {  	_ =	swait.ge [sflag:s16], $0x1F40  }
0x2d: {  	[sflag:s16] =	ssyncset.done $0x0  }
0x2e: {  	[sflag:s16] =	ssyncadd.s32 $0xFFFFE0C0  }
0x2f: {  	[spmem:s12] =	stream.linear.scatter [tilespmem:s15], [sflag:$0x9], $0x1F40, $0x38;
	[tilespmem:$0x16A60] =	vst v63  }
0x30: {  	_ =	swait.ge [sflag:s16], $0x1F40  }
0x31: {  	[sflag:s16] =	ssyncset.done $0x0  }
0x32: {  	[sflag:s16] =	ssyncadd.s32 $0xFFFFE0C0  }
0x33: {  	_ =	swait.ge [sflag:s17], $0x4E20  }
0x34: {  	[sflag:s17] =	ssyncset.done $0x0  }
0x35: {  	[sflag:s17] =	ssyncadd.s32 $0xFFFFB1E0  }
0x36: {  	s31 =	simm.s32 $0x0;
	[bflag:$0x0] =	sbarrier.arrive $0xFFFF  }
0x37: {  	[tilespmem:s15], [sflag:$0x1] =	stream.indirect.gather [hbm4b:s4+s18], $0x40, s31, s18, $0xb8;
	[tilespmem:$0x16A60] =	vst v63  }
0x38: {  	_ = 	snop  }
0x39: {  	[tilespmem:s19], [sflag:$0x2] =	stream.indirect.gather [hbm4b:s4+s18], $0x40, s18, s18, $0xb8;
	[tilespmem:$0x16A60] =	vst v63  }
0x3a: {  	s31 =	simm.s32 $0x100  }
0x3b: {  	[tilespmem:s21], [sflag:$0x3] =	stream.indirect.gather [hbm4b:s4+s18], $0x40, s31, s18, $0xb8;
	[tilespmem:$0x16A60] =	vst v63  }
0x3c: {  	_ =	swait.ge [sflag:s17], $0x2000  }
0x3d: {  	[sflag:s17] =	ssyncset.done $0x0  }
0x3e: {  	[sflag:s17] =	ssyncadd.s32 $0xFFFFE000  }
0x3f: {  	[spmem:s1] =	stream.indirect.scatter.add.f32 [tilespmem:s15], [sflag:$0x5], $0x40, s13, s18, $0xb8;
	[tilespmem:$0x16A60] =	vst v63  }
0x40: {  	s31 =	simm.s32 $0x180  }
0x41: {  	[tilespmem:s23], [sflag:$0x4] =	stream.indirect.gather [hbm4b:s4+s18], $0x40, s31, s18, $0xb8;
	[tilespmem:$0x16A60] =	vst v63  }
0x42: {  	_ =	swait.ge [sflag:s24], $0x2000  }
0x43: {  	[sflag:s24] =	ssyncset.done $0x0  }
0x44: {  	s31 =	simm.s32 $0x2790;
	[sflag:s24] =	ssyncadd.s32 $0xFFFFE000  }
0x45: {  	[spmem:s1] =	stream.indirect.scatter.add.f32 [tilespmem:s19], [sflag:$0x6], $0x40, s31, s18, $0xb8;
	[tilespmem:$0x16A60] =	vst v63  }
0x46: {  	_ =	swait.ge [sflag:s28], $0x2000  }
0x47: {  	[sflag:s28] =	ssyncset.done $0x0  }
0x48: {  	s31 =	simm.s32 $0x200;
	[sflag:s28] =	ssyncadd.s32 $0xFFFFE000  }
0x49: {  	[tilespmem:s15], [sflag:$0x1] =	stream.indirect.gather [hbm4b:s4+s18], $0x40, s31, s18, $0xb8;
	[tilespmem:$0x16A60] =	vst v63  }
0x4a: {  	_ =	swait.ge [sflag:s30], $0x2000  }
0x4b: {  	[sflag:s30] =	ssyncset.done $0x0  }
0x4c: {  	s31 =	simm.s32 $0x2810;
	[sflag:s30] =	ssyncadd.s32 $0xFFFFE000  }
0x4d: {  	[spmem:s1] =	stream.indirect.scatter.add.f32 [tilespmem:s21], [sflag:$0x7], $0x40, s31, s18, $0xb8;
	[tilespmem:$0x16A60] =	vst v63  }
0x4e: {  	_ =	swait.ge [sflag:s0], $0x2000  }
0x4f: {  	[sflag:s0] =	ssyncset.done $0x0  }
0x50: {  	s31 =	simm.s32 $0x280;
	[sflag:s0] =	ssyncadd.s32 $0xFFFFE000  }
0x51: {  	[tilespmem:s19], [sflag:$0x2] =	stream.indirect.gather [hbm4b:s4+s18], $0x40, s31, s18, $0xb8;
	[tilespmem:$0x16A60] =	vst v63  }
0x52: {  	_ =	swait.ge [sflag:s14], $0x2000  }
0x53: {  	[sflag:s14] =	ssyncset.done $0x0  }
0x54: {  	s31 =	simm.s32 $0x2890;
	[sflag:s14] =	ssyncadd.s32 $0xFFFFE000  }
0x55: {  	[spmem:s1] =	stream.indirect.scatter.add.f32 [tilespmem:s23], [sflag:$0x8], $0x40, s31, s18, $0xb8;
	[tilespmem:$0x16A60] =	vst v63  }
0x56: {  	_ =	swait.ge [sflag:s2], $0x2000  }
0x57: {  	[sflag:s2] =	ssyncset.done $0x0  }
0x58: {  	s31 =	simm.s32 $0x300;
	[sflag:s2] =	ssyncadd.s32 $0xFFFFE000  }
0x59: {  	[tilespmem:s21], [sflag:$0x3] =	stream.indirect.gather [hbm4b:s4+s18], $0x40, s31, s18, $0xb8;
	[tilespmem:$0x16A60] =	vst v63  }
0x5a: {  	_ =	swait.ge [sflag:s17], $0x2000  }
0x5b: {  	[sflag:s17] =	ssyncset.done $0x0  }
0x5c: {  	s31 =	simm.s32 $0x2910;
	[sflag:s17] =	ssyncadd.s32 $0xFFFFE000  }
0x5d: {  	[spmem:s1] =	stream.indirect.scatter.add.f32 [tilespmem:s15], [sflag:$0x5], $0x40, s31, s18, $0xb8;
	[tilespmem:$0x16A60] =	vst v63  }
0x5e: {  	_ =	swait.ge [sflag:s22], $0x2000  }
0x5f: {  	[sflag:s22] =	ssyncset.done $0x0  }
0x60: {  	s31 =	simm.s32 $0x380;
	[sflag:s22] =	ssyncadd.s32 $0xFFFFE000  }
0x61: {  	[tilespmem:s23], [sflag:$0x4] =	stream.indirect.gather [hbm4b:s4+s18], $0x40, s31, s18, $0xb8;
	[tilespmem:$0x16A60] =	vst v63  }
0x62: {  	_ =	swait.ge [sflag:s24], $0x2000  }
0x63: {  	[sflag:s24] =	ssyncset.done $0x0  }
0x64: {  	s31 =	simm.s32 $0x2990;
	[sflag:s24] =	ssyncadd.s32 $0xFFFFE000  }
0x65: {  	[spmem:s1] =	stream.indirect.scatter.add.f32 [tilespmem:s19], [sflag:$0x6], $0x40, s31, s18, $0xb8;
	[tilespmem:$0x16A60] =	vst v63  }
0x66: {  	_ =	swait.ge [sflag:s28], $0x2000  }
0x67: {  	[sflag:s28] =	ssyncset.done $0x0  }
0x68: {  	s31 =	simm.s32 $0x400;
	[sflag:s28] =	ssyncadd.s32 $0xFFFFE000  }
0x69: {  	[tilespmem:s15], [sflag:$0x1] =	stream.indirect.gather [hbm4b:s4+s18], $0x40, s31, s18, $0xb8;
	[tilespmem:$0x16A60] =	vst v63  }
0x6a: {  	_ =	swait.ge [sflag:s30], $0x2000  }
0x6b: {  	[sflag:s30] =	ssyncset.done $0x0  }
0x6c: {  	s31 =	simm.s32 $0x2A10;
	[sflag:s30] =	ssyncadd.s32 $0xFFFFE000  }
0x6d: {  	[spmem:s1] =	stream.indirect.scatter.add.f32 [tilespmem:s21], [sflag:$0x7], $0x40, s31, s18, $0xb8;
	[tilespmem:$0x16A60] =	vst v63  }
0x6e: {  	_ =	swait.ge [sflag:s0], $0x2000  }
0x6f: {  	[sflag:s0] =	ssyncset.done $0x0  }
0x70: {  	s31 =	simm.s32 $0x480;
	[sflag:s0] =	ssyncadd.s32 $0xFFFFE000  }
0x71: {  	[tilespmem:s19], [sflag:$0x2] =	stream.indirect.gather [hbm4b:s4+s18], $0x40, s31, s18, $0xb8;
	[tilespmem:$0x16A60] =	vst v63  }
0x72: {  	_ =	swait.ge [sflag:s14], $0x2000  }
0x73: {  	[sflag:s14] =	ssyncset.done $0x0  }
0x74: {  	s20 =	simm.s32 $0x800;
	s29 =	simm.s32 $0x2A90;
	[sflag:s14] =	ssyncadd.s32 $0xFFFFE000  }
.LBB2_4:
0x75: {  	[spmem:s1] =	stream.indirect.scatter.add.f32 [tilespmem:s23], [sflag:$0x8], $0x40, s29, s18, $0xb8;
	[tilespmem:$0x16A60] =	vst v63  }
0x76: {  	s29 =	smov.u32 s20  }
0x77: {  	p0 =	sne.s32 s20, $0x8000;
	s20 =	sadd.s32 $0x800, s20;
	_ =	swait.ge [sflag:s2], $0x2000  }
0x78: {  	s29 =	sshra.s32 s29, $0x2;
	[sflag:s2] =	ssyncset.done $0x0  }
0x79: {  	s31 =	sadd.s32 $0x300, s29;
	[sflag:s2] =	ssyncadd.s32 $0xFFFFE000  }
0x7a: {  	[tilespmem:s21], [sflag:$0x3] =	stream.indirect.gather [hbm4b:s4+s18], $0x40, s31, s18, $0xb8;
	[tilespmem:$0x16A60] =	vst v63  }
0x7b: {  	_ =	swait.ge [sflag:s17], $0x2000  }
0x7c: {  	[sflag:s17] =	ssyncset.done $0x0  }
0x7d: {  	s31 =	sadd.s32 $0x2910, s29;
	[sflag:s17] =	ssyncadd.s32 $0xFFFFE000  }
0x7e: {  	[spmem:s1] =	stream.indirect.scatter.add.f32 [tilespmem:s15], [sflag:$0x5], $0x40, s31, s18, $0xb8;
	[tilespmem:$0x16A60] =	vst v63  }
0x7f: {  	_ =	swait.ge [sflag:s22], $0x2000  }
0x80: {  	[sflag:s22] =	ssyncset.done $0x0  }
0x81: {  	s31 =	sadd.s32 $0x380, s29;
	[sflag:s22] =	ssyncadd.s32 $0xFFFFE000  }
0x82: {  	[tilespmem:s23], [sflag:$0x4] =	stream.indirect.gather [hbm4b:s4+s18], $0x40, s31, s18, $0xb8;
	[tilespmem:$0x16A60] =	vst v63  }
0x83: {  	_ =	swait.ge [sflag:s24], $0x2000  }
0x84: {  	[sflag:s24] =	ssyncset.done $0x0  }
0x85: {  	s31 =	sadd.s32 $0x2990, s29;
	[sflag:s24] =	ssyncadd.s32 $0xFFFFE000  }
0x86: {  	[spmem:s1] =	stream.indirect.scatter.add.f32 [tilespmem:s19], [sflag:$0x6], $0x40, s31, s18, $0xb8;
	[tilespmem:$0x16A60] =	vst v63  }
0x87: {  	_ =	swait.ge [sflag:s28], $0x2000  }
0x88: {  	[sflag:s28] =	ssyncset.done $0x0  }
0x89: {  	s31 =	sadd.s32 $0x400, s29;
	[sflag:s28] =	ssyncadd.s32 $0xFFFFE000  }
0x8a: {  	[tilespmem:s15], [sflag:$0x1] =	stream.indirect.gather [hbm4b:s4+s18], $0x40, s31, s18, $0xb8;
	[tilespmem:$0x16A60] =	vst v63  }
0x8b: {  	_ =	swait.ge [sflag:s30], $0x2000  }
0x8c: {  	[sflag:s30] =	ssyncset.done $0x0  }
0x8d: {  	s31 =	sadd.s32 $0x2A10, s29;
	[sflag:s30] =	ssyncadd.s32 $0xFFFFE000  }
0x8e: {  	[spmem:s1] =	stream.indirect.scatter.add.f32 [tilespmem:s21], [sflag:$0x7], $0x40, s31, s18, $0xb8;
	[tilespmem:$0x16A60] =	vst v63  }
0x8f: {  	_ =	swait.ge [sflag:s0], $0x2000  }
0x90: {  	[sflag:s0] =	ssyncset.done $0x0  }
.Ltmp1:
0x91: {  	s31 =	sadd.s32 $0x480, s29;
	[sflag:s0] =	ssyncadd.s32 $0xFFFFE000;
	(pc) =	sbr.rel @p0 .LBB2_4-.Ltmp1, $4  }
0x92: {  	[tilespmem:s19], [sflag:$0x2] =	stream.indirect.gather [hbm4b:s4+s18], $0x40, s31, s18, $0xb8;
	[tilespmem:$0x16A60] =	vst v63  }
0x93: {  	_ =	swait.ge [sflag:s14], $0x2000  }
0x94: {  	[sflag:s14] =	ssyncset.done $0x0  }
0x95: {  	s29 =	sadd.s32 $0x2A90, s29;
	[sflag:s14] =	ssyncadd.s32 $0xFFFFE000  }
0x96: {  	[spmem:s1] =	stream.indirect.scatter.add.f32 [tilespmem:s23], [sflag:$0x8], $0x40, s29, s18, $0xb8;
	[tilespmem:$0x16A60] =	vst v63  }
0x97: {  	_ =	swait.ge [sflag:s2], $0x2000  }
0x98: {  	[sflag:s2] =	ssyncset.done $0x0  }
0x99: {  	s20 =	simm.s32 $0x2500;
	[sflag:s2] =	ssyncadd.s32 $0xFFFFE000  }
0x9a: {  	[tilespmem:s21], [sflag:$0x3] =	stream.indirect.gather [hbm4b:s4+s18], $0x40, s20, s18, $0xb8;
	[tilespmem:$0x16A60] =	vst v63  }
0x9b: {  	_ =	swait.ge [sflag:s17], $0x2000  }
0x9c: {  	[sflag:s17] =	ssyncset.done $0x0  }
0x9d: {  	s29 =	simm.s32 $0x4B10;
	[sflag:s17] =	ssyncadd.s32 $0xFFFFE000  }
0x9e: {  	[spmem:s1] =	stream.indirect.scatter.add.f32 [tilespmem:s15], [sflag:$0x5], $0x40, s29, s18, $0xb8;
	[tilespmem:$0x16A60] =	vst v63  }
0x9f: {  	_ =	swait.ge [sflag:s22], $0x2000  }
0xa0: {  	[sflag:s22] =	ssyncset.done $0x0  }
0xa1: {  	s31 =	simm.s32 $0x2580;
	[sflag:s22] =	ssyncadd.s32 $0xFFFFE000  }
0xa2: {  	[tilespmem:s23], [sflag:$0x4] =	stream.indirect.gather [hbm4b:s4+s18], $0x40, s31, s18, $0xb8;
	[tilespmem:$0x16A60] =	vst v63  }
0xa3: {  	_ =	swait.ge [sflag:s24], $0x2000  }
0xa4: {  	[sflag:s24] =	ssyncset.done $0x0  }
0xa5: {  	s29 =	simm.s32 $0x4B90;
	[sflag:s24] =	ssyncadd.s32 $0xFFFFE000  }
0xa6: {  	[spmem:s1] =	stream.indirect.scatter.add.f32 [tilespmem:s19], [sflag:$0x6], $0x40, s29, s18, $0xb8;
	[tilespmem:$0x16A60] =	vst v63  }
0xa7: {  	_ =	swait.ge [sflag:s28], $0x2000  }
0xa8: {  	[sflag:s28] =	ssyncset.done $0x0  }
0xa9: {  	[sflag:s28] =	ssyncadd.s32 $0xFFFFE000  }
0xaa: {  	_ =	swait.ge [sflag:s30], $0x2000  }
0xab: {  	[sflag:s30] =	ssyncset.done $0x0  }
0xac: {  	s31 =	simm.s32 $0x4C10;
	[sflag:s30] =	ssyncadd.s32 $0xFFFFE000  }
0xad: {  	[spmem:s1] =	stream.indirect.scatter.add.f32 [tilespmem:s21], [sflag:$0x7], $0x40, s31, s18, $0xb8;
	[tilespmem:$0x16A60] =	vst v63  }
0xae: {  	_ =	swait.ge [sflag:s0], $0x2000  }
0xaf: {  	[sflag:s0] =	ssyncset.done $0x0  }
0xb0: {  	[sflag:s0] =	ssyncadd.s32 $0xFFFFE000  }
0xb1: {  	_ =	swait.ge [sflag:s14], $0x2000  }
0xb2: {  	[sflag:s14] =	ssyncset.done $0x0  }
0xb3: {  	s29 =	simm.s32 $0x4C90;
	[sflag:s14] =	ssyncadd.s32 $0xFFFFE000  }
0xb4: {  	[spmem:s1] =	stream.indirect.scatter.add.f32 [tilespmem:s23], [sflag:$0x8], $0x40, s29, s18, $0xb8;
	[tilespmem:$0x16A60] =	vst v63  }
0xb5: {  	_ =	swait.ge [sflag:s2], $0x2000  }
0xb6: {  	[sflag:s2] =	ssyncset.done $0x0  }
0xb7: {  	[sflag:s2] =	ssyncadd.s32 $0xFFFFE000  }
0xb8: {  	_ =	swait.ge [sflag:s22], $0x2000  }
0xb9: {  	[sflag:s22] =	ssyncset.done $0x0  }
0xba: {  	s31 =	simm.s32 $0x2600;
	[sflag:s22] =	ssyncadd.s32 $0xFFFFE000  }
0xbb: {  	[tilespmem:s15], [sflag:$0x9] =	stream.indirect.gather [hbm4b:s4+s18], $0x40, s31, s18, $0xb8;
	[tilespmem:$0x16A60] =	vst v63  }
0xbc: {  	_ =	swait.ge [sflag:s16], $0x2000  }
0xbd: {  	[sflag:s16] =	ssyncset.done $0x0  }
0xbe: {  	s29 =	simm.s32 $0x4D10;
	[sflag:s16] =	ssyncadd.s32 $0xFFFFE000  }
0xbf: {  	[spmem:s1] =	stream.indirect.scatter.add.f32 [tilespmem:s15], [sflag:$0x9], $0x40, s29, s18, $0xb8;
	[tilespmem:$0x16A60] =	vst v63  }
0xc0: {  	_ =	swait.ge [sflag:s16], $0x2000  }
0xc1: {  	[sflag:s16] =	ssyncset.done $0x0  }
0xc2: {  	s31 =	simm.s32 $0x2680;
	[sflag:s16] =	ssyncadd.s32 $0xFFFFE000  }
0xc3: {  	[tilespmem:s15], [sflag:$0x9] =	stream.indirect.gather [hbm4b:s4+s18], $0x40, s31, s18, $0xb8;
	[tilespmem:$0x16A60] =	vst v63  }
0xc4: {  	_ =	swait.ge [sflag:s16], $0x2000  }
0xc5: {  	[sflag:s16] =	ssyncset.done $0x0  }
0xc6: {  	s29 =	simm.s32 $0x4D90;
	[sflag:s16] =	ssyncadd.s32 $0xFFFFE000  }
0xc7: {  	[spmem:s1] =	stream.indirect.scatter.add.f32 [tilespmem:s15], [sflag:$0x9], $0x40, s29, s18, $0xb8;
	[tilespmem:$0x16A60] =	vst v63  }
0xc8: {  	_ =	swait.ge [sflag:s16], $0x2000  }
0xc9: {  	[sflag:s16] =	ssyncset.done $0x0  }
0xca: {  	s31 =	simm.s32 $0x2700;
	[sflag:s16] =	ssyncadd.s32 $0xFFFFE000  }
0xcb: {  	[tilespmem:s15], [sflag:$0x9] =	stream.indirect.gather [hbm4b:s4+s26], $0x40, s31, s26, $0xb8;
	[tilespmem:$0x16A60] =	vst v63  }
0xcc: {  	_ =	swait.ge [sflag:s16], $0x400  }
0xcd: {  	[sflag:s16] =	ssyncset.done $0x0  }
0xce: {  	s29 =	simm.s32 $0x4E10;
	[sflag:s16] =	ssyncadd.s32 $0xFFFFFC00  }
0xcf: {  	[spmem:s1] =	stream.indirect.scatter.add.f32 [tilespmem:s15], [sflag:$0x9], $0x40, s29, s26, $0xb8;
	[tilespmem:$0x16A60] =	vst v63  }
0xd0: {  	_ =	swait.ge [sflag:s16], $0x400  }
0xd1: {  	s3 =	sadd.s32 $0x1, s3;
	s31 =	stileid.u32;
	[sflag:s16] =	ssyncset.done $0x0  }
0xd2: {  	p0 =	sne.s32 s3, s7;
	s20 =	sshll.u32 s31, $0x6;
	[sflag:s16] =	ssyncadd.s32 $0xFFFFFC00  }
.Ltmp2:
0xd3: {  	s20 =	sor.u32 $0x1C09, s20;
	[bflag:$0x0] =	sbarrier.arrive $0xFFFF;
	(pc) =	sbr.rel @p0 .LBB2_1-.Ltmp2, $4  }
0xd4: {  	[hbm:s6], [sflag:s20] =	dma.local [spmem:s25], $0x1388  }
0xd5: {  	_ =	swait.ge [sflag:s16], $0x1388  }
0xd6: {  	[sflag:s16] =	ssyncset.done $0x0  }
0xd7: {  	[sflag:s16] =	ssyncadd.s32 $0xFFFFEC78  }
0xd8: {  	_ =	sfence.sel $0x180000  }
0xd9: {  	[bflag:$0x0] =	sbarrier.arrive $0xFFFF  }
0xda: {  	_ =	strace $0x9000004A  }
0xdb: {  	s0 =	stileid.u32;
	[bflag:$0x2] =	sbarrier.arrive $0xFFFF  }
0xdc: {  	p0 =	sne.s32 s0, $0x0;
	s0 =	rddreg [dreg:$0x2]  }
0xdd: {  	s0 =	sadd.s32 @!p0 $0x100000, s0  }
0xde: {  	[sflag:s0] =	ssyncadd.tile.s32 @!p0 $0x1;
	_ =	shalt  }
.Lfunc_end2:
_tile_overlayer_lowered:
.L_overlay_start_2:
0xdf: {  	(tag) =	ssettag $0x2  }
0xe0: {  	s0 =	rddreg [dreg:$0x0];
	s2 =	stileid.u32  }
0xe1: {  	s1 =	rddreg [dreg:$0x1];
	p0 =	sne.s32 s2, $0x0  }
0xe2: {  	s3 =	rddreg [dreg:$0x2];
	[bflag:$0x3] =	sbarrier.arrive $0xFFFF;
	s2 =	simm.s32 @!p0 $0x1C09  }
0xe3: {  	[timem:s3], [sflag:s2] =	dma.local @!p0 [hbm:s0], s1  }
0xe4: {  	s0 =	simm.s32 @!p0 $0x9  }
0xe5: {  	_ =	swait.ge @!p0 [sflag:s0], s1  }
0xe6: {  	s1 =	ssub.s32 @!p0 $0x0, s1;
	[sflag:s0] =	ssyncset.done @!p0 $0x0  }
0xe7: {  	[sflag:s0] =	ssyncadd.s32 @!p0 s1  }
0xe8: {  	[bflag:$0x3] =	sbarrier.arrive $0xFFFF  }
0xe9: {  	_ =	shalt  }

// kernel: kernel.17.cloned.1.call-start
scs
__scs_entry_jumppad:
0x0: {  	(pc) =	sbr.rel $0x88, $3  }
0x1: {  	(tag) =	ssettag $0x0;
	lr =	simm.s32 $0x1  }
0x2: {  	[smem:$0x3F9B] =	sst lr;
	_ =	strace $0xD0000000  }
0x3: {  	_ = 	snop  }
0x4: {  	_ = 	snop  }
0x5: {  	_ = 	snop  }
0x6: {  	_ = 	snop  }
0x7: {  	_ = 	snop  }
__scs_overlays_trampoline_lowered:
0x8: {  	[smem:$0x3FAA] =	sst s0  }
0x9: {  	[smem:$0x3FAB] =	sst s1  }
0xa: {  	[smem:$0x3FAC] =	sst s2  }
0xb: {  	[smem:$0x3FAD] =	sst s3  }
0xc: {  	[smem:$0x3FAE] =	sst s4  }
0xd: {  	[smem:$0x3FAF] =	sst s5  }
0xe: {  	[smem:$0x3FB0] =	sst s6  }
0xf: {  	[smem:$0x3FB1] =	sst s7  }
0x10: {  	[smem:$0x3FB2] =	sst s8  }
0x11: {  	[smem:$0x3FB3] =	sst s9;
	s0 =	simm.s32 @!p0 $0x0  }
0x12: {  	s1 =	sld [smem:$0x3F99];
	s0 =	simm.s32 @p0 $0x1  }
0x13: {  	[smem:$0x3FB4] =	sst s0;
	s0 =	simm.s32 @!p1 $0x0  }
0x14: {  	s2 =	sld [smem:$0x3F98];
	s0 =	simm.s32 @p1 $0x1  }
0x15: {  	[smem:$0x3FB5] =	sst s0;
	s0 =	simm.s32 @!p2 $0x0  }
0x16: {  	s3 =	sld [smem:$0x3FDB];
	s0 =	simm.s32 @p2 $0x1  }
0x17: {  	s4 =	simm.s32 $0x1BF5;
	[smem:$0x3FB7] =	sst s0  }
0x18: {  	s0 =	sld [smem:$0x3F9A];
	_ =	swait.ge [sflag:s4], $0x0  }
0x19: {  	s7 =	sld [smem:$0x3F9B]  }
0x1a: {  	s8 =	sadd.s32 $0xFFFFE003, lr  }
0x1b: {  	s9 =	sadd.s32 $0xFFFFFEF7, lr;
	s5 =	simm.s32 $0xFFFFFFFF;
	p2 =	slt.u32 s8, $0xFFFFF086  }
0x1c: {  	p1 =	slt.u32 s9, $0xF7A;
	s5 =	simm.s32 @!p2 $0x0  }
0x1d: {  	s5 =	simm.s32 @p1 $0x1;
	p0 =	seq.s32 s7, s2  }
0x1e: {  	s7 =	smul.u32 @!p0 $0xF7A, s2;
	p2 =	seq.s32 @!p0 s5, $0x0  }
0x1f: {  	s9 =	smul.u32 $0xF7A, s1;
	s8 =	simm.s32 @!p0 $0x1BF5;
	p2 =	por !p2, p0  }
0x20: {  	[sflag:s8] =	ssyncset.s32 @!p0 $0xFFFFF086;
	s6 =	sadd.s32 @!p0 s3, s7;
	s7 =	simm.s32 @!p0 $0x108  }
0x21: {  	s3 =	sadd.s32 s3, s9;
	s6 =	sadd.s32 @!p0 $0x88, s6;
	s7 =	simm.s32 @p2 $0x1082  }
0x22: {  	[simem:s7], [sflag:s8] =	dma.local @!p0 [hbm:s6], $0xF7A  }
0x23: {  	s9 =	sor.u32 $0xD0000000, s2;
	s6 =	simm.s32 $0x108;
	_ =	swait.ge @!p0 [sflag:s8], $0x0  }
0x24: {  	s3 =	sadd.s32 $0x88, s3;
	s6 =	simm.s32 @!p1 $0x1082;
	[sflag:s4] =	ssyncset.s32 $0xFFFFF086  }
0x25: {  	[simem:s6], [sflag:s4] =	dma.local [hbm:s3], $0xF7A  }
0x26: {  	[smem:$0x3F9B] =	sst s1;
	(tag) =	ssettag s2;
	_ =	strace s9  }
0x27: {  	s1 =	sld [smem:$0x3FAB]  }
0x28: {  	s2 =	sld [smem:$0x3FAC]  }
0x29: {  	s4 =	sld [smem:$0x3FAE]  }
0x2a: {  	p0 =	seq.s32 s5, $0x0;
	s5 =	sld [smem:$0x3FAF]  }
0x2b: {  	s6 =	sld [smem:$0x3FB0]  }
0x2c: {  	s7 =	sld [smem:$0x3FB1]  }
0x2d: {  	s3 =	simm.s32 $0x108;
	s8 =	sld [smem:$0x3FB2]  }
0x2e: {  	s3 =	simm.s32 @!p0 $0x1082;
	s9 =	sld [smem:$0x3FB3]  }
0x2f: {  	lr =	sadd.s32 s0, s3;
	s0 =	sld [smem:$0x3FAA]  }
0x30: {  	s3 =	sld [smem:$0x3FAD]  }
0x31: {  	[smem:$0x3FB6] =	sst s10  }
0x32: {  	s10 =	sld [smem:$0x3FB4];
	_ =	sdelay $0x3  }
0x33: {  	p0 =	seq.s32 s10, $0x1;
	s10 =	sld [smem:$0x3FB6];
	_ =	sdelay $0x3  }
0x34: {  	[smem:$0x3FB6] =	sst s10  }
0x35: {  	s10 =	sld [smem:$0x3FB5];
	_ =	sdelay $0x3  }
0x36: {  	p1 =	seq.s32 s10, $0x1;
	s10 =	sld [smem:$0x3FB6];
	_ =	sdelay $0x3  }
0x37: {  	[smem:$0x3FB6] =	sst s10  }
0x38: {  	s10 =	sld [smem:$0x3FB7]  }
0x39: {  	_ = 	snop;
	(pc) =	sbr.ind lr, $3  }
0x3a: {  	_ = 	snop  }
0x3b: {  	_ = 	snop  }
0x3c: {  	p2 =	seq.s32 s10, $0x1;
	s10 =	sld [smem:$0x3FB6]  }
0x3d: {  	_ =	shalt  }
0x3e: {  	_ =	shalt  }
0x3f: {  	_ =	shalt  }
0x40: {  	_ =	shalt  }
0x41: {  	_ =	shalt  }
0x42: {  	_ =	shalt  }
0x43: {  	_ =	shalt  }
0x44: {  	_ =	shalt  }
0x45: {  	_ =	shalt  }
0x46: {  	_ =	shalt  }
0x47: {  	_ =	shalt  }
0x48: {  	_ =	shalt  }
0x49: {  	_ =	shalt  }
0x4a: {  	_ =	shalt  }
0x4b: {  	_ =	shalt  }
0x4c: {  	_ =	shalt  }
0x4d: {  	_ =	shalt  }
0x4e: {  	_ =	shalt  }
0x4f: {  	_ =	shalt  }
0x50: {  	_ =	shalt  }
0x51: {  	_ =	shalt  }
0x52: {  	_ =	shalt  }
0x53: {  	_ =	shalt  }
0x54: {  	_ =	shalt  }
0x55: {  	_ =	shalt  }
0x56: {  	_ =	shalt  }
0x57: {  	_ =	shalt  }
0x58: {  	_ =	shalt  }
0x59: {  	_ =	shalt  }
0x5a: {  	_ =	shalt  }
0x5b: {  	_ =	shalt  }
0x5c: {  	_ =	shalt  }
0x5d: {  	_ =	shalt  }
0x5e: {  	_ =	shalt  }
0x5f: {  	_ =	shalt  }
0x60: {  	_ =	shalt  }
0x61: {  	_ =	shalt  }
0x62: {  	_ =	shalt  }
0x63: {  	_ =	shalt  }
0x64: {  	_ =	shalt  }
0x65: {  	_ =	shalt  }
0x66: {  	_ =	shalt  }
0x67: {  	_ =	shalt  }
0x68: {  	_ =	shalt  }
0x69: {  	_ =	shalt  }
0x6a: {  	_ =	shalt  }
0x6b: {  	_ =	shalt  }
0x6c: {  	_ =	shalt  }
0x6d: {  	_ =	shalt  }
0x6e: {  	_ =	shalt  }
0x6f: {  	_ =	shalt  }
0x70: {  	_ =	shalt  }
0x71: {  	_ =	shalt  }
0x72: {  	_ =	shalt  }
0x73: {  	_ =	shalt  }
0x74: {  	_ =	shalt  }
0x75: {  	_ =	shalt  }
0x76: {  	_ =	shalt  }
0x77: {  	_ =	shalt  }
0x78: {  	_ =	shalt  }
0x79: {  	_ =	shalt  }
0x7a: {  	_ =	shalt  }
0x7b: {  	_ =	shalt  }
0x7c: {  	_ =	shalt  }
0x7d: {  	_ =	shalt  }
0x7e: {  	_ =	shalt  }
0x7f: {  	_ =	shalt  }
0x80: {  	_ =	shalt  }
0x81: {  	_ =	shalt  }
0x82: {  	_ =	shalt  }
0x83: {  	_ =	shalt  }
0x84: {  	_ =	shalt  }
0x85: {  	_ =	shalt  }
0x86: {  	_ =	shalt  }
0x87: {  	_ =	shalt  }
.Lfunc_end0:
.L_simem_size_0:
called_computation.2_lowered:
.L_overlay_start_0:
0x88: {  	s2 =	sld [smem:$0x3FD9]  }
0x89: {  	s3 =	sld [smem:$0x3FFE];
	_ =	sdelay $0x1  }
0x8a: {  	s1 =	srdreg.scid  }
0x8b: {  	s0 =	sand.u32 $0x1, s1  }
0x8c: {  	s17 =	sshll.u32 s0, $0xA;
	s2 =	sadd.s32 s3, s2  }
0x8d: {  	s2 =	sadd.s32 s2, s17  }
0x8e: {  	[smem:$0x3FC2] =	sst s2  }
0x8f: {  	_ = 	snop  }
0x90: {  	s2 =	sld [smem:$0x3FD0];
	(tm) =	ssettm $0x1  }
0x91: {  	s18 =	sld [smem:$0x3FFB];
	_ =	sdelay $0x3  }
0x92: {  	_ =	strace s18  }
0x93: {  	s3 =	sld [smem:$0x3FFC];
	_ =	sdelay $0x3  }
0x94: {  	_ =	strace s3  }
0x95: {  	s3 =	sld [smem:$0x3FFD];
	_ =	sdelay $0x3  }
0x96: {  	_ =	strace s3  }
0x97: {  	_ =	strace $0x8FFFFFFF  }
0x98: {  	s19 =	sld [smem:$0x3FDB];
	_ =	sdelay $0x1  }
0x99: {  	s4 =	simm.s32 $_scs_section_size  }
0x9a: {  	s5 =	simm.s32 $_size__tile_overlayer_lowered;
	s6 =	simm.s32 $_tile_overlayer_lowered  }
0x9b: {  	s22 =	simm.s32 $0x1BFF;
	s21 =	sshll.u32 s6, $0x1;
	s3 =	sadd.s32 s4, s19  }
0x9c: {  	s7 =	simm.s32 $0x0;
	s20 =	sshll.u32 s5, $0x1;
	s5 =	sadd.s32 s21, s3  }
0x9d: {  	[timem:s7], [sflag:s22] =	dma.local [hbm:s5], s20  }
0x9e: {  	_ =	swait.ge [sflag:s22], s20  }
0x9f: {  	s4 =	ssub.s32 $0x0, s20;
	[sflag:s22] =	ssyncset.done $0x0  }
0xa0: {  	[sflag:s22] =	ssyncadd.s32 s4;
	_ =	sdelay $0x1  }
0xa1: {  	s23 =	simm.s32 $0x1B8B  }
0xa2: {  	_ =	swait.ge [sflag:s23], $0x1  }
0xa3: {  	[sflag:s23] =	ssyncset.done $0x0  }
0xa4: {  	s25 =	simm.s32 $0x1B8E;
	s24 =	sld [smem:$0x3FFE];
	[sflag:s23] =	ssyncadd.s32 $0xFFFFFFFF  }
0xa5: {  	s26 =	simm.s32 $execute0_lowered;
	[smem:$0x3FD2] =	sst s25  }
0xa6: {  	s5 =	sshll.u32 s26, $0x1;
	_ =	strace $0x8000004C;
	[dreg:$0x1] =	wrdreg $0xFFFFFFFF  }
0xa7: {  	s28 =	simm.s32 $_size_execute0_lowered;
	s3 =	sadd.s32 s3, s5;
	[dreg:$0x0] =	wrdreg $0x0  }
0xa8: {  	s5 =	sshll.u32 s28, $0x1;
	[dreg:$0x2] =	wrdreg s3  }
0xa9: {  	[dreg:$0x3] =	wrdreg s5  }
0xaa: {  	[dreg:$0x4] =	wrdreg $0xC0  }
0xab: {  	_ =	task [dreg:s7], $0x5FFFF  }
0xac: {  	[dreg:$0x1] =	wrdreg $0xFFFFFFFF  }
0xad: {  	[dreg:$0x0] =	wrdreg $0x60  }
0xae: {  	[dreg:$0x2] =	wrdreg s2  }
0xaf: {  	[dreg:$0x3] =	wrdreg s24  }
0xb0: {  	[dreg:$0x4] =	wrdreg $0x9E200  }
0xb1: {  	[dreg:$0x5] =	wrdreg $0x9  }
0xb2: {  	_ =	task.clear_ibuf [dreg:s7], $0x6FFFF;
	_ =	strace $0x9000004C  }
0xb3: {  	s29 =	simm.s32 $0x9;
	_ =	strace $0x8000004E  }
0xb4: {  	_ =	swait.ge [sflag:s29], $0x1  }
0xb5: {  	[sflag:s29] =	ssyncadd.s32 $0xFFFFFFFF  }
0xb6: {  	_ =	strace $0x9000004E  }
0xb7: {  	_ =	sfence  }
0xb8: {  	s30 =	sld [smem:$0x0];
	_ =	sdelay $0x2  }
0xb9: {  	s31 =	sshll.u32 s1, $0xD;
	s1 =	sshrl.u32 s1, $0x2  }
0xba: {  	s3 =	sand.u32 $0x4000, s31;
	s1 =	sadd.s32 s1, s30  }
0xbb: {  	s0 =	sor.u32 s3, s0;
	s1 =	sshll.u32 s1, $0x11  }
0xbc: {  	s0 =	sor.u32 s1, s0  }
0xbd: {  	s0 =	sadd.s32 $0x8F2B, s0  }
0xbe: {  	[sflag:s0] =	ssyncadd.remote.s32 $0x1  }
0xbf: {  	_ =	sfence.sel $0xFFFF  }
0xc0: {  	[dreg:$0x0] =	wrdreg $0xFFFFFFFF;
	(pc) =	sbr.abs _section_cstart, $3  }
0xc1: {  	[dreg:$0x1] =	wrdreg $0xFFFFFFFF  }
0xc2: {  	_ =	task.clear_ibuf [dreg:s7], $0x2FFFF;
	_ =	strace $0x9FFFFFFF  }
0xc3: {  	(tm) =	ssettm $0x7FFFFFFF  }
tec
execute0_lowered:
.L_overlay_start_1:
0x0: {  	(tag) =	ssettag $0x1  }
0x1: {  	s1 =	rddreg [dreg:$0x0]  }
0x2: {  	s0 =	rddreg [dreg:$0x1]  }
0x3: {  	s2 =	rddreg [dreg:$0x2];
	s3 =	srdreg.scid;
	s5 =	simm.s32 $0x0  }
0x4: {  	s8 =	stileid.u32;
	s13 =	simm.s32 $0x2710;
	s15 =	simm.s32 $0x4E20  }
0x5: {  	s16 =	simm.s32 $0x9;
	s17 =	simm.s32 $0x1;
	s18 =	simm.s32 $0x80  }
0x6: {  	s19 =	simm.s32 $0x6220;
	s21 =	simm.s32 $0x7620;
	s23 =	simm.s32 $0x8A20  }
0x7: {  	s24 =	simm.s32 $0x2;
	s28 =	simm.s32 $0x5;
	s30 =	simm.s32 $0x3  }
0x8: {  	s14 =	simm.s32 $0x4;
	s3 =	sand.u32 $0x1, s3;
	s7 =	smul.u32 $0x61A8, s8  }
0x9: {  	s22 =	simm.s32 $0x7;
	[smem:$0x7FF] =	sst s5;
	s4 =	smul.u32 $0x61A80, s3  }
0xa: {  	s26 =	sshll.u32 s3, $0x4;
	_ =	strace $0x8000004D;
	s3 =	ssub.s32 $0x2, s3  }
0xb: {  	s5 =	sor.u32 s8, s26;
	s6 =	sshrl.u32 s3, $0x1;
	s8 =	smul.u32 $0x186A0, s8  }
0xc: {  	s31 =	sadd.s32 s7, s2;
	s26 =	simm.s32 $0x10;
	s5 =	smul.u32 $0x4E2, s5  }
0xd: {  	s4 =	sadd.s32 s7, s4;
	s3 =	ssub.s32 s3, s6;
	s25 =	sshrl.u32 s31, $0x3  }
0xe: {  	s4 =	sshrl.u32 s4, $0x3;
	s29 =	sshrl.u32 s8, $0x2;
	s7 =	smax.u32 s3, $0x1  }
0xf: {  	s3 =	simm.s32 $0x8;
	s5 =	sadd.s32 s5, s0;
	s0 =	sadd.s32 s4, s0  }
0x10: {  	s8 =	sadd.s32 s29, s2;
	s4 =	simm.s32 $0x0;
	s5 =	sadd.s32 $0x1E00, s5  }
0x11: {  	s6 =	sadd.s32 $0x15800, s0;
	s9 =	sadd.s32 $0x1388, s8;
	s10 =	sadd.s32 $0x2710, s8  }
0x12: {  	v0 =	vimm.f32 $0.0e+00;
	s11 =	sadd.s32 $0x3A98, s8;
	s12 =	sadd.s32 $0x4E20, s8;
	s0 =	simm.s32 $0x6  }
.LBB2_1:
0x13: {  	s20 =	simm.s32 $0x0;
	s29 =	simm.s32 $0x4E200  }
0x14: {  	[tilespmem:s20], [sflag:$0x1] =	stream.strided.gather [hbm4b:s5+s13], $0x4E20, s29, s13, $0x38;
	[tilespmem:$0xFFC8] =	vst v63  }
0x15: {  	s29 =	simm.s32 $0x0  }
0x16: {  	s20 =	simm.s32 $0xA0;
	[tilespmem:s29+$0x4E30] =	vst v0  }
.LBB2_2:
0x17: {  	p0 =	sne.s32 s20, $0x4F60;
	[tilespmem:s29+$0x4E38] =	vst v0;
	s31 =	smov.u32 s20;
	s20 =	sadd.s32 $0xA0, s20  }
.Ltmp0:
0x18: {  	[tilespmem:s29+$0x4E20] =	vst v0;
	(pc) =	sbr.rel @p0 .LBB2_2-.Ltmp0, $3  }
0x19: {  	_ =	sdelay $0x1  }
0x1a: {  	s29 =	sshra.s32 s31, $0x2  }
0x1b: {  	[tilespmem:s29+$0x4E30] =	vst v0  }
0x1c: {  	[tilespmem:s29+$0x4E38] =	vst v0  }
0x1d: {  	[tilespmem:s29+$0x4E20] =	vst v0  }
0x1e: {  	[spmem:s8] =	stream.linear.scatter [tilespmem:s15], [sflag:$0x9], $0x1388, $0x38;
	[tilespmem:$0xFFC8] =	vst v63  }
0x1f: {  	_ =	swait.ge [sflag:s16], $0x1388  }
0x20: {  	[sflag:s16] =	ssyncset.done $0x0  }
0x21: {  	[sflag:s16] =	ssyncadd.s32 $0xFFFFEC78  }
0x22: {  	[spmem:s9] =	stream.linear.scatter [tilespmem:s15], [sflag:$0x9], $0x1388, $0x38;
	[tilespmem:$0xFFC8] =	vst v63  }
0x23: {  	_ =	swait.ge [sflag:s16], $0x1388  }
0x24: {  	[sflag:s16] =	ssyncset.done $0x0  }
0x25: {  	[sflag:s16] =	ssyncadd.s32 $0xFFFFEC78  }
0x26: {  	[spmem:s10] =	stream.linear.scatter [tilespmem:s15], [sflag:$0x9], $0x1388, $0x38;
	[tilespmem:$0xFFC8] =	vst v63  }
0x27: {  	_ =	swait.ge [sflag:s16], $0x1388  }
0x28: {  	[sflag:s16] =	ssyncset.done $0x0  }
0x29: {  	[sflag:s16] =	ssyncadd.s32 $0xFFFFEC78  }
0x2a: {  	[spmem:s11] =	stream.linear.scatter [tilespmem:s15], [sflag:$0x9], $0x1388, $0x38;
	[tilespmem:$0xFFC8] =	vst v63  }
0x2b: {  	_ =	swait.ge [sflag:s16], $0x1388  }
0x2c: {  	[sflag:s16] =	ssyncset.done $0x0  }
0x2d: {  	[sflag:s16] =	ssyncadd.s32 $0xFFFFEC78  }
0x2e: {  	[spmem:s12] =	stream.linear.scatter [tilespmem:s15], [sflag:$0x9], $0x1388, $0x38;
	[tilespmem:$0xFFC8] =	vst v63  }
0x2f: {  	_ =	swait.ge [sflag:s16], $0x1388  }
0x30: {  	[sflag:s16] =	ssyncset.done $0x0  }
0x31: {  	[sflag:s16] =	ssyncadd.s32 $0xFFFFEC78  }
0x32: {  	_ =	swait.ge [sflag:s17], $0x4E20  }
0x33: {  	[sflag:s17] =	ssyncset.done $0x0  }
0x34: {  	[sflag:s17] =	ssyncadd.s32 $0xFFFFB1E0  }
0x35: {  	s20 =	simm.s32 $0x0;
	[bflag:$0x0] =	sbarrier.arrive $0xFFFF  }
0x36: {  	[tilespmem:s15], [sflag:$0x1] =	stream.indirect.gather [hbm4b:s1+s18], $0x28, s20, s18, $0xb8;
	[tilespmem:$0xFFC8] =	vst v63  }
0x37: {  	_ = 	snop  }
0x38: {  	[tilespmem:s19], [sflag:$0x2] =	stream.indirect.gather [hbm4b:s1+s18], $0x28, s18, s18, $0xb8;
	[tilespmem:$0xFFC8] =	vst v63  }
0x39: {  	s31 =	simm.s32 $0x100  }
0x3a: {  	[tilespmem:s21], [sflag:$0x3] =	stream.indirect.gather [hbm4b:s1+s18], $0x28, s31, s18, $0xb8;
	[tilespmem:$0xFFC8] =	vst v63  }
0x3b: {  	_ =	swait.ge [sflag:s17], $0x1400  }
0x3c: {  	[sflag:s17] =	ssyncset.done $0x0  }
0x3d: {  	[sflag:s17] =	ssyncadd.s32 $0xFFFFEC00  }
0x3e: {  	[spmem:s2] =	stream.indirect.scatter.add.f32 [tilespmem:s15], [sflag:$0x5], $0x28, s13, s18, $0xb8;
	[tilespmem:$0xFFC8] =	vst v63  }
0x3f: {  	s31 =	simm.s32 $0x180  }
0x40: {  	[tilespmem:s23], [sflag:$0x4] =	stream.indirect.gather [hbm4b:s1+s18], $0x28, s31, s18, $0xb8;
	[tilespmem:$0xFFC8] =	vst v63  }
0x41: {  	_ =	swait.ge [sflag:s24], $0x1400  }
0x42: {  	[sflag:s24] =	ssyncset.done $0x0  }
0x43: {  	s31 =	simm.s32 $0x2790;
	[sflag:s24] =	ssyncadd.s32 $0xFFFFEC00  }
0x44: {  	[spmem:s2] =	stream.indirect.scatter.add.f32 [tilespmem:s19], [sflag:$0x6], $0x28, s31, s18, $0xb8;
	[tilespmem:$0xFFC8] =	vst v63  }
0x45: {  	_ =	swait.ge [sflag:s28], $0x1400  }
0x46: {  	[sflag:s28] =	ssyncset.done $0x0  }
0x47: {  	s31 =	simm.s32 $0x200;
	[sflag:s28] =	ssyncadd.s32 $0xFFFFEC00  }
0x48: {  	[tilespmem:s15], [sflag:$0x1] =	stream.indirect.gather [hbm4b:s1+s18], $0x28, s31, s18, $0xb8;
	[tilespmem:$0xFFC8] =	vst v63  }
0x49: {  	_ =	swait.ge [sflag:s30], $0x1400  }
0x4a: {  	[sflag:s30] =	ssyncset.done $0x0  }
0x4b: {  	s31 =	simm.s32 $0x2810;
	[sflag:s30] =	ssyncadd.s32 $0xFFFFEC00  }
0x4c: {  	[spmem:s2] =	stream.indirect.scatter.add.f32 [tilespmem:s21], [sflag:$0x7], $0x28, s31, s18, $0xb8;
	[tilespmem:$0xFFC8] =	vst v63  }
0x4d: {  	_ =	swait.ge [sflag:s0], $0x1400  }
0x4e: {  	[sflag:s0] =	ssyncset.done $0x0  }
0x4f: {  	s31 =	simm.s32 $0x280;
	[sflag:s0] =	ssyncadd.s32 $0xFFFFEC00  }
0x50: {  	[tilespmem:s19], [sflag:$0x2] =	stream.indirect.gather [hbm4b:s1+s18], $0x28, s31, s18, $0xb8;
	[tilespmem:$0xFFC8] =	vst v63  }
0x51: {  	_ =	swait.ge [sflag:s14], $0x1400  }
0x52: {  	[sflag:s14] =	ssyncset.done $0x0  }
0x53: {  	s31 =	simm.s32 $0x2890;
	[sflag:s14] =	ssyncadd.s32 $0xFFFFEC00  }
0x54: {  	[spmem:s2] =	stream.indirect.scatter.add.f32 [tilespmem:s23], [sflag:$0x8], $0x28, s31, s18, $0xb8;
	[tilespmem:$0xFFC8] =	vst v63  }
0x55: {  	_ =	swait.ge [sflag:s22], $0x1400  }
0x56: {  	[sflag:s22] =	ssyncset.done $0x0  }
0x57: {  	s31 =	simm.s32 $0x300;
	[sflag:s22] =	ssyncadd.s32 $0xFFFFEC00  }
0x58: {  	[tilespmem:s21], [sflag:$0x3] =	stream.indirect.gather [hbm4b:s1+s18], $0x28, s31, s18, $0xb8;
	[tilespmem:$0xFFC8] =	vst v63  }
0x59: {  	_ =	swait.ge [sflag:s17], $0x1400  }
0x5a: {  	[sflag:s17] =	ssyncset.done $0x0  }
0x5b: {  	s31 =	simm.s32 $0x2910;
	[sflag:s17] =	ssyncadd.s32 $0xFFFFEC00  }
0x5c: {  	[spmem:s2] =	stream.indirect.scatter.add.f32 [tilespmem:s15], [sflag:$0x5], $0x28, s31, s18, $0xb8;
	[tilespmem:$0xFFC8] =	vst v63  }
0x5d: {  	_ =	swait.ge [sflag:s3], $0x1400  }
0x5e: {  	[sflag:s3] =	ssyncset.done $0x0  }
0x5f: {  	s31 =	simm.s32 $0x380;
	[sflag:s3] =	ssyncadd.s32 $0xFFFFEC00  }
0x60: {  	[tilespmem:s23], [sflag:$0x4] =	stream.indirect.gather [hbm4b:s1+s18], $0x28, s31, s18, $0xb8;
	[tilespmem:$0xFFC8] =	vst v63  }
0x61: {  	_ =	swait.ge [sflag:s24], $0x1400  }
0x62: {  	[sflag:s24] =	ssyncset.done $0x0  }
0x63: {  	s31 =	simm.s32 $0x2990;
	[sflag:s24] =	ssyncadd.s32 $0xFFFFEC00  }
0x64: {  	[spmem:s2] =	stream.indirect.scatter.add.f32 [tilespmem:s19], [sflag:$0x6], $0x28, s31, s18, $0xb8;
	[tilespmem:$0xFFC8] =	vst v63  }
0x65: {  	_ =	swait.ge [sflag:s28], $0x1400  }
0x66: {  	[sflag:s28] =	ssyncset.done $0x0  }
0x67: {  	s31 =	simm.s32 $0x400;
	[sflag:s28] =	ssyncadd.s32 $0xFFFFEC00  }
0x68: {  	[tilespmem:s15], [sflag:$0x1] =	stream.indirect.gather [hbm4b:s1+s18], $0x28, s31, s18, $0xb8;
	[tilespmem:$0xFFC8] =	vst v63  }
0x69: {  	_ =	swait.ge [sflag:s30], $0x1400  }
0x6a: {  	[sflag:s30] =	ssyncset.done $0x0  }
0x6b: {  	s31 =	simm.s32 $0x2A10;
	[sflag:s30] =	ssyncadd.s32 $0xFFFFEC00  }
0x6c: {  	[spmem:s2] =	stream.indirect.scatter.add.f32 [tilespmem:s21], [sflag:$0x7], $0x28, s31, s18, $0xb8;
	[tilespmem:$0xFFC8] =	vst v63  }
0x6d: {  	_ =	swait.ge [sflag:s0], $0x1400  }
0x6e: {  	[sflag:s0] =	ssyncset.done $0x0  }
0x6f: {  	s31 =	simm.s32 $0x480;
	[sflag:s0] =	ssyncadd.s32 $0xFFFFEC00  }
0x70: {  	[tilespmem:s19], [sflag:$0x2] =	stream.indirect.gather [hbm4b:s1+s18], $0x28, s31, s18, $0xb8;
	[tilespmem:$0xFFC8] =	vst v63  }
0x71: {  	_ =	swait.ge [sflag:s14], $0x1400  }
0x72: {  	[sflag:s14] =	ssyncset.done $0x0  }
0x73: {  	s29 =	simm.s32 $0x2A90;
	s20 =	simm.s32 $0x800;
	[sflag:s14] =	ssyncadd.s32 $0xFFFFEC00  }
.LBB2_4:
0x74: {  	[spmem:s2] =	stream.indirect.scatter.add.f32 [tilespmem:s23], [sflag:$0x8], $0x28, s29, s18, $0xb8;
	[tilespmem:$0xFFC8] =	vst v63  }
0x75: {  	s29 =	smov.u32 s20  }
0x76: {  	p0 =	sne.s32 s20, $0x8000;
	s20 =	sadd.s32 $0x800, s20;
	_ =	swait.ge [sflag:s22], $0x1400  }
0x77: {  	s29 =	sshra.s32 s29, $0x2;
	[sflag:s22] =	ssyncset.done $0x0  }
0x78: {  	s31 =	sadd.s32 $0x300, s29;
	[sflag:s22] =	ssyncadd.s32 $0xFFFFEC00  }
0x79: {  	[tilespmem:s21], [sflag:$0x3] =	stream.indirect.gather [hbm4b:s1+s18], $0x28, s31, s18, $0xb8;
	[tilespmem:$0xFFC8] =	vst v63  }
0x7a: {  	_ =	swait.ge [sflag:s17], $0x1400  }
0x7b: {  	[sflag:s17] =	ssyncset.done $0x0  }
0x7c: {  	s31 =	sadd.s32 $0x2910, s29;
	[sflag:s17] =	ssyncadd.s32 $0xFFFFEC00  }
0x7d: {  	[spmem:s2] =	stream.indirect.scatter.add.f32 [tilespmem:s15], [sflag:$0x5], $0x28, s31, s18, $0xb8;
	[tilespmem:$0xFFC8] =	vst v63  }
0x7e: {  	_ =	swait.ge [sflag:s3], $0x1400  }
0x7f: {  	[sflag:s3] =	ssyncset.done $0x0  }
0x80: {  	s31 =	sadd.s32 $0x380, s29;
	[sflag:s3] =	ssyncadd.s32 $0xFFFFEC00  }
0x81: {  	[tilespmem:s23], [sflag:$0x4] =	stream.indirect.gather [hbm4b:s1+s18], $0x28, s31, s18, $0xb8;
	[tilespmem:$0xFFC8] =	vst v63  }
0x82: {  	_ =	swait.ge [sflag:s24], $0x1400  }
0x83: {  	[sflag:s24] =	ssyncset.done $0x0  }
0x84: {  	s31 =	sadd.s32 $0x2990, s29;
	[sflag:s24] =	ssyncadd.s32 $0xFFFFEC00  }
0x85: {  	[spmem:s2] =	stream.indirect.scatter.add.f32 [tilespmem:s19], [sflag:$0x6], $0x28, s31, s18, $0xb8;
	[tilespmem:$0xFFC8] =	vst v63  }
0x86: {  	_ =	swait.ge [sflag:s28], $0x1400  }
0x87: {  	[sflag:s28] =	ssyncset.done $0x0  }
0x88: {  	s31 =	sadd.s32 $0x400, s29;
	[sflag:s28] =	ssyncadd.s32 $0xFFFFEC00  }
0x89: {  	[tilespmem:s15], [sflag:$0x1] =	stream.indirect.gather [hbm4b:s1+s18], $0x28, s31, s18, $0xb8;
	[tilespmem:$0xFFC8] =	vst v63  }
0x8a: {  	_ =	swait.ge [sflag:s30], $0x1400  }
0x8b: {  	[sflag:s30] =	ssyncset.done $0x0  }
0x8c: {  	s31 =	sadd.s32 $0x2A10, s29;
	[sflag:s30] =	ssyncadd.s32 $0xFFFFEC00  }
0x8d: {  	[spmem:s2] =	stream.indirect.scatter.add.f32 [tilespmem:s21], [sflag:$0x7], $0x28, s31, s18, $0xb8;
	[tilespmem:$0xFFC8] =	vst v63  }
0x8e: {  	_ =	swait.ge [sflag:s0], $0x1400  }
0x8f: {  	[sflag:s0] =	ssyncset.done $0x0  }
.Ltmp1:
0x90: {  	s31 =	sadd.s32 $0x480, s29;
	[sflag:s0] =	ssyncadd.s32 $0xFFFFEC00;
	(pc) =	sbr.rel @p0 .LBB2_4-.Ltmp1, $4  }
0x91: {  	[tilespmem:s19], [sflag:$0x2] =	stream.indirect.gather [hbm4b:s1+s18], $0x28, s31, s18, $0xb8;
	[tilespmem:$0xFFC8] =	vst v63  }
0x92: {  	_ =	swait.ge [sflag:s14], $0x1400  }
0x93: {  	[sflag:s14] =	ssyncset.done $0x0  }
0x94: {  	s29 =	sadd.s32 $0x2A90, s29;
	[sflag:s14] =	ssyncadd.s32 $0xFFFFEC00  }
0x95: {  	[spmem:s2] =	stream.indirect.scatter.add.f32 [tilespmem:s23], [sflag:$0x8], $0x28, s29, s18, $0xb8;
	[tilespmem:$0xFFC8] =	vst v63  }
0x96: {  	_ =	swait.ge [sflag:s22], $0x1400  }
0x97: {  	[sflag:s22] =	ssyncset.done $0x0  }
0x98: {  	s20 =	simm.s32 $0x2500;
	[sflag:s22] =	ssyncadd.s32 $0xFFFFEC00  }
0x99: {  	[tilespmem:s21], [sflag:$0x3] =	stream.indirect.gather [hbm4b:s1+s18], $0x28, s20, s18, $0xb8;
	[tilespmem:$0xFFC8] =	vst v63  }
0x9a: {  	_ =	swait.ge [sflag:s17], $0x1400  }
0x9b: {  	[sflag:s17] =	ssyncset.done $0x0  }
0x9c: {  	s29 =	simm.s32 $0x4B10;
	[sflag:s17] =	ssyncadd.s32 $0xFFFFEC00  }
0x9d: {  	[spmem:s2] =	stream.indirect.scatter.add.f32 [tilespmem:s15], [sflag:$0x5], $0x28, s29, s18, $0xb8;
	[tilespmem:$0xFFC8] =	vst v63  }
0x9e: {  	_ =	swait.ge [sflag:s3], $0x1400  }
0x9f: {  	[sflag:s3] =	ssyncset.done $0x0  }
0xa0: {  	s31 =	simm.s32 $0x2580;
	[sflag:s3] =	ssyncadd.s32 $0xFFFFEC00  }
0xa1: {  	[tilespmem:s23], [sflag:$0x4] =	stream.indirect.gather [hbm4b:s1+s18], $0x28, s31, s18, $0xb8;
	[tilespmem:$0xFFC8] =	vst v63  }
0xa2: {  	_ =	swait.ge [sflag:s24], $0x1400  }
0xa3: {  	[sflag:s24] =	ssyncset.done $0x0  }
0xa4: {  	s29 =	simm.s32 $0x4B90;
	[sflag:s24] =	ssyncadd.s32 $0xFFFFEC00  }
0xa5: {  	[spmem:s2] =	stream.indirect.scatter.add.f32 [tilespmem:s19], [sflag:$0x6], $0x28, s29, s18, $0xb8;
	[tilespmem:$0xFFC8] =	vst v63  }
0xa6: {  	_ =	swait.ge [sflag:s28], $0x1400  }
0xa7: {  	[sflag:s28] =	ssyncset.done $0x0  }
0xa8: {  	[sflag:s28] =	ssyncadd.s32 $0xFFFFEC00  }
0xa9: {  	_ =	swait.ge [sflag:s30], $0x1400  }
0xaa: {  	[sflag:s30] =	ssyncset.done $0x0  }
0xab: {  	s31 =	simm.s32 $0x4C10;
	[sflag:s30] =	ssyncadd.s32 $0xFFFFEC00  }
0xac: {  	[spmem:s2] =	stream.indirect.scatter.add.f32 [tilespmem:s21], [sflag:$0x7], $0x28, s31, s18, $0xb8;
	[tilespmem:$0xFFC8] =	vst v63  }
0xad: {  	_ =	swait.ge [sflag:s0], $0x1400  }
0xae: {  	[sflag:s0] =	ssyncset.done $0x0  }
0xaf: {  	[sflag:s0] =	ssyncadd.s32 $0xFFFFEC00  }
0xb0: {  	_ =	swait.ge [sflag:s14], $0x1400  }
0xb1: {  	[sflag:s14] =	ssyncset.done $0x0  }
0xb2: {  	s29 =	simm.s32 $0x4C90;
	[sflag:s14] =	ssyncadd.s32 $0xFFFFEC00  }
0xb3: {  	[spmem:s2] =	stream.indirect.scatter.add.f32 [tilespmem:s23], [sflag:$0x8], $0x28, s29, s18, $0xb8;
	[tilespmem:$0xFFC8] =	vst v63  }
0xb4: {  	_ =	swait.ge [sflag:s22], $0x1400  }
0xb5: {  	[sflag:s22] =	ssyncset.done $0x0  }
0xb6: {  	[sflag:s22] =	ssyncadd.s32 $0xFFFFEC00  }
0xb7: {  	_ =	swait.ge [sflag:s3], $0x1400  }
0xb8: {  	[sflag:s3] =	ssyncset.done $0x0  }
0xb9: {  	s31 =	simm.s32 $0x2600;
	[sflag:s3] =	ssyncadd.s32 $0xFFFFEC00  }
0xba: {  	[tilespmem:s15], [sflag:$0x9] =	stream.indirect.gather [hbm4b:s1+s18], $0x28, s31, s18, $0xb8;
	[tilespmem:$0xFFC8] =	vst v63  }
0xbb: {  	_ =	swait.ge [sflag:s16], $0x1400  }
0xbc: {  	[sflag:s16] =	ssyncset.done $0x0  }
0xbd: {  	s29 =	simm.s32 $0x4D10;
	[sflag:s16] =	ssyncadd.s32 $0xFFFFEC00  }
0xbe: {  	[spmem:s2] =	stream.indirect.scatter.add.f32 [tilespmem:s15], [sflag:$0x9], $0x28, s29, s18, $0xb8;
	[tilespmem:$0xFFC8] =	vst v63  }
0xbf: {  	_ =	swait.ge [sflag:s16], $0x1400  }
0xc0: {  	[sflag:s16] =	ssyncset.done $0x0  }
0xc1: {  	s31 =	simm.s32 $0x2680;
	[sflag:s16] =	ssyncadd.s32 $0xFFFFEC00  }
0xc2: {  	[tilespmem:s15], [sflag:$0x9] =	stream.indirect.gather [hbm4b:s1+s18], $0x28, s31, s18, $0xb8;
	[tilespmem:$0xFFC8] =	vst v63  }
0xc3: {  	_ =	swait.ge [sflag:s16], $0x1400  }
0xc4: {  	[sflag:s16] =	ssyncset.done $0x0  }
0xc5: {  	s29 =	simm.s32 $0x4D90;
	[sflag:s16] =	ssyncadd.s32 $0xFFFFEC00  }
0xc6: {  	[spmem:s2] =	stream.indirect.scatter.add.f32 [tilespmem:s15], [sflag:$0x9], $0x28, s29, s18, $0xb8;
	[tilespmem:$0xFFC8] =	vst v63  }
0xc7: {  	_ =	swait.ge [sflag:s16], $0x1400  }
0xc8: {  	[sflag:s16] =	ssyncset.done $0x0  }
0xc9: {  	s31 =	simm.s32 $0x2700;
	[sflag:s16] =	ssyncadd.s32 $0xFFFFEC00  }
0xca: {  	[tilespmem:s15], [sflag:$0x9] =	stream.indirect.gather [hbm4b:s1+s26], $0x28, s31, s26, $0xb8;
	[tilespmem:$0xFFC8] =	vst v63  }
0xcb: {  	_ =	swait.ge [sflag:s16], $0x280  }
0xcc: {  	[sflag:s16] =	ssyncset.done $0x0  }
0xcd: {  	s29 =	simm.s32 $0x4E10;
	[sflag:s16] =	ssyncadd.s32 $0xFFFFFD80  }
0xce: {  	[spmem:s2] =	stream.indirect.scatter.add.f32 [tilespmem:s15], [sflag:$0x9], $0x28, s29, s26, $0xb8;
	[tilespmem:$0xFFC8] =	vst v63  }
0xcf: {  	_ =	swait.ge [sflag:s16], $0x280  }
0xd0: {  	s4 =	sadd.s32 $0x1, s4;
	s31 =	stileid.u32;
	[sflag:s16] =	ssyncset.done $0x0  }
0xd1: {  	p0 =	sne.s32 s4, s7;
	s20 =	sshll.u32 s31, $0x6;
	[sflag:s16] =	ssyncadd.s32 $0xFFFFFD80  }
.Ltmp2:
0xd2: {  	s20 =	sor.u32 $0x1C09, s20;
	[bflag:$0x0] =	sbarrier.arrive $0xFFFF;
	(pc) =	sbr.rel @p0 .LBB2_1-.Ltmp2, $4  }
0xd3: {  	[hbm:s6], [sflag:s20] =	dma.local [spmem:s25], $0xC35  }
0xd4: {  	_ =	swait.ge [sflag:s16], $0xC35  }
0xd5: {  	[sflag:s16] =	ssyncset.done $0x0  }
0xd6: {  	[sflag:s16] =	ssyncadd.s32 $0xFFFFF3CB  }
0xd7: {  	_ =	sfence.sel $0x180000  }
0xd8: {  	[bflag:$0x0] =	sbarrier.arrive $0xFFFF  }
0xd9: {  	_ =	strace $0x9000004D  }
0xda: {  	s0 =	stileid.u32;
	[bflag:$0x2] =	sbarrier.arrive $0xFFFF  }
0xdb: {  	p0 =	sne.s32 s0, $0x0;
	s0 =	rddreg [dreg:$0x3]  }
0xdc: {  	s0 =	sadd.s32 @!p0 $0x100000, s0  }
0xdd: {  	[sflag:s0] =	ssyncadd.tile.s32 @!p0 $0x1;
	_ =	shalt  }
.Lfunc_end2:
_tile_overlayer_lowered:
.L_overlay_start_2:
0xde: {  	(tag) =	ssettag $0x2  }
0xdf: {  	s0 =	rddreg [dreg:$0x0];
	s2 =	stileid.u32  }
0xe0: {  	s1 =	rddreg [dreg:$0x1];
	p0 =	sne.s32 s2, $0x0  }
0xe1: {  	s3 =	rddreg [dreg:$0x2];
	[bflag:$0x3] =	sbarrier.arrive $0xFFFF;
	s2 =	simm.s32 @!p0 $0x1C09  }
0xe2: {  	[timem:s3], [sflag:s2] =	dma.local @!p0 [hbm:s0], s1  }
0xe3: {  	s0 =	simm.s32 @!p0 $0x9  }
0xe4: {  	_ =	swait.ge @!p0 [sflag:s0], s1  }
0xe5: {  	s1 =	ssub.s32 @!p0 $0x0, s1;
	[sflag:s0] =	ssyncset.done @!p0 $0x0  }
0xe6: {  	[sflag:s0] =	ssyncadd.s32 @!p0 s1  }
0xe7: {  	[bflag:$0x3] =	sbarrier.arrive $0xFFFF  }
0xe8: {  	_ =	shalt  }

</sc_bundles>
